<compile_context>
chip_gen: v7x
topology: tpu7x:2x2x1
jax: 0.10.2.dev20260603
libtpu: 0.0.44.dev20260713+nightly
codegen_flags: <defaults>
</compile_context>

<pallas_src>
import functools

import jax
import jax.numpy as jnp
from jax import lax
from jax.experimental import pallas as pl
from jax.experimental.pallas import tpu as pltpu
from jax.experimental.pallas import tpu_sc as plsc

_BS = 4
_CB = 8


def _l2n(x):
    eps = jnp.float32(1e-12)
    denom = jnp.maximum(jnp.sqrt(jnp.sum(x * x, axis=-1, keepdims=True)), eps)
    return x * (jnp.float32(1.0) / denom)


def _argmin_kernel(img_ref, txt_ref, idx_ref, *, base):
    pid = pl.program_id(0)
    for s in range(_BS):
        img = img_ref[s]
        txt = txt_ref[s]
        n_img = img.shape[0]
        n_txt = txt.shape[0]

        img_n = _l2n(img)
        txt_n = _l2n(txt)

        sim = lax.dot_general(
            img_n, txt_n, (((1,), (1,)), ((), ())),
            preferred_element_type=jnp.float32)

        row_max = jnp.max(sim, axis=1, keepdims=True)
        colf = lax.broadcasted_iota(
            jnp.int32, (n_img, n_txt), 1).astype(jnp.float32)
        idxf = jnp.min(jnp.where(sim == row_max, colf, jnp.float32(n_txt)),
                       axis=1, keepdims=True)
        one_hot = (colf == idxf).astype(jnp.float32)

        col_row = lax.broadcasted_iota(
            jnp.int32, (1, n_txt), 1).astype(jnp.float32)
        idx_row = lax.dot_general(
            col_row, one_hot, (((1,), (1,)), ((), ())),
            preferred_element_type=jnp.float32)
        gidx = idx_row.astype(jnp.int32) + (base + pid * _BS + s) * n_txt
        idx_ref[0, 0, pl.ds(s * n_img, n_img)] = gidx[0]


def _tc_argmin_chunk(img_feat, text_feat, k):
    B, N_img, C = img_feat.shape
    _, N_txt, _ = text_feat.shape
    steps = _CB // _BS
    idx = pl.pallas_call(
        functools.partial(_argmin_kernel, base=k * _CB),
        grid=(steps,),
        in_specs=[
            pl.BlockSpec((_BS, N_img, C),
                         lambda b, k=k: (k * steps + b, 0, 0)),
            pl.BlockSpec((_BS, N_txt, C),
                         lambda b, k=k: (k * steps + b, 0, 0)),
        ],
        out_specs=pl.BlockSpec((1, 1, _BS * N_img), lambda b: (b, 0, 0)),
        out_shape=jax.ShapeDtypeStruct((steps, 1, _BS * N_img), jnp.int32),
    )(img_feat, text_feat)
    return idx.reshape(_CB * N_img)


def _sc_gather(table, idx, n_rows, C):
    NC, NS = 2, 16
    NW = NC * NS
    rpw = n_rows // NW
    nch = rpw // 128
    idx3 = idx.reshape(NW, nch, 128)
    mesh = plsc.VectorSubcoreMesh(core_axis_name="c", subcore_axis_name="s")

    @functools.partial(
        pl.kernel,
        out_type=jax.ShapeDtypeStruct((n_rows, C), jnp.float32),
        mesh=mesh,
        scratch_types=[
            pltpu.VMEM((nch, 128), jnp.int32),
            pltpu.VMEM((rpw, C), jnp.float32),
            pltpu.SemaphoreType.DMA,
        ],
        compiler_params=pltpu.CompilerParams(use_tc_tiling_on_sc=False),
    )
    def gather_k(table_hbm, idx_hbm, out_hbm, idx_v, rows_v, sem):
        wid = lax.axis_index("s") * NC + lax.axis_index("c")
        pltpu.sync_copy(idx_hbm.at[wid], idx_v)
        copies = [
            pltpu.async_copy(
                table_hbm.at[idx_v.at[j]],
                rows_v.at[pl.ds(j * 128, 128)],
                sem,
            )
            for j in range(nch)
        ]
        for cp in copies:
            cp.wait()
        pltpu.sync_copy(rows_v, out_hbm.at[pl.ds(wid * rpw, rpw)])

    return gather_k(table, idx3)


def kernel(img_feat, text_feat):
    B, N_img, C = img_feat.shape
    _, N_txt, _ = text_feat.shape
    table = text_feat.reshape(B * N_txt, C)
    outs = []
    for k in range(B // _CB):
        gidx = _tc_argmin_chunk(img_feat, text_feat, k)
        outs.append(_sc_gather(table, gidx, _CB * N_img, C))
    out = jnp.concatenate(outs, axis=0)
    return out.reshape(B, N_img, C)

# --- scband reference (transcript-rebuilt; emitter-appended) ---
"""Pipeline reference for scband-ot-text-to-image-alignment-46978352284125 (READ-ONLY COPY).

The authoritative reference and input builder live on the scoring server;
editing this copy changes nothing except your own understanding.
"""

import jax, jax.numpy as jnp
import numpy as np


def _l2_normalize(x, eps=1e-12):
    # matches torch F.normalize(p=2, dim=-1): x / max(||x||_2, eps)
    norm = jnp.sqrt(jnp.sum(x * x, axis=-1, keepdims=True))
    return x / jnp.maximum(norm, eps)


def setup_inputs(seed: int = 0) -> dict:
    key = jax.random.key(seed)
    k1, k2 = jax.random.split(key)
    img_feat = jax.random.normal(k1, (32, 1024, 96), dtype=jnp.float32)
    text_feat = jax.random.normal(k2, (32, 256, 96), dtype=jnp.float32)
    return {"img_feat": img_feat, "text_feat": text_feat}


def reference(img_feat, text_feat):
    img_norm = _l2_normalize(img_feat)
    text_norm = _l2_normalize(text_feat)
    similarity = jnp.matmul(img_norm, jnp.swapaxes(text_norm, 1, 2))  # [B, N_img, N_txt]
    cost_matrix = 1.0 - similarity
    min_indices = jnp.argmin(cost_matrix, axis=-1)  # [B, N_img]
    B, N_img, N_txt = cost_matrix.shape
    weight = 1.0
    bidx = jnp.arange(B)[:, None]
    iidx = jnp.arange(N_img)[None, :]
    src_weights = jnp.full((B, N_img), weight, dtype=jnp.float32)
    M = jnp.zeros((B, N_img, N_txt), dtype=jnp.float32)
    M = M.at[bidx, iidx, min_indices].set(src_weights)  # scatter-overwrite along last dim
    text_aligned = jnp.matmul(M, text_feat)  # [B, N_img, C]
    return text_aligned

if __name__ == "__main__":
    import jax
    _d = setup_inputs()
    print(jax.jit(kernel)(*tuple(_d.values())))

</pallas_src>

<mosaic_0001>
#map = affine_map<(d0, d1) -> (0, 0)>
#map1 = affine_map<(d0, d1) -> (0, 0, 0)>
module attributes {stable_mosaic.version = 14 : i64} {
  func.func @gather_k(%arg0: i32, %arg1: i32, %arg2: memref<8192x96xf32, #tpu.memory_space<hbm>>, %arg3: memref<32x2x128xi32, #tpu.memory_space<hbm>>, %arg4: memref<8192x96xf32, #tpu.memory_space<hbm>>, %arg5: memref<2x128xi32, #tpu.memory_space<vmem>>, %arg6: memref<256x96xf32, #tpu.memory_space<vmem>>, %arg7: memref<!tpu.dma_semaphore, #tpu.memory_space<semaphore_mem>>) attributes {dimension_semantics = [#tpu.dimension_semantics<core_parallel>, #tpu.dimension_semantics<subcore_parallel>], iteration_bounds = array<i64: 2, 16>, scalar_prefetch = 0 : i64, scratch_operands = 3 : i64, tpu.core_type = #tpu.core_type<sc_vector_subcore>, window_params = [{transform_indices = #map}, {transform_indices = #map1}, {transform_indices = #map}]} {
    %mul3A = arith.constant 2 : i32
    %mul3A_0 = arith.muli %arg1, %mul3A : i32
    %add3A = arith.addi %mul3A_0, %arg0 : i32
    "tpu.region"() ({
      %run_scoped3A = tpu.sem_alloc : memref<!tpu.dma_semaphore, #tpu.memory_space<semaphore_mem>>
      %dma_start3A_41 = arith.constant 0 : i32
      %dma_start3A_42 = arith.constant 0 : i32
      %dma_start3A_43 = tpu.memref_slice %arg3[%add3A, %dma_start3A_41, %dma_start3A_42] : memref<32x2x128xi32, #tpu.memory_space<hbm>> -> memref<1x2x128xi32, #tpu.memory_space<hbm>>
      %dma_start3A_44 = tpu.memref_squeeze %dma_start3A_43 : memref<1x2x128xi32, #tpu.memory_space<hbm>> -> memref<2x128xi32, #tpu.memory_space<hbm>>
      %dma_start3A_45 = arith.constant 0 : i32
      %dma_start3A_46 = arith.constant 0 : i32
      %dma_start3A_47 = tpu.memref_slice %arg3[%add3A, %dma_start3A_45, %dma_start3A_46] : memref<32x2x128xi32, #tpu.memory_space<hbm>> -> memref<1x2x128xi32, #tpu.memory_space<hbm>>
      %dma_start3A_48 = tpu.memref_squeeze %dma_start3A_47 : memref<1x2x128xi32, #tpu.memory_space<hbm>> -> memref<2x128xi32, #tpu.memory_space<hbm>>
      tpu.enqueue_dma source(%dma_start3A_48 : memref<2x128xi32, #tpu.memory_space<hbm>>) target(%arg5 : memref<2x128xi32, #tpu.memory_space<vmem>>) target_semaphore(%run_scoped3A : memref<!tpu.dma_semaphore, #tpu.memory_space<semaphore_mem>>)
      %dma_wait3A_49 = arith.constant 0 : i32
      %dma_wait3A_50 = arith.constant 0 : i32
      %dma_wait3A_51 = tpu.memref_slice %arg3[%add3A, %dma_wait3A_49, %dma_wait3A_50] : memref<32x2x128xi32, #tpu.memory_space<hbm>> -> memref<1x2x128xi32, #tpu.memory_space<hbm>>
      %dma_wait3A_52 = tpu.memref_squeeze %dma_wait3A_51 : memref<1x2x128xi32, #tpu.memory_space<hbm>> -> memref<2x128xi32, #tpu.memory_space<hbm>>
      %dma_wait3A_53 = arith.constant 0 : i32
      %dma_wait3A_54 = arith.constant 0 : i32
      %dma_wait3A_55 = tpu.memref_slice %arg3[%add3A, %dma_wait3A_53, %dma_wait3A_54] : memref<32x2x128xi32, #tpu.memory_space<hbm>> -> memref<1x2x128xi32, #tpu.memory_space<hbm>>
      %dma_wait3A_56 = tpu.memref_squeeze %dma_wait3A_55 : memref<1x2x128xi32, #tpu.memory_space<hbm>> -> memref<2x128xi32, #tpu.memory_space<hbm>>
      tpu.wait_dma2 semaphore(%run_scoped3A : memref<!tpu.dma_semaphore, #tpu.memory_space<semaphore_mem>>) src(%dma_wait3A_56 : memref<2x128xi32, #tpu.memory_space<hbm>>) dst(%arg5 : memref<2x128xi32, #tpu.memory_space<vmem>>)
      tpu.yield
    }) : () -> ()
    %dma_start3A = arith.constant 0 : i32
    %dma_start3A_1 = arith.constant 0 : i32
    %dma_start3A_2 = arith.constant 0 : i32
    %dma_start3A_3 = tpu.memref_slice %arg6[%dma_start3A_1, %dma_start3A_2] : memref<256x96xf32, #tpu.memory_space<vmem>> -> memref<128x96xf32, #tpu.memory_space<vmem>>
    %dma_start3A_4 = arith.constant 0 : i32
    %dma_start3A_5 = tpu.memref_slice %arg5[%dma_start3A, %dma_start3A_4] : memref<2x128xi32, #tpu.memory_space<vmem>> -> memref<1x128xi32, #tpu.memory_space<vmem>>
    %dma_start3A_6 = tpu.memref_squeeze %dma_start3A_5 : memref<1x128xi32, #tpu.memory_space<vmem>> -> memref<128xi32, #tpu.memory_space<vmem>>
    %dma_start3A_7 = arith.constant 0 : i32
    %dma_start3A_8 = arith.constant 0 : i32
    %dma_start3A_9 = tpu.memref_slice %arg2[%dma_start3A_7, %dma_start3A_8] : memref<8192x96xf32, #tpu.memory_space<hbm>> -> memref<8192x96xf32, #tpu.memory_space<hbm>>
    tpu.enqueue_indirect_dma source(%dma_start3A_9 : memref<8192x96xf32, #tpu.memory_space<hbm>>) target(%dma_start3A_3 : memref<128x96xf32, #tpu.memory_space<vmem>>) offsets(%dma_start3A_6 : memref<128xi32, #tpu.memory_space<vmem>>) semaphore(%arg7 : memref<!tpu.dma_semaphore, #tpu.memory_space<semaphore_mem>>)
    %dma_start3A_10 = arith.constant 1 : i32
    %dma_start3A_11 = arith.constant 128 : i32
    %dma_start3A_12 = arith.constant 0 : i32
    %dma_start3A_13 = tpu.memref_slice %arg6[%dma_start3A_11, %dma_start3A_12] : memref<256x96xf32, #tpu.memory_space<vmem>> -> memref<128x96xf32, #tpu.memory_space<vmem>>
    %dma_start3A_14 = arith.constant 0 : i32
    %dma_start3A_15 = tpu.memref_slice %arg5[%dma_start3A_10, %dma_start3A_14] : memref<2x128xi32, #tpu.memory_space<vmem>> -> memref<1x128xi32, #tpu.memory_space<vmem>>
    %dma_start3A_16 = tpu.memref_squeeze %dma_start3A_15 : memref<1x128xi32, #tpu.memory_space<vmem>> -> memref<128xi32, #tpu.memory_space<vmem>>
    %dma_start3A_17 = arith.constant 0 : i32
    %dma_start3A_18 = arith.constant 0 : i32
    %dma_start3A_19 = tpu.memref_slice %arg2[%dma_start3A_17, %dma_start3A_18] : memref<8192x96xf32, #tpu.memory_space<hbm>> -> memref<8192x96xf32, #tpu.memory_space<hbm>>
    tpu.enqueue_indirect_dma source(%dma_start3A_19 : memref<8192x96xf32, #tpu.memory_space<hbm>>) target(%dma_start3A_13 : memref<128x96xf32, #tpu.memory_space<vmem>>) offsets(%dma_start3A_16 : memref<128xi32, #tpu.memory_space<vmem>>) semaphore(%arg7 : memref<!tpu.dma_semaphore, #tpu.memory_space<semaphore_mem>>)
    %dma_wait3A = arith.constant 0 : i32
    %dma_wait3A_20 = arith.constant 0 : i32
    %dma_wait3A_21 = arith.constant 0 : i32
    %dma_wait3A_22 = tpu.memref_slice %arg6[%dma_wait3A_20, %dma_wait3A_21] : memref<256x96xf32, #tpu.memory_space<vmem>> -> memref<128x96xf32, #tpu.memory_space<vmem>>
    %dma_wait3A_23 = arith.constant 0 : i32
    %dma_wait3A_24 = tpu.memref_slice %arg5[%dma_wait3A, %dma_wait3A_23] : memref<2x128xi32, #tpu.memory_space<vmem>> -> memref<1x128xi32, #tpu.memory_space<vmem>>
    %dma_wait3A_25 = tpu.memref_squeeze %dma_wait3A_24 : memref<1x128xi32, #tpu.memory_space<vmem>> -> memref<128xi32, #tpu.memory_space<vmem>>
    %dma_wait3A_26 = arith.constant 0 : i32
    %dma_wait3A_27 = arith.constant 0 : i32
    %dma_wait3A_28 = tpu.memref_slice %arg2[%dma_wait3A_26, %dma_wait3A_27] : memref<8192x96xf32, #tpu.memory_space<hbm>> -> memref<8192x96xf32, #tpu.memory_space<hbm>>
    tpu.wait_indirect_dma semaphore(%arg7 : memref<!tpu.dma_semaphore, #tpu.memory_space<semaphore_mem>>) src(%dma_wait3A_28 : memref<8192x96xf32, #tpu.memory_space<hbm>>) dst(%dma_wait3A_22 : memref<128x96xf32, #tpu.memory_space<vmem>>)
    %dma_wait3A_29 = arith.constant 1 : i32
    %dma_wait3A_30 = arith.constant 128 : i32
    %dma_wait3A_31 = arith.constant 0 : i32
    %dma_wait3A_32 = tpu.memref_slice %arg6[%dma_wait3A_30, %dma_wait3A_31] : memref<256x96xf32, #tpu.memory_space<vmem>> -> memref<128x96xf32, #tpu.memory_space<vmem>>
    %dma_wait3A_33 = arith.constant 0 : i32
    %dma_wait3A_34 = tpu.memref_slice %arg5[%dma_wait3A_29, %dma_wait3A_33] : memref<2x128xi32, #tpu.memory_space<vmem>> -> memref<1x128xi32, #tpu.memory_space<vmem>>
    %dma_wait3A_35 = tpu.memref_squeeze %dma_wait3A_34 : memref<1x128xi32, #tpu.memory_space<vmem>> -> memref<128xi32, #tpu.memory_space<vmem>>
    %dma_wait3A_36 = arith.constant 0 : i32
    %dma_wait3A_37 = arith.constant 0 : i32
    %dma_wait3A_38 = tpu.memref_slice %arg2[%dma_wait3A_36, %dma_wait3A_37] : memref<8192x96xf32, #tpu.memory_space<hbm>> -> memref<8192x96xf32, #tpu.memory_space<hbm>>
    tpu.wait_indirect_dma semaphore(%arg7 : memref<!tpu.dma_semaphore, #tpu.memory_space<semaphore_mem>>) src(%dma_wait3A_38 : memref<8192x96xf32, #tpu.memory_space<hbm>>) dst(%dma_wait3A_32 : memref<128x96xf32, #tpu.memory_space<vmem>>)
    %mul3A_39 = arith.constant 256 : i32
    %mul3A_40 = arith.muli %add3A, %mul3A_39 : i32
    "tpu.region"() ({
      %run_scoped3A = tpu.sem_alloc : memref<!tpu.dma_semaphore, #tpu.memory_space<semaphore_mem>>
      %dma_start3A_41 = arith.constant 0 : i32
      %dma_start3A_42 = tpu.memref_slice %arg4[%mul3A_40, %dma_start3A_41] : memref<8192x96xf32, #tpu.memory_space<hbm>> -> memref<256x96xf32, #tpu.memory_space<hbm>>
      %dma_start3A_43 = arith.constant 0 : i32
      %dma_start3A_44 = tpu.memref_slice %arg4[%mul3A_40, %dma_start3A_43] : memref<8192x96xf32, #tpu.memory_space<hbm>> -> memref<256x96xf32, #tpu.memory_space<hbm>>
      tpu.enqueue_dma source(%arg6 : memref<256x96xf32, #tpu.memory_space<vmem>>) target(%dma_start3A_44 : memref<256x96xf32, #tpu.memory_space<hbm>>) target_semaphore(%run_scoped3A : memref<!tpu.dma_semaphore, #tpu.memory_space<semaphore_mem>>)
      %dma_wait3A_45 = arith.constant 0 : i32
      %dma_wait3A_46 = tpu.memref_slice %arg4[%mul3A_40, %dma_wait3A_45] : memref<8192x96xf32, #tpu.memory_space<hbm>> -> memref<256x96xf32, #tpu.memory_space<hbm>>
      %dma_wait3A_47 = arith.constant 0 : i32
      %dma_wait3A_48 = tpu.memref_slice %arg4[%mul3A_40, %dma_wait3A_47] : memref<8192x96xf32, #tpu.memory_space<hbm>> -> memref<256x96xf32, #tpu.memory_space<hbm>>
      tpu.wait_dma2 semaphore(%run_scoped3A : memref<!tpu.dma_semaphore, #tpu.memory_space<semaphore_mem>>) src(%arg6 : memref<256x96xf32, #tpu.memory_space<vmem>>) dst(%dma_wait3A_48 : memref<256x96xf32, #tpu.memory_space<hbm>>)
      tpu.yield
    }) : () -> ()
    return
  }
}

#map = affine_map<(d0, d1) -> (0, 0)>
#map1 = affine_map<(d0, d1) -> (0, 0, 0)>
module attributes {stable_mosaic.version = 14 : i64} {
  func.func @gather_k(%arg0: i32, %arg1: i32, %arg2: memref<8192x96xf32, #tpu.memory_space<hbm>>, %arg3: memref<32x2x128xi32, #tpu.memory_space<hbm>>, %arg4: memref<8192x96xf32, #tpu.memory_space<hbm>>, %arg5: memref<2x128xi32, #tpu.memory_space<vmem>>, %arg6: memref<256x96xf32, #tpu.memory_space<vmem>>, %arg7: memref<!tpu.dma_semaphore, #tpu.memory_space<semaphore_mem>>) attributes {dimension_semantics = [#tpu.dimension_semantics<core_parallel>, #tpu.dimension_semantics<subcore_parallel>], iteration_bounds = array<i64: 2, 16>, scalar_prefetch = 0 : i64, scratch_operands = 3 : i64, tpu.core_type = #tpu.core_type<sc_vector_subcore>, window_params = [{transform_indices = #map}, {transform_indices = #map1}, {transform_indices = #map}]} {
    %mul3A = arith.constant 2 : i32
    %mul3A_0 = arith.muli %arg1, %mul3A : i32
    %add3A = arith.addi %mul3A_0, %arg0 : i32
    "tpu.region"() ({
      %run_scoped3A = tpu.sem_alloc : memref<!tpu.dma_semaphore, #tpu.memory_space<semaphore_mem>>
      %dma_start3A_41 = arith.constant 0 : i32
      %dma_start3A_42 = arith.constant 0 : i32
      %dma_start3A_43 = tpu.memref_slice %arg3[%add3A, %dma_start3A_41, %dma_start3A_42] : memref<32x2x128xi32, #tpu.memory_space<hbm>> -> memref<1x2x128xi32, #tpu.memory_space<hbm>>
      %dma_start3A_44 = tpu.memref_squeeze %dma_start3A_43 : memref<1x2x128xi32, #tpu.memory_space<hbm>> -> memref<2x128xi32, #tpu.memory_space<hbm>>
      %dma_start3A_45 = arith.constant 0 : i32
      %dma_start3A_46 = arith.constant 0 : i32
      %dma_start3A_47 = tpu.memref_slice %arg3[%add3A, %dma_start3A_45, %dma_start3A_46] : memref<32x2x128xi32, #tpu.memory_space<hbm>> -> memref<1x2x128xi32, #tpu.memory_space<hbm>>
      %dma_start3A_48 = tpu.memref_squeeze %dma_start3A_47 : memref<1x2x128xi32, #tpu.memory_space<hbm>> -> memref<2x128xi32, #tpu.memory_space<hbm>>
      tpu.enqueue_dma source(%dma_start3A_48 : memref<2x128xi32, #tpu.memory_space<hbm>>) target(%arg5 : memref<2x128xi32, #tpu.memory_space<vmem>>) target_semaphore(%run_scoped3A : memref<!tpu.dma_semaphore, #tpu.memory_space<semaphore_mem>>)
      %dma_wait3A_49 = arith.constant 0 : i32
      %dma_wait3A_50 = arith.constant 0 : i32
      %dma_wait3A_51 = tpu.memref_slice %arg3[%add3A, %dma_wait3A_49, %dma_wait3A_50] : memref<32x2x128xi32, #tpu.memory_space<hbm>> -> memref<1x2x128xi32, #tpu.memory_space<hbm>>
      %dma_wait3A_52 = tpu.memref_squeeze %dma_wait3A_51 : memref<1x2x128xi32, #tpu.memory_space<hbm>> -> memref<2x128xi32, #tpu.memory_space<hbm>>
      %dma_wait3A_53 = arith.constant 0 : i32
      %dma_wait3A_54 = arith.constant 0 : i32
      %dma_wait3A_55 = tpu.memref_slice %arg3[%add3A, %dma_wait3A_53, %dma_wait3A_54] : memref<32x2x128xi32, #tpu.memory_space<hbm>> -> memref<1x2x128xi32, #tpu.memory_space<hbm>>
      %dma_wait3A_56 = tpu.memref_squeeze %dma_wait3A_55 : memref<1x2x128xi32, #tpu.memory_space<hbm>> -> memref<2x128xi32, #tpu.memory_space<hbm>>
      tpu.wait_dma2 semaphore(%run_scoped3A : memref<!tpu.dma_semaphore, #tpu.memory_space<semaphore_mem>>) src(%dma_wait3A_56 : memref<2x128xi32, #tpu.memory_space<hbm>>) dst(%arg5 : memref<2x128xi32, #tpu.memory_space<vmem>>)
      tpu.yield
    }) : () -> ()
    %dma_start3A = arith.constant 0 : i32
    %dma_start3A_1 = arith.constant 0 : i32
    %dma_start3A_2 = arith.constant 0 : i32
    %dma_start3A_3 = tpu.memref_slice %arg6[%dma_start3A_1, %dma_start3A_2] : memref<256x96xf32, #tpu.memory_space<vmem>> -> memref<128x96xf32, #tpu.memory_space<vmem>>
    %dma_start3A_4 = arith.constant 0 : i32
    %dma_start3A_5 = tpu.memref_slice %arg5[%dma_start3A, %dma_start3A_4] : memref<2x128xi32, #tpu.memory_space<vmem>> -> memref<1x128xi32, #tpu.memory_space<vmem>>
    %dma_start3A_6 = tpu.memref_squeeze %dma_start3A_5 : memref<1x128xi32, #tpu.memory_space<vmem>> -> memref<128xi32, #tpu.memory_space<vmem>>
    %dma_start3A_7 = arith.constant 0 : i32
    %dma_start3A_8 = arith.constant 0 : i32
    %dma_start3A_9 = tpu.memref_slice %arg2[%dma_start3A_7, %dma_start3A_8] : memref<8192x96xf32, #tpu.memory_space<hbm>> -> memref<8192x96xf32, #tpu.memory_space<hbm>>
    tpu.enqueue_indirect_dma source(%dma_start3A_9 : memref<8192x96xf32, #tpu.memory_space<hbm>>) target(%dma_start3A_3 : memref<128x96xf32, #tpu.memory_space<vmem>>) offsets(%dma_start3A_6 : memref<128xi32, #tpu.memory_space<vmem>>) semaphore(%arg7 : memref<!tpu.dma_semaphore, #tpu.memory_space<semaphore_mem>>)
    %dma_start3A_10 = arith.constant 1 : i32
    %dma_start3A_11 = arith.constant 128 : i32
    %dma_start3A_12 = arith.constant 0 : i32
    %dma_start3A_13 = tpu.memref_slice %arg6[%dma_start3A_11, %dma_start3A_12] : memref<256x96xf32, #tpu.memory_space<vmem>> -> memref<128x96xf32, #tpu.memory_space<vmem>>
    %dma_start3A_14 = arith.constant 0 : i32
    %dma_start3A_15 = tpu.memref_slice %arg5[%dma_start3A_10, %dma_start3A_14] : memref<2x128xi32, #tpu.memory_space<vmem>> -> memref<1x128xi32, #tpu.memory_space<vmem>>
    %dma_start3A_16 = tpu.memref_squeeze %dma_start3A_15 : memref<1x128xi32, #tpu.memory_space<vmem>> -> memref<128xi32, #tpu.memory_space<vmem>>
    %dma_start3A_17 = arith.constant 0 : i32
    %dma_start3A_18 = arith.constant 0 : i32
    %dma_start3A_19 = tpu.memref_slice %arg2[%dma_start3A_17, %dma_start3A_18] : memref<8192x96xf32, #tpu.memory_space<hbm>> -> memref<8192x96xf32, #tpu.memory_space<hbm>>
    tpu.enqueue_indirect_dma source(%dma_start3A_19 : memref<8192x96xf32, #tpu.memory_space<hbm>>) target(%dma_start3A_13 : memref<128x96xf32, #tpu.memory_space<vmem>>) offsets(%dma_start3A_16 : memref<128xi32, #tpu.memory_space<vmem>>) semaphore(%arg7 : memref<!tpu.dma_semaphore, #tpu.memory_space<semaphore_mem>>)
    %dma_wait3A = arith.constant 0 : i32
    %dma_wait3A_20 = arith.constant 0 : i32
    %dma_wait3A_21 = arith.constant 0 : i32
    %dma_wait3A_22 = tpu.memref_slice %arg6[%dma_wait3A_20, %dma_wait3A_21] : memref<256x96xf32, #tpu.memory_space<vmem>> -> memref<128x96xf32, #tpu.memory_space<vmem>>
    %dma_wait3A_23 = arith.constant 0 : i32
    %dma_wait3A_24 = tpu.memref_slice %arg5[%dma_wait3A, %dma_wait3A_23] : memref<2x128xi32, #tpu.memory_space<vmem>> -> memref<1x128xi32, #tpu.memory_space<vmem>>
    %dma_wait3A_25 = tpu.memref_squeeze %dma_wait3A_24 : memref<1x128xi32, #tpu.memory_space<vmem>> -> memref<128xi32, #tpu.memory_space<vmem>>
    %dma_wait3A_26 = arith.constant 0 : i32
    %dma_wait3A_27 = arith.constant 0 : i32
    %dma_wait3A_28 = tpu.memref_slice %arg2[%dma_wait3A_26, %dma_wait3A_27] : memref<8192x96xf32, #tpu.memory_space<hbm>> -> memref<8192x96xf32, #tpu.memory_space<hbm>>
    tpu.wait_indirect_dma semaphore(%arg7 : memref<!tpu.dma_semaphore, #tpu.memory_space<semaphore_mem>>) src(%dma_wait3A_28 : memref<8192x96xf32, #tpu.memory_space<hbm>>) dst(%dma_wait3A_22 : memref<128x96xf32, #tpu.memory_space<vmem>>)
    %dma_wait3A_29 = arith.constant 1 : i32
    %dma_wait3A_30 = arith.constant 128 : i32
    %dma_wait3A_31 = arith.constant 0 : i32
    %dma_wait3A_32 = tpu.memref_slice %arg6[%dma_wait3A_30, %dma_wait3A_31] : memref<256x96xf32, #tpu.memory_space<vmem>> -> memref<128x96xf32, #tpu.memory_space<vmem>>
    %dma_wait3A_33 = arith.constant 0 : i32
    %dma_wait3A_34 = tpu.memref_slice %arg5[%dma_wait3A_29, %dma_wait3A_33] : memref<2x128xi32, #tpu.memory_space<vmem>> -> memref<1x128xi32, #tpu.memory_space<vmem>>
    %dma_wait3A_35 = tpu.memref_squeeze %dma_wait3A_34 : memref<1x128xi32, #tpu.memory_space<vmem>> -> memref<128xi32, #tpu.memory_space<vmem>>
    %dma_wait3A_36 = arith.constant 0 : i32
    %dma_wait3A_37 = arith.constant 0 : i32
    %dma_wait3A_38 = tpu.memref_slice %arg2[%dma_wait3A_36, %dma_wait3A_37] : memref<8192x96xf32, #tpu.memory_space<hbm>> -> memref<8192x96xf32, #tpu.memory_space<hbm>>
    tpu.wait_indirect_dma semaphore(%arg7 : memref<!tpu.dma_semaphore, #tpu.memory_space<semaphore_mem>>) src(%dma_wait3A_38 : memref<8192x96xf32, #tpu.memory_space<hbm>>) dst(%dma_wait3A_32 : memref<128x96xf32, #tpu.memory_space<vmem>>)
    %mul3A_39 = arith.constant 256 : i32
    %mul3A_40 = arith.muli %add3A, %mul3A_39 : i32
    "tpu.region"() ({
      %run_scoped3A = tpu.sem_alloc : memref<!tpu.dma_semaphore, #tpu.memory_space<semaphore_mem>>
      %dma_start3A_41 = arith.constant 0 : i32
      %dma_start3A_42 = tpu.memref_slice %arg4[%mul3A_40, %dma_start3A_41] : memref<8192x96xf32, #tpu.memory_space<hbm>> -> memref<256x96xf32, #tpu.memory_space<hbm>>
      %dma_start3A_43 = arith.constant 0 : i32
      %dma_start3A_44 = tpu.memref_slice %arg4[%mul3A_40, %dma_start3A_43] : memref<8192x96xf32, #tpu.memory_space<hbm>> -> memref<256x96xf32, #tpu.memory_space<hbm>>
      tpu.enqueue_dma source(%arg6 : memref<256x96xf32, #tpu.memory_space<vmem>>) target(%dma_start3A_44 : memref<256x96xf32, #tpu.memory_space<hbm>>) target_semaphore(%run_scoped3A : memref<!tpu.dma_semaphore, #tpu.memory_space<semaphore_mem>>)
      %dma_wait3A_45 = arith.constant 0 : i32
      %dma_wait3A_46 = tpu.memref_slice %arg4[%mul3A_40, %dma_wait3A_45] : memref<8192x96xf32, #tpu.memory_space<hbm>> -> memref<256x96xf32, #tpu.memory_space<hbm>>
      %dma_wait3A_47 = arith.constant 0 : i32
      %dma_wait3A_48 = tpu.memref_slice %arg4[%mul3A_40, %dma_wait3A_47] : memref<8192x96xf32, #tpu.memory_space<hbm>> -> memref<256x96xf32, #tpu.memory_space<hbm>>
      tpu.wait_dma2 semaphore(%run_scoped3A : memref<!tpu.dma_semaphore, #tpu.memory_space<semaphore_mem>>) src(%arg6 : memref<256x96xf32, #tpu.memory_space<vmem>>) dst(%dma_wait3A_48 : memref<256x96xf32, #tpu.memory_space<hbm>>)
      tpu.yield
    }) : () -> ()
    return
  }
}

#map = affine_map<(d0, d1) -> (0, 0)>
#map1 = affine_map<(d0, d1) -> (0, 0, 0)>
module attributes {stable_mosaic.version = 14 : i64} {
  func.func @gather_k(%arg0: i32, %arg1: i32, %arg2: memref<8192x96xf32, #tpu.memory_space<hbm>>, %arg3: memref<32x2x128xi32, #tpu.memory_space<hbm>>, %arg4: memref<8192x96xf32, #tpu.memory_space<hbm>>, %arg5: memref<2x128xi32, #tpu.memory_space<vmem>>, %arg6: memref<256x96xf32, #tpu.memory_space<vmem>>, %arg7: memref<!tpu.dma_semaphore, #tpu.memory_space<semaphore_mem>>) attributes {dimension_semantics = [#tpu.dimension_semantics<core_parallel>, #tpu.dimension_semantics<subcore_parallel>], iteration_bounds = array<i64: 2, 16>, scalar_prefetch = 0 : i64, scratch_operands = 3 : i64, tpu.core_type = #tpu.core_type<sc_vector_subcore>, window_params = [{transform_indices = #map}, {transform_indices = #map1}, {transform_indices = #map}]} {
    %mul3A = arith.constant 2 : i32
    %mul3A_0 = arith.muli %arg1, %mul3A : i32
    %add3A = arith.addi %mul3A_0, %arg0 : i32
    "tpu.region"() ({
      %run_scoped3A = tpu.sem_alloc : memref<!tpu.dma_semaphore, #tpu.memory_space<semaphore_mem>>
      %dma_start3A_41 = arith.constant 0 : i32
      %dma_start3A_42 = arith.constant 0 : i32
      %dma_start3A_43 = tpu.memref_slice %arg3[%add3A, %dma_start3A_41, %dma_start3A_42] : memref<32x2x128xi32, #tpu.memory_space<hbm>> -> memref<1x2x128xi32, #tpu.memory_space<hbm>>
      %dma_start3A_44 = tpu.memref_squeeze %dma_start3A_43 : memref<1x2x128xi32, #tpu.memory_space<hbm>> -> memref<2x128xi32, #tpu.memory_space<hbm>>
      %dma_start3A_45 = arith.constant 0 : i32
      %dma_start3A_46 = arith.constant 0 : i32
      %dma_start3A_47 = tpu.memref_slice %arg3[%add3A, %dma_start3A_45, %dma_start3A_46] : memref<32x2x128xi32, #tpu.memory_space<hbm>> -> memref<1x2x128xi32, #tpu.memory_space<hbm>>
      %dma_start3A_48 = tpu.memref_squeeze %dma_start3A_47 : memref<1x2x128xi32, #tpu.memory_space<hbm>> -> memref<2x128xi32, #tpu.memory_space<hbm>>
      tpu.enqueue_dma source(%dma_start3A_48 : memref<2x128xi32, #tpu.memory_space<hbm>>) target(%arg5 : memref<2x128xi32, #tpu.memory_space<vmem>>) target_semaphore(%run_scoped3A : memref<!tpu.dma_semaphore, #tpu.memory_space<semaphore_mem>>)
      %dma_wait3A_49 = arith.constant 0 : i32
      %dma_wait3A_50 = arith.constant 0 : i32
      %dma_wait3A_51 = tpu.memref_slice %arg3[%add3A, %dma_wait3A_49, %dma_wait3A_50] : memref<32x2x128xi32, #tpu.memory_space<hbm>> -> memref<1x2x128xi32, #tpu.memory_space<hbm>>
      %dma_wait3A_52 = tpu.memref_squeeze %dma_wait3A_51 : memref<1x2x128xi32, #tpu.memory_space<hbm>> -> memref<2x128xi32, #tpu.memory_space<hbm>>
      %dma_wait3A_53 = arith.constant 0 : i32
      %dma_wait3A_54 = arith.constant 0 : i32
      %dma_wait3A_55 = tpu.memref_slice %arg3[%add3A, %dma_wait3A_53, %dma_wait3A_54] : memref<32x2x128xi32, #tpu.memory_space<hbm>> -> memref<1x2x128xi32, #tpu.memory_space<hbm>>
      %dma_wait3A_56 = tpu.memref_squeeze %dma_wait3A_55 : memref<1x2x128xi32, #tpu.memory_space<hbm>> -> memref<2x128xi32, #tpu.memory_space<hbm>>
      tpu.wait_dma2 semaphore(%run_scoped3A : memref<!tpu.dma_semaphore, #tpu.memory_space<semaphore_mem>>) src(%dma_wait3A_56 : memref<2x128xi32, #tpu.memory_space<hbm>>) dst(%arg5 : memref<2x128xi32, #tpu.memory_space<vmem>>)
      tpu.yield
    }) : () -> ()
    %dma_start3A = arith.constant 0 : i32
    %dma_start3A_1 = arith.constant 0 : i32
    %dma_start3A_2 = arith.constant 0 : i32
    %dma_start3A_3 = tpu.memref_slice %arg6[%dma_start3A_1, %dma_start3A_2] : memref<256x96xf32, #tpu.memory_space<vmem>> -> memref<128x96xf32, #tpu.memory_space<vmem>>
    %dma_start3A_4 = arith.constant 0 : i32
    %dma_start3A_5 = tpu.memref_slice %arg5[%dma_start3A, %dma_start3A_4] : memref<2x128xi32, #tpu.memory_space<vmem>> -> memref<1x128xi32, #tpu.memory_space<vmem>>
    %dma_start3A_6 = tpu.memref_squeeze %dma_start3A_5 : memref<1x128xi32, #tpu.memory_space<vmem>> -> memref<128xi32, #tpu.memory_space<vmem>>
    %dma_start3A_7 = arith.constant 0 : i32
    %dma_start3A_8 = arith.constant 0 : i32
    %dma_start3A_9 = tpu.memref_slice %arg2[%dma_start3A_7, %dma_start3A_8] : memref<8192x96xf32, #tpu.memory_space<hbm>> -> memref<8192x96xf32, #tpu.memory_space<hbm>>
    tpu.enqueue_indirect_dma source(%dma_start3A_9 : memref<8192x96xf32, #tpu.memory_space<hbm>>) target(%dma_start3A_3 : memref<128x96xf32, #tpu.memory_space<vmem>>) offsets(%dma_start3A_6 : memref<128xi32, #tpu.memory_space<vmem>>) semaphore(%arg7 : memref<!tpu.dma_semaphore, #tpu.memory_space<semaphore_mem>>)
    %dma_start3A_10 = arith.constant 1 : i32
    %dma_start3A_11 = arith.constant 128 : i32
    %dma_start3A_12 = arith.constant 0 : i32
    %dma_start3A_13 = tpu.memref_slice %arg6[%dma_start3A_11, %dma_start3A_12] : memref<256x96xf32, #tpu.memory_space<vmem>> -> memref<128x96xf32, #tpu.memory_space<vmem>>
    %dma_start3A_14 = arith.constant 0 : i32
    %dma_start3A_15 = tpu.memref_slice %arg5[%dma_start3A_10, %dma_start3A_14] : memref<2x128xi32, #tpu.memory_space<vmem>> -> memref<1x128xi32, #tpu.memory_space<vmem>>
    %dma_start3A_16 = tpu.memref_squeeze %dma_start3A_15 : memref<1x128xi32, #tpu.memory_space<vmem>> -> memref<128xi32, #tpu.memory_space<vmem>>
    %dma_start3A_17 = arith.constant 0 : i32
    %dma_start3A_18 = arith.constant 0 : i32
    %dma_start3A_19 = tpu.memref_slice %arg2[%dma_start3A_17, %dma_start3A_18] : memref<8192x96xf32, #tpu.memory_space<hbm>> -> memref<8192x96xf32, #tpu.memory_space<hbm>>
    tpu.enqueue_indirect_dma source(%dma_start3A_19 : memref<8192x96xf32, #tpu.memory_space<hbm>>) target(%dma_start3A_13 : memref<128x96xf32, #tpu.memory_space<vmem>>) offsets(%dma_start3A_16 : memref<128xi32, #tpu.memory_space<vmem>>) semaphore(%arg7 : memref<!tpu.dma_semaphore, #tpu.memory_space<semaphore_mem>>)
    %dma_wait3A = arith.constant 0 : i32
    %dma_wait3A_20 = arith.constant 0 : i32
    %dma_wait3A_21 = arith.constant 0 : i32
    %dma_wait3A_22 = tpu.memref_slice %arg6[%dma_wait3A_20, %dma_wait3A_21] : memref<256x96xf32, #tpu.memory_space<vmem>> -> memref<128x96xf32, #tpu.memory_space<vmem>>
    %dma_wait3A_23 = arith.constant 0 : i32
    %dma_wait3A_24 = tpu.memref_slice %arg5[%dma_wait3A, %dma_wait3A_23] : memref<2x128xi32, #tpu.memory_space<vmem>> -> memref<1x128xi32, #tpu.memory_space<vmem>>
    %dma_wait3A_25 = tpu.memref_squeeze %dma_wait3A_24 : memref<1x128xi32, #tpu.memory_space<vmem>> -> memref<128xi32, #tpu.memory_space<vmem>>
    %dma_wait3A_26 = arith.constant 0 : i32
    %dma_wait3A_27 = arith.constant 0 : i32
    %dma_wait3A_28 = tpu.memref_slice %arg2[%dma_wait3A_26, %dma_wait3A_27] : memref<8192x96xf32, #tpu.memory_space<hbm>> -> memref<8192x96xf32, #tpu.memory_space<hbm>>
    tpu.wait_indirect_dma semaphore(%arg7 : memref<!tpu.dma_semaphore, #tpu.memory_space<semaphore_mem>>) src(%dma_wait3A_28 : memref<8192x96xf32, #tpu.memory_space<hbm>>) dst(%dma_wait3A_22 : memref<128x96xf32, #tpu.memory_space<vmem>>)
    %dma_wait3A_29 = arith.constant 1 : i32
    %dma_wait3A_30 = arith.constant 128 : i32
    %dma_wait3A_31 = arith.constant 0 : i32
    %dma_wait3A_32 = tpu.memref_slice %arg6[%dma_wait3A_30, %dma_wait3A_31] : memref<256x96xf32, #tpu.memory_space<vmem>> -> memref<128x96xf32, #tpu.memory_space<vmem>>
    %dma_wait3A_33 = arith.constant 0 : i32
    %dma_wait3A_34 = tpu.memref_slice %arg5[%dma_wait3A_29, %dma_wait3A_33] : memref<2x128xi32, #tpu.memory_space<vmem>> -> memref<1x128xi32, #tpu.memory_space<vmem>>
    %dma_wait3A_35 = tpu.memref_squeeze %dma_wait3A_34 : memref<1x128xi32, #tpu.memory_space<vmem>> -> memref<128xi32, #tpu.memory_space<vmem>>
    %dma_wait3A_36 = arith.constant 0 : i32
    %dma_wait3A_37 = arith.constant 0 : i32
    %dma_wait3A_38 = tpu.memref_slice %arg2[%dma_wait3A_36, %dma_wait3A_37] : memref<8192x96xf32, #tpu.memory_space<hbm>> -> memref<8192x96xf32, #tpu.memory_space<hbm>>
    tpu.wait_indirect_dma semaphore(%arg7 : memref<!tpu.dma_semaphore, #tpu.memory_space<semaphore_mem>>) src(%dma_wait3A_38 : memref<8192x96xf32, #tpu.memory_space<hbm>>) dst(%dma_wait3A_32 : memref<128x96xf32, #tpu.memory_space<vmem>>)
    %mul3A_39 = arith.constant 256 : i32
    %mul3A_40 = arith.muli %add3A, %mul3A_39 : i32
    "tpu.region"() ({
      %run_scoped3A = tpu.sem_alloc : memref<!tpu.dma_semaphore, #tpu.memory_space<semaphore_mem>>
      %dma_start3A_41 = arith.constant 0 : i32
      %dma_start3A_42 = tpu.memref_slice %arg4[%mul3A_40, %dma_start3A_41] : memref<8192x96xf32, #tpu.memory_space<hbm>> -> memref<256x96xf32, #tpu.memory_space<hbm>>
      %dma_start3A_43 = arith.constant 0 : i32
      %dma_start3A_44 = tpu.memref_slice %arg4[%mul3A_40, %dma_start3A_43] : memref<8192x96xf32, #tpu.memory_space<hbm>> -> memref<256x96xf32, #tpu.memory_space<hbm>>
      tpu.enqueue_dma source(%arg6 : memref<256x96xf32, #tpu.memory_space<vmem>>) target(%dma_start3A_44 : memref<256x96xf32, #tpu.memory_space<hbm>>) target_semaphore(%run_scoped3A : memref<!tpu.dma_semaphore, #tpu.memory_space<semaphore_mem>>)
      %dma_wait3A_45 = arith.constant 0 : i32
      %dma_wait3A_46 = tpu.memref_slice %arg4[%mul3A_40, %dma_wait3A_45] : memref<8192x96xf32, #tpu.memory_space<hbm>> -> memref<256x96xf32, #tpu.memory_space<hbm>>
      %dma_wait3A_47 = arith.constant 0 : i32
      %dma_wait3A_48 = tpu.memref_slice %arg4[%mul3A_40, %dma_wait3A_47] : memref<8192x96xf32, #tpu.memory_space<hbm>> -> memref<256x96xf32, #tpu.memory_space<hbm>>
      tpu.wait_dma2 semaphore(%run_scoped3A : memref<!tpu.dma_semaphore, #tpu.memory_space<semaphore_mem>>) src(%arg6 : memref<256x96xf32, #tpu.memory_space<vmem>>) dst(%dma_wait3A_48 : memref<256x96xf32, #tpu.memory_space<hbm>>)
      tpu.yield
    }) : () -> ()
    return
  }
}

#map = affine_map<(d0, d1) -> (0, 0)>
#map1 = affine_map<(d0, d1) -> (0, 0, 0)>
module attributes {stable_mosaic.version = 14 : i64} {
  func.func @gather_k(%arg0: i32, %arg1: i32, %arg2: memref<8192x96xf32, #tpu.memory_space<hbm>>, %arg3: memref<32x2x128xi32, #tpu.memory_space<hbm>>, %arg4: memref<8192x96xf32, #tpu.memory_space<hbm>>, %arg5: memref<2x128xi32, #tpu.memory_space<vmem>>, %arg6: memref<256x96xf32, #tpu.memory_space<vmem>>, %arg7: memref<!tpu.dma_semaphore, #tpu.memory_space<semaphore_mem>>) attributes {dimension_semantics = [#tpu.dimension_semantics<core_parallel>, #tpu.dimension_semantics<subcore_parallel>], iteration_bounds = array<i64: 2, 16>, scalar_prefetch = 0 : i64, scratch_operands = 3 : i64, tpu.core_type = #tpu.core_type<sc_vector_subcore>, window_params = [{transform_indices = #map}, {transform_indices = #map1}, {transform_indices = #map}]} {
    %mul3A = arith.constant 2 : i32
    %mul3A_0 = arith.muli %arg1, %mul3A : i32
    %add3A = arith.addi %mul3A_0, %arg0 : i32
    "tpu.region"() ({
      %run_scoped3A = tpu.sem_alloc : memref<!tpu.dma_semaphore, #tpu.memory_space<semaphore_mem>>
      %dma_start3A_41 = arith.constant 0 : i32
      %dma_start3A_42 = arith.constant 0 : i32
      %dma_start3A_43 = tpu.memref_slice %arg3[%add3A, %dma_start3A_41, %dma_start3A_42] : memref<32x2x128xi32, #tpu.memory_space<hbm>> -> memref<1x2x128xi32, #tpu.memory_space<hbm>>
      %dma_start3A_44 = tpu.memref_squeeze %dma_start3A_43 : memref<1x2x128xi32, #tpu.memory_space<hbm>> -> memref<2x128xi32, #tpu.memory_space<hbm>>
      %dma_start3A_45 = arith.constant 0 : i32
      %dma_start3A_46 = arith.constant 0 : i32
      %dma_start3A_47 = tpu.memref_slice %arg3[%add3A, %dma_start3A_45, %dma_start3A_46] : memref<32x2x128xi32, #tpu.memory_space<hbm>> -> memref<1x2x128xi32, #tpu.memory_space<hbm>>
      %dma_start3A_48 = tpu.memref_squeeze %dma_start3A_47 : memref<1x2x128xi32, #tpu.memory_space<hbm>> -> memref<2x128xi32, #tpu.memory_space<hbm>>
      tpu.enqueue_dma source(%dma_start3A_48 : memref<2x128xi32, #tpu.memory_space<hbm>>) target(%arg5 : memref<2x128xi32, #tpu.memory_space<vmem>>) target_semaphore(%run_scoped3A : memref<!tpu.dma_semaphore, #tpu.memory_space<semaphore_mem>>)
      %dma_wait3A_49 = arith.constant 0 : i32
      %dma_wait3A_50 = arith.constant 0 : i32
      %dma_wait3A_51 = tpu.memref_slice %arg3[%add3A, %dma_wait3A_49, %dma_wait3A_50] : memref<32x2x128xi32, #tpu.memory_space<hbm>> -> memref<1x2x128xi32, #tpu.memory_space<hbm>>
      %dma_wait3A_52 = tpu.memref_squeeze %dma_wait3A_51 : memref<1x2x128xi32, #tpu.memory_space<hbm>> -> memref<2x128xi32, #tpu.memory_space<hbm>>
      %dma_wait3A_53 = arith.constant 0 : i32
      %dma_wait3A_54 = arith.constant 0 : i32
      %dma_wait3A_55 = tpu.memref_slice %arg3[%add3A, %dma_wait3A_53, %dma_wait3A_54] : memref<32x2x128xi32, #tpu.memory_space<hbm>> -> memref<1x2x128xi32, #tpu.memory_space<hbm>>
      %dma_wait3A_56 = tpu.memref_squeeze %dma_wait3A_55 : memref<1x2x128xi32, #tpu.memory_space<hbm>> -> memref<2x128xi32, #tpu.memory_space<hbm>>
      tpu.wait_dma2 semaphore(%run_scoped3A : memref<!tpu.dma_semaphore, #tpu.memory_space<semaphore_mem>>) src(%dma_wait3A_56 : memref<2x128xi32, #tpu.memory_space<hbm>>) dst(%arg5 : memref<2x128xi32, #tpu.memory_space<vmem>>)
      tpu.yield
    }) : () -> ()
    %dma_start3A = arith.constant 0 : i32
    %dma_start3A_1 = arith.constant 0 : i32
    %dma_start3A_2 = arith.constant 0 : i32
    %dma_start3A_3 = tpu.memref_slice %arg6[%dma_start3A_1, %dma_start3A_2] : memref<256x96xf32, #tpu.memory_space<vmem>> -> memref<128x96xf32, #tpu.memory_space<vmem>>
    %dma_start3A_4 = arith.constant 0 : i32
    %dma_start3A_5 = tpu.memref_slice %arg5[%dma_start3A, %dma_start3A_4] : memref<2x128xi32, #tpu.memory_space<vmem>> -> memref<1x128xi32, #tpu.memory_space<vmem>>
    %dma_start3A_6 = tpu.memref_squeeze %dma_start3A_5 : memref<1x128xi32, #tpu.memory_space<vmem>> -> memref<128xi32, #tpu.memory_space<vmem>>
    %dma_start3A_7 = arith.constant 0 : i32
    %dma_start3A_8 = arith.constant 0 : i32
    %dma_start3A_9 = tpu.memref_slice %arg2[%dma_start3A_7, %dma_start3A_8] : memref<8192x96xf32, #tpu.memory_space<hbm>> -> memref<8192x96xf32, #tpu.memory_space<hbm>>
    tpu.enqueue_indirect_dma source(%dma_start3A_9 : memref<8192x96xf32, #tpu.memory_space<hbm>>) target(%dma_start3A_3 : memref<128x96xf32, #tpu.memory_space<vmem>>) offsets(%dma_start3A_6 : memref<128xi32, #tpu.memory_space<vmem>>) semaphore(%arg7 : memref<!tpu.dma_semaphore, #tpu.memory_space<semaphore_mem>>)
    %dma_start3A_10 = arith.constant 1 : i32
    %dma_start3A_11 = arith.constant 128 : i32
    %dma_start3A_12 = arith.constant 0 : i32
    %dma_start3A_13 = tpu.memref_slice %arg6[%dma_start3A_11, %dma_start3A_12] : memref<256x96xf32, #tpu.memory_space<vmem>> -> memref<128x96xf32, #tpu.memory_space<vmem>>
    %dma_start3A_14 = arith.constant 0 : i32
    %dma_start3A_15 = tpu.memref_slice %arg5[%dma_start3A_10, %dma_start3A_14] : memref<2x128xi32, #tpu.memory_space<vmem>> -> memref<1x128xi32, #tpu.memory_space<vmem>>
    %dma_start3A_16 = tpu.memref_squeeze %dma_start3A_15 : memref<1x128xi32, #tpu.memory_space<vmem>> -> memref<128xi32, #tpu.memory_space<vmem>>
    %dma_start3A_17 = arith.constant 0 : i32
    %dma_start3A_18 = arith.constant 0 : i32
    %dma_start3A_19 = tpu.memref_slice %arg2[%dma_start3A_17, %dma_start3A_18] : memref<8192x96xf32, #tpu.memory_space<hbm>> -> memref<8192x96xf32, #tpu.memory_space<hbm>>
    tpu.enqueue_indirect_dma source(%dma_start3A_19 : memref<8192x96xf32, #tpu.memory_space<hbm>>) target(%dma_start3A_13 : memref<128x96xf32, #tpu.memory_space<vmem>>) offsets(%dma_start3A_16 : memref<128xi32, #tpu.memory_space<vmem>>) semaphore(%arg7 : memref<!tpu.dma_semaphore, #tpu.memory_space<semaphore_mem>>)
    %dma_wait3A = arith.constant 0 : i32
    %dma_wait3A_20 = arith.constant 0 : i32
    %dma_wait3A_21 = arith.constant 0 : i32
    %dma_wait3A_22 = tpu.memref_slice %arg6[%dma_wait3A_20, %dma_wait3A_21] : memref<256x96xf32, #tpu.memory_space<vmem>> -> memref<128x96xf32, #tpu.memory_space<vmem>>
    %dma_wait3A_23 = arith.constant 0 : i32
    %dma_wait3A_24 = tpu.memref_slice %arg5[%dma_wait3A, %dma_wait3A_23] : memref<2x128xi32, #tpu.memory_space<vmem>> -> memref<1x128xi32, #tpu.memory_space<vmem>>
    %dma_wait3A_25 = tpu.memref_squeeze %dma_wait3A_24 : memref<1x128xi32, #tpu.memory_space<vmem>> -> memref<128xi32, #tpu.memory_space<vmem>>
    %dma_wait3A_26 = arith.constant 0 : i32
    %dma_wait3A_27 = arith.constant 0 : i32
    %dma_wait3A_28 = tpu.memref_slice %arg2[%dma_wait3A_26, %dma_wait3A_27] : memref<8192x96xf32, #tpu.memory_space<hbm>> -> memref<8192x96xf32, #tpu.memory_space<hbm>>
    tpu.wait_indirect_dma semaphore(%arg7 : memref<!tpu.dma_semaphore, #tpu.memory_space<semaphore_mem>>) src(%dma_wait3A_28 : memref<8192x96xf32, #tpu.memory_space<hbm>>) dst(%dma_wait3A_22 : memref<128x96xf32, #tpu.memory_space<vmem>>)
    %dma_wait3A_29 = arith.constant 1 : i32
    %dma_wait3A_30 = arith.constant 128 : i32
    %dma_wait3A_31 = arith.constant 0 : i32
    %dma_wait3A_32 = tpu.memref_slice %arg6[%dma_wait3A_30, %dma_wait3A_31] : memref<256x96xf32, #tpu.memory_space<vmem>> -> memref<128x96xf32, #tpu.memory_space<vmem>>
    %dma_wait3A_33 = arith.constant 0 : i32
    %dma_wait3A_34 = tpu.memref_slice %arg5[%dma_wait3A_29, %dma_wait3A_33] : memref<2x128xi32, #tpu.memory_space<vmem>> -> memref<1x128xi32, #tpu.memory_space<vmem>>
    %dma_wait3A_35 = tpu.memref_squeeze %dma_wait3A_34 : memref<1x128xi32, #tpu.memory_space<vmem>> -> memref<128xi32, #tpu.memory_space<vmem>>
    %dma_wait3A_36 = arith.constant 0 : i32
    %dma_wait3A_37 = arith.constant 0 : i32
    %dma_wait3A_38 = tpu.memref_slice %arg2[%dma_wait3A_36, %dma_wait3A_37] : memref<8192x96xf32, #tpu.memory_space<hbm>> -> memref<8192x96xf32, #tpu.memory_space<hbm>>
    tpu.wait_indirect_dma semaphore(%arg7 : memref<!tpu.dma_semaphore, #tpu.memory_space<semaphore_mem>>) src(%dma_wait3A_38 : memref<8192x96xf32, #tpu.memory_space<hbm>>) dst(%dma_wait3A_32 : memref<128x96xf32, #tpu.memory_space<vmem>>)
    %mul3A_39 = arith.constant 256 : i32
    %mul3A_40 = arith.muli %add3A, %mul3A_39 : i32
    "tpu.region"() ({
      %run_scoped3A = tpu.sem_alloc : memref<!tpu.dma_semaphore, #tpu.memory_space<semaphore_mem>>
      %dma_start3A_41 = arith.constant 0 : i32
      %dma_start3A_42 = tpu.memref_slice %arg4[%mul3A_40, %dma_start3A_41] : memref<8192x96xf32, #tpu.memory_space<hbm>> -> memref<256x96xf32, #tpu.memory_space<hbm>>
      %dma_start3A_43 = arith.constant 0 : i32
      %dma_start3A_44 = tpu.memref_slice %arg4[%mul3A_40, %dma_start3A_43] : memref<8192x96xf32, #tpu.memory_space<hbm>> -> memref<256x96xf32, #tpu.memory_space<hbm>>
      tpu.enqueue_dma source(%arg6 : memref<256x96xf32, #tpu.memory_space<vmem>>) target(%dma_start3A_44 : memref<256x96xf32, #tpu.memory_space<hbm>>) target_semaphore(%run_scoped3A : memref<!tpu.dma_semaphore, #tpu.memory_space<semaphore_mem>>)
      %dma_wait3A_45 = arith.constant 0 : i32
      %dma_wait3A_46 = tpu.memref_slice %arg4[%mul3A_40, %dma_wait3A_45] : memref<8192x96xf32, #tpu.memory_space<hbm>> -> memref<256x96xf32, #tpu.memory_space<hbm>>
      %dma_wait3A_47 = arith.constant 0 : i32
      %dma_wait3A_48 = tpu.memref_slice %arg4[%mul3A_40, %dma_wait3A_47] : memref<8192x96xf32, #tpu.memory_space<hbm>> -> memref<256x96xf32, #tpu.memory_space<hbm>>
      tpu.wait_dma2 semaphore(%run_scoped3A : memref<!tpu.dma_semaphore, #tpu.memory_space<semaphore_mem>>) src(%arg6 : memref<256x96xf32, #tpu.memory_space<vmem>>) dst(%dma_wait3A_48 : memref<256x96xf32, #tpu.memory_space<hbm>>)
      tpu.yield
    }) : () -> ()
    return
  }
}

module attributes {stable_mosaic.version = 14 : i64} {
  func.func @_argmin_kernel(%arg0: i32, %arg1: memref<4x1024x96xf32, #tpu.memory_space<vmem>>, %arg2: memref<4x256x96xf32, #tpu.memory_space<vmem>>, %arg3: memref<1x1x4096xi32, #tpu.memory_space<vmem>>) attributes {dimension_semantics = [#tpu.dimension_semantics<arbitrary>], iteration_bounds = array<i64: 2>, scalar_prefetch = 0 : i64, scratch_operands = 0 : i64, tpu.core_type = #tpu.core_type<tc>, window_params = [{transform_indices = @transform_0, window_bounds = array<i64: 4, 1024, 96>}, {transform_indices = @transform_1, window_bounds = array<i64: 4, 256, 96>}, {transform_indices = @transform_2, window_bounds = array<i64: 1, 1, 4096>}]} {
    %get3A = arith.constant 0 : index
    %get3A_0 = arith.constant 0 : index
    %get3A_1 = arith.constant 0 : index
    %get3A_2 = vector.load %arg1[%get3A, %get3A_0, %get3A_1] : memref<4x1024x96xf32, #tpu.memory_space<vmem>>, vector<1x1024x96xf32>
    %get3A_3 = vector.shape_cast %get3A_2 : vector<1x1024x96xf32> to vector<1024x96xf32>
    %get3A_4 = arith.constant 0 : index
    %get3A_5 = arith.constant 0 : index
    %get3A_6 = arith.constant 0 : index
    %get3A_7 = vector.load %arg2[%get3A_4, %get3A_5, %get3A_6] : memref<4x256x96xf32, #tpu.memory_space<vmem>>, vector<1x256x96xf32>
    %get3A_8 = vector.shape_cast %get3A_7 : vector<1x256x96xf32> to vector<256x96xf32>
    %mul3A = arith.mulf %get3A_3, %get3A_3 : vector<1024x96xf32>
    %reduce_sum3A = arith.constant dense<0.000000e+00> : vector<1024xf32>
    %reduce_sum3A_9 = vector.multi_reduction <add>, %mul3A, %reduce_sum3A [1] : vector<1024x96xf32> to vector<1024xf32>
    %broadcast_in_dim3A = vector.shape_cast %reduce_sum3A_9 : vector<1024xf32> to vector<1024x1xf32>
    %sqrt3A = math.sqrt %broadcast_in_dim3A : vector<1024x1xf32>
    %max3A = arith.constant 9.99999996E-13 : f32
    %max3A_10 = vector.broadcast %max3A : f32 to vector<1024x1xf32>
    %max3A_11 = arith.maximumf %sqrt3A, %max3A_10 : vector<1024x1xf32>
    %div3A = arith.constant 1.000000e+00 : f32
    %div3A_12 = vector.broadcast %div3A : f32 to vector<1024x1xf32>
    %div3A_13 = arith.divf %div3A_12, %max3A_11 : vector<1024x1xf32>
    %mul3A_14 = vector.broadcast %div3A_13 : vector<1024x1xf32> to vector<1024x96xf32>
    %mul3A_15 = arith.mulf %get3A_3, %mul3A_14 : vector<1024x96xf32>
    %mul3A_16 = arith.mulf %get3A_8, %get3A_8 : vector<256x96xf32>
    %reduce_sum3A_17 = arith.constant dense<0.000000e+00> : vector<256xf32>
    %reduce_sum3A_18 = vector.multi_reduction <add>, %mul3A_16, %reduce_sum3A_17 [1] : vector<256x96xf32> to vector<256xf32>
    %broadcast_in_dim3A_19 = vector.shape_cast %reduce_sum3A_18 : vector<256xf32> to vector<256x1xf32>
    %sqrt3A_20 = math.sqrt %broadcast_in_dim3A_19 : vector<256x1xf32>
    %max3A_21 = arith.constant 9.99999996E-13 : f32
    %max3A_22 = vector.broadcast %max3A_21 : f32 to vector<256x1xf32>
    %max3A_23 = arith.maximumf %sqrt3A_20, %max3A_22 : vector<256x1xf32>
    %div3A_24 = arith.constant 1.000000e+00 : f32
    %div3A_25 = vector.broadcast %div3A_24 : f32 to vector<256x1xf32>
    %div3A_26 = arith.divf %div3A_25, %max3A_23 : vector<256x1xf32>
    %mul3A_27 = vector.broadcast %div3A_26 : vector<256x1xf32> to vector<256x96xf32>
    %mul3A_28 = arith.mulf %get3A_8, %mul3A_27 : vector<256x96xf32>
    %dot_general3A = arith.constant dense<0.000000e+00> : vector<1024x256xf32>
    %dot_general3A_29 = tpu.matmul %mul3A_15, %mul3A_28, %dot_general3A {dimension_numbers = #tpu.dot_dimension_numbers<[1], [1], [0], [0], [0, 0, 1, 0], [], []>, transpose_lhs_hint = false} : vector<1024x96xf32>, vector<256x96xf32>, vector<1024x256xf32> -> vector<1024x256xf32>
    %reduce_max3A = arith.constant dense<0xFF800000> : vector<1024xf32>
    %reduce_max3A_30 = vector.multi_reduction <maximumf>, %dot_general3A_29, %reduce_max3A [1] : vector<1024x256xf32> to vector<1024xf32>
    %broadcast_in_dim3A_31 = vector.shape_cast %reduce_max3A_30 : vector<1024xf32> to vector<1024x1xf32>
    %iota3A = tpu.iota {dimensions = array<i32: 1>} : vector<1024x256xi32>
    %convert_element_type3A = arith.sitofp %iota3A : vector<1024x256xi32> to vector<1024x256xf32>
    %eq3A = vector.broadcast %broadcast_in_dim3A_31 : vector<1024x1xf32> to vector<1024x256xf32>
    %eq3A_32 = arith.cmpf oeq, %dot_general3A_29, %eq3A : vector<1024x256xf32>
    %jit3A = arith.constant 2.560000e+02 : f32
    %broadcast_in_dim3A_33 = vector.broadcast %jit3A : f32 to vector<1024x256xf32>
    %select_n3A = arith.select %eq3A_32, %convert_element_type3A, %broadcast_in_dim3A_33 : vector<1024x256xi1>, vector<1024x256xf32>
    %reduce_min3A = arith.constant dense<0x7F800000> : vector<1024xf32>
    %reduce_min3A_34 = vector.multi_reduction <minimumf>, %select_n3A, %reduce_min3A [1] : vector<1024x256xf32> to vector<1024xf32>
    %broadcast_in_dim3A_35 = vector.shape_cast %reduce_min3A_34 : vector<1024xf32> to vector<1024x1xf32>
    %eq3A_36 = vector.broadcast %broadcast_in_dim3A_35 : vector<1024x1xf32> to vector<1024x256xf32>
    %eq3A_37 = arith.cmpf oeq, %convert_element_type3A, %eq3A_36 : vector<1024x256xf32>
    %convert_element_type3A_38 = arith.extui %eq3A_37 : vector<1024x256xi1> to vector<1024x256xi32>
    %convert_element_type3A_39 = arith.sitofp %convert_element_type3A_38 : vector<1024x256xi32> to vector<1024x256xf32>
    %iota3A_40 = tpu.iota {dimensions = array<i32: 1>} : vector<1x256xi32>
    %convert_element_type3A_41 = arith.sitofp %iota3A_40 : vector<1x256xi32> to vector<1x256xf32>
    %dot_general3A_42 = arith.constant dense<0.000000e+00> : vector<1x1024xf32>
    %dot_general3A_43 = tpu.matmul %convert_element_type3A_41, %convert_element_type3A_39, %dot_general3A_42 {dimension_numbers = #tpu.dot_dimension_numbers<[1], [1], [0], [0], [0, 0, 1, 0], [], []>, transpose_lhs_hint = false} : vector<1x256xf32>, vector<1024x256xf32>, vector<1x1024xf32> -> vector<1x1024xf32>
    %convert_element_type3A_44 = arith.fptosi %dot_general3A_43 : vector<1x1024xf32> to vector<1x1024xi32>
    %mul3A_45 = arith.constant 4 : i32
    %mul3A_46 = arith.muli %arg0, %mul3A_45 : i32
    %add3A = arith.constant 8 : i32
    %add3A_47 = arith.addi %add3A, %mul3A_46 : i32
    %add3A_48 = arith.constant 0 : i32
    %add3A_49 = arith.addi %add3A_47, %add3A_48 : i32
    %mul3A_50 = arith.constant 256 : i32
    %mul3A_51 = arith.muli %add3A_49, %mul3A_50 : i32
    %add3A_52 = vector.broadcast %mul3A_51 : i32 to vector<1x1024xi32>
    %add3A_53 = arith.addi %convert_element_type3A_44, %add3A_52 : vector<1x1024xi32>
    %squeeze3A = vector.shape_cast %add3A_53 : vector<1x1024xi32> to vector<1024xi32>
    %swap3A = arith.constant 0 : index
    %swap3A_54 = arith.constant 0 : index
    %swap3A_55 = arith.constant 0 : index
    %swap3A_56 = vector.load %arg3[%swap3A, %swap3A_54, %swap3A_55] : memref<1x1x4096xi32, #tpu.memory_space<vmem>>, vector<1x1x1024xi32>
    %swap3A_57 = vector.shape_cast %swap3A_56 : vector<1x1x1024xi32> to vector<1024xi32>
    %swap3A_58 = vector.shape_cast %squeeze3A : vector<1024xi32> to vector<1x1x1024xi32>
    tpu.vector_store %arg3[%swap3A, %swap3A_54, %swap3A_55], %swap3A_58 {strides = array<i32>} : memref<1x1x4096xi32, #tpu.memory_space<vmem>>, vector<1x1x1024xi32>,
    %get3A_59 = arith.constant 1 : index
    %get3A_60 = arith.constant 0 : index
    %get3A_61 = arith.constant 0 : index
    %get3A_62 = vector.load %arg1[%get3A_59, %get3A_60, %get3A_61] : memref<4x1024x96xf32, #tpu.memory_space<vmem>>, vector<1x1024x96xf32>
    %get3A_63 = vector.shape_cast %get3A_62 : vector<1x1024x96xf32> to vector<1024x96xf32>
    %get3A_64 = arith.constant 1 : index
    %get3A_65 = arith.constant 0 : index
    %get3A_66 = arith.constant 0 : index
    %get3A_67 = vector.load %arg2[%get3A_64, %get3A_65, %get3A_66] : memref<4x256x96xf32, #tpu.memory_space<vmem>>, vector<1x256x96xf32>
    %get3A_68 = vector.shape_cast %get3A_67 : vector<1x256x96xf32> to vector<256x96xf32>
    %mul3A_69 = arith.mulf %get3A_63, %get3A_63 : vector<1024x96xf32>
    %reduce_sum3A_70 = arith.constant dense<0.000000e+00> : vector<1024xf32>
    %reduce_sum3A_71 = vector.multi_reduction <add>, %mul3A_69, %reduce_sum3A_70 [1] : vector<1024x96xf32> to vector<1024xf32>
    %broadcast_in_dim3A_72 = vector.shape_cast %reduce_sum3A_71 : vector<1024xf32> to vector<1024x1xf32>
    %sqrt3A_73 = math.sqrt %broadcast_in_dim3A_72 : vector<1024x1xf32>
    %max3A_74 = arith.constant 9.99999996E-13 : f32
    %max3A_75 = vector.broadcast %max3A_74 : f32 to vector<1024x1xf32>
    %max3A_76 = arith.maximumf %sqrt3A_73, %max3A_75 : vector<1024x1xf32>
    %div3A_77 = arith.constant 1.000000e+00 : f32
    %div3A_78 = vector.broadcast %div3A_77 : f32 to vector<1024x1xf32>
    %div3A_79 = arith.divf %div3A_78, %max3A_76 : vector<1024x1xf32>
    %mul3A_80 = vector.broadcast %div3A_79 : vector<1024x1xf32> to vector<1024x96xf32>
    %mul3A_81 = arith.mulf %get3A_63, %mul3A_80 : vector<1024x96xf32>
    %mul3A_82 = arith.mulf %get3A_68, %get3A_68 : vector<256x96xf32>
    %reduce_sum3A_83 = arith.constant dense<0.000000e+00> : vector<256xf32>
    %reduce_sum3A_84 = vector.multi_reduction <add>, %mul3A_82, %reduce_sum3A_83 [1] : vector<256x96xf32> to vector<256xf32>
    %broadcast_in_dim3A_85 = vector.shape_cast %reduce_sum3A_84 : vector<256xf32> to vector<256x1xf32>
    %sqrt3A_86 = math.sqrt %broadcast_in_dim3A_85 : vector<256x1xf32>
    %max3A_87 = arith.constant 9.99999996E-13 : f32
    %max3A_88 = vector.broadcast %max3A_87 : f32 to vector<256x1xf32>
    %max3A_89 = arith.maximumf %sqrt3A_86, %max3A_88 : vector<256x1xf32>
    %div3A_90 = arith.constant 1.000000e+00 : f32
    %div3A_91 = vector.broadcast %div3A_90 : f32 to vector<256x1xf32>
    %div3A_92 = arith.divf %div3A_91, %max3A_89 : vector<256x1xf32>
    %mul3A_93 = vector.broadcast %div3A_92 : vector<256x1xf32> to vector<256x96xf32>
    %mul3A_94 = arith.mulf %get3A_68, %mul3A_93 : vector<256x96xf32>
    %dot_general3A_95 = arith.constant dense<0.000000e+00> : vector<1024x256xf32>
    %dot_general3A_96 = tpu.matmul %mul3A_81, %mul3A_94, %dot_general3A_95 {dimension_numbers = #tpu.dot_dimension_numbers<[1], [1], [0], [0], [0, 0, 1, 0], [], []>, transpose_lhs_hint = false} : vector<1024x96xf32>, vector<256x96xf32>, vector<1024x256xf32> -> vector<1024x256xf32>
    %reduce_max3A_97 = arith.constant dense<0xFF800000> : vector<1024xf32>
    %reduce_max3A_98 = vector.multi_reduction <maximumf>, %dot_general3A_96, %reduce_max3A_97 [1] : vector<1024x256xf32> to vector<1024xf32>
    %broadcast_in_dim3A_99 = vector.shape_cast %reduce_max3A_98 : vector<1024xf32> to vector<1024x1xf32>
    %iota3A_100 = tpu.iota {dimensions = array<i32: 1>} : vector<1024x256xi32>
    %convert_element_type3A_101 = arith.sitofp %iota3A_100 : vector<1024x256xi32> to vector<1024x256xf32>
    %eq3A_102 = vector.broadcast %broadcast_in_dim3A_99 : vector<1024x1xf32> to vector<1024x256xf32>
    %eq3A_103 = arith.cmpf oeq, %dot_general3A_96, %eq3A_102 : vector<1024x256xf32>
    %jit3A_104 = arith.constant 2.560000e+02 : f32
    %broadcast_in_dim3A_105 = vector.broadcast %jit3A_104 : f32 to vector<1024x256xf32>
    %select_n3A_106 = arith.select %eq3A_103, %convert_element_type3A_101, %broadcast_in_dim3A_105 : vector<1024x256xi1>, vector<1024x256xf32>
    %reduce_min3A_107 = arith.constant dense<0x7F800000> : vector<1024xf32>
    %reduce_min3A_108 = vector.multi_reduction <minimumf>, %select_n3A_106, %reduce_min3A_107 [1] : vector<1024x256xf32> to vector<1024xf32>
    %broadcast_in_dim3A_109 = vector.shape_cast %reduce_min3A_108 : vector<1024xf32> to vector<1024x1xf32>
    %eq3A_110 = vector.broadcast %broadcast_in_dim3A_109 : vector<1024x1xf32> to vector<1024x256xf32>
    %eq3A_111 = arith.cmpf oeq, %convert_element_type3A_101, %eq3A_110 : vector<1024x256xf32>
    %convert_element_type3A_112 = arith.extui %eq3A_111 : vector<1024x256xi1> to vector<1024x256xi32>
    %convert_element_type3A_113 = arith.sitofp %convert_element_type3A_112 : vector<1024x256xi32> to vector<1024x256xf32>
    %iota3A_114 = tpu.iota {dimensions = array<i32: 1>} : vector<1x256xi32>
    %convert_element_type3A_115 = arith.sitofp %iota3A_114 : vector<1x256xi32> to vector<1x256xf32>
    %dot_general3A_116 = arith.constant dense<0.000000e+00> : vector<1x1024xf32>
    %dot_general3A_117 = tpu.matmul %convert_element_type3A_115, %convert_element_type3A_113, %dot_general3A_116 {dimension_numbers = #tpu.dot_dimension_numbers<[1], [1], [0], [0], [0, 0, 1, 0], [], []>, transpose_lhs_hint = false} : vector<1x256xf32>, vector<1024x256xf32>, vector<1x1024xf32> -> vector<1x1024xf32>
    %convert_element_type3A_118 = arith.fptosi %dot_general3A_117 : vector<1x1024xf32> to vector<1x1024xi32>
    %mul3A_119 = arith.constant 4 : i32
    %mul3A_120 = arith.muli %arg0, %mul3A_119 : i32
    %add3A_121 = arith.constant 8 : i32
    %add3A_122 = arith.addi %add3A_121, %mul3A_120 : i32
    %add3A_123 = arith.constant 1 : i32
    %add3A_124 = arith.addi %add3A_122, %add3A_123 : i32
    %mul3A_125 = arith.constant 256 : i32
    %mul3A_126 = arith.muli %add3A_124, %mul3A_125 : i32
    %add3A_127 = vector.broadcast %mul3A_126 : i32 to vector<1x1024xi32>
    %add3A_128 = arith.addi %convert_element_type3A_118, %add3A_127 : vector<1x1024xi32>
    %squeeze3A_129 = vector.shape_cast %add3A_128 : vector<1x1024xi32> to vector<1024xi32>
    %swap3A_130 = arith.constant 0 : index
    %swap3A_131 = arith.constant 0 : index
    %swap3A_132 = arith.constant 1024 : index
    %swap3A_133 = vector.load %arg3[%swap3A_130, %swap3A_131, %swap3A_132] : memref<1x1x4096xi32, #tpu.memory_space<vmem>>, vector<1x1x1024xi32>
    %swap3A_134 = vector.shape_cast %swap3A_133 : vector<1x1x1024xi32> to vector<1024xi32>
    %swap3A_135 = vector.shape_cast %squeeze3A_129 : vector<1024xi32> to vector<1x1x1024xi32>
    tpu.vector_store %arg3[%swap3A_130, %swap3A_131, %swap3A_132], %swap3A_135 {strides = array<i32>} : memref<1x1x4096xi32, #tpu.memory_space<vmem>>, vector<1x1x1024xi32>,
    %get3A_136 = arith.constant 2 : index
    %get3A_137 = arith.constant 0 : index
    %get3A_138 = arith.constant 0 : index
    %get3A_139 = vector.load %arg1[%get3A_136, %get3A_137, %get3A_138] : memref<4x1024x96xf32, #tpu.memory_space<vmem>>, vector<1x1024x96xf32>
    %get3A_140 = vector.shape_cast %get3A_139 : vector<1x1024x96xf32> to vector<1024x96xf32>
    %get3A_141 = arith.constant 2 : index
    %get3A_142 = arith.constant 0 : index
    %get3A_143 = arith.constant 0 : index
    %get3A_144 = vector.load %arg2[%get3A_141, %get3A_142, %get3A_143] : memref<4x256x96xf32, #tpu.memory_space<vmem>>, vector<1x256x96xf32>
    %get3A_145 = vector.shape_cast %get3A_144 : vector<1x256x96xf32> to vector<256x96xf32>
    %mul3A_146 = arith.mulf %get3A_140, %get3A_140 : vector<1024x96xf32>
    %reduce_sum3A_147 = arith.constant dense<0.000000e+00> : vector<1024xf32>
    %reduce_sum3A_148 = vector.multi_reduction <add>, %mul3A_146, %reduce_sum3A_147 [1] : vector<1024x96xf32> to vector<1024xf32>
    %broadcast_in_dim3A_149 = vector.shape_cast %reduce_sum3A_148 : vector<1024xf32> to vector<1024x1xf32>
    %sqrt3A_150 = math.sqrt %broadcast_in_dim3A_149 : vector<1024x1xf32>
    %max3A_151 = arith.constant 9.99999996E-13 : f32
    %max3A_152 = vector.broadcast %max3A_151 : f32 to vector<1024x1xf32>
    %max3A_153 = arith.maximumf %sqrt3A_150, %max3A_152 : vector<1024x1xf32>
    %div3A_154 = arith.constant 1.000000e+00 : f32
    %div3A_155 = vector.broadcast %div3A_154 : f32 to vector<1024x1xf32>
    %div3A_156 = arith.divf %div3A_155, %max3A_153 : vector<1024x1xf32>
    %mul3A_157 = vector.broadcast %div3A_156 : vector<1024x1xf32> to vector<1024x96xf32>
    %mul3A_158 = arith.mulf %get3A_140, %mul3A_157 : vector<1024x96xf32>
    %mul3A_159 = arith.mulf %get3A_145, %get3A_145 : vector<256x96xf32>
    %reduce_sum3A_160 = arith.constant dense<0.000000e+00> : vector<256xf32>
    %reduce_sum3A_161 = vector.multi_reduction <add>, %mul3A_159, %reduce_sum3A_160 [1] : vector<256x96xf32> to vector<256xf32>
    %broadcast_in_dim3A_162 = vector.shape_cast %reduce_sum3A_161 : vector<256xf32> to vector<256x1xf32>
    %sqrt3A_163 = math.sqrt %broadcast_in_dim3A_162 : vector<256x1xf32>
    %max3A_164 = arith.constant 9.99999996E-13 : f32
    %max3A_165 = vector.broadcast %max3A_164 : f32 to vector<256x1xf32>
    %max3A_166 = arith.maximumf %sqrt3A_163, %max3A_165 : vector<256x1xf32>
    %div3A_167 = arith.constant 1.000000e+00 : f32
    %div3A_168 = vector.broadcast %div3A_167 : f32 to vector<256x1xf32>
    %div3A_169 = arith.divf %div3A_168, %max3A_166 : vector<256x1xf32>
    %mul3A_170 = vector.broadcast %div3A_169 : vector<256x1xf32> to vector<256x96xf32>
    %mul3A_171 = arith.mulf %get3A_145, %mul3A_170 : vector<256x96xf32>
    %dot_general3A_172 = arith.constant dense<0.000000e+00> : vector<1024x256xf32>
    %dot_general3A_173 = tpu.matmul %mul3A_158, %mul3A_171, %dot_general3A_172 {dimension_numbers = #tpu.dot_dimension_numbers<[1], [1], [0], [0], [0, 0, 1, 0], [], []>, transpose_lhs_hint = false} : vector<1024x96xf32>, vector<256x96xf32>, vector<1024x256xf32> -> vector<1024x256xf32>
    %reduce_max3A_174 = arith.constant dense<0xFF800000> : vector<1024xf32>
    %reduce_max3A_175 = vector.multi_reduction <maximumf>, %dot_general3A_173, %reduce_max3A_174 [1] : vector<1024x256xf32> to vector<1024xf32>
    %broadcast_in_dim3A_176 = vector.shape_cast %reduce_max3A_175 : vector<1024xf32> to vector<1024x1xf32>
    %iota3A_177 = tpu.iota {dimensions = array<i32: 1>} : vector<1024x256xi32>
    %convert_element_type3A_178 = arith.sitofp %iota3A_177 : vector<1024x256xi32> to vector<1024x256xf32>
    %eq3A_179 = vector.broadcast %broadcast_in_dim3A_176 : vector<1024x1xf32> to vector<1024x256xf32>
    %eq3A_180 = arith.cmpf oeq, %dot_general3A_173, %eq3A_179 : vector<1024x256xf32>
    %jit3A_181 = arith.constant 2.560000e+02 : f32
    %broadcast_in_dim3A_182 = vector.broadcast %jit3A_181 : f32 to vector<1024x256xf32>
    %select_n3A_183 = arith.select %eq3A_180, %convert_element_type3A_178, %broadcast_in_dim3A_182 : vector<1024x256xi1>, vector<1024x256xf32>
    %reduce_min3A_184 = arith.constant dense<0x7F800000> : vector<1024xf32>
    %reduce_min3A_185 = vector.multi_reduction <minimumf>, %select_n3A_183, %reduce_min3A_184 [1] : vector<1024x256xf32> to vector<1024xf32>
    %broadcast_in_dim3A_186 = vector.shape_cast %reduce_min3A_185 : vector<1024xf32> to vector<1024x1xf32>
    %eq3A_187 = vector.broadcast %broadcast_in_dim3A_186 : vector<1024x1xf32> to vector<1024x256xf32>
    %eq3A_188 = arith.cmpf oeq, %convert_element_type3A_178, %eq3A_187 : vector<1024x256xf32>
    %convert_element_type3A_189 = arith.extui %eq3A_188 : vector<1024x256xi1> to vector<1024x256xi32>
    %convert_element_type3A_190 = arith.sitofp %convert_element_type3A_189 : vector<1024x256xi32> to vector<1024x256xf32>
    %iota3A_191 = tpu.iota {dimensions = array<i32: 1>} : vector<1x256xi32>
    %convert_element_type3A_192 = arith.sitofp %iota3A_191 : vector<1x256xi32> to vector<1x256xf32>
    %dot_general3A_193 = arith.constant dense<0.000000e+00> : vector<1x1024xf32>
    %dot_general3A_194 = tpu.matmul %convert_element_type3A_192, %convert_element_type3A_190, %dot_general3A_193 {dimension_numbers = #tpu.dot_dimension_numbers<[1], [1], [0], [0], [0, 0, 1, 0], [], []>, transpose_lhs_hint = false} : vector<1x256xf32>, vector<1024x256xf32>, vector<1x1024xf32> -> vector<1x1024xf32>
    %convert_element_type3A_195 = arith.fptosi %dot_general3A_194 : vector<1x1024xf32> to vector<1x1024xi32>
    %mul3A_196 = arith.constant 4 : i32
    %mul3A_197 = arith.muli %arg0, %mul3A_196 : i32
    %add3A_198 = arith.constant 8 : i32
    %add3A_199 = arith.addi %add3A_198, %mul3A_197 : i32
    %add3A_200 = arith.constant 2 : i32
    %add3A_201 = arith.addi %add3A_199, %add3A_200 : i32
    %mul3A_202 = arith.constant 256 : i32
    %mul3A_203 = arith.muli %add3A_201, %mul3A_202 : i32
    %add3A_204 = vector.broadcast %mul3A_203 : i32 to vector<1x1024xi32>
    %add3A_205 = arith.addi %convert_element_type3A_195, %add3A_204 : vector<1x1024xi32>
    %squeeze3A_206 = vector.shape_cast %add3A_205 : vector<1x1024xi32> to vector<1024xi32>
    %swap3A_207 = arith.constant 0 : index
    %swap3A_208 = arith.constant 0 : index
    %swap3A_209 = arith.constant 2048 : index
    %swap3A_210 = vector.load %arg3[%swap3A_207, %swap3A_208, %swap3A_209] : memref<1x1x4096xi32, #tpu.memory_space<vmem>>, vector<1x1x1024xi32>
    %swap3A_211 = vector.shape_cast %swap3A_210 : vector<1x1x1024xi32> to vector<1024xi32>
    %swap3A_212 = vector.shape_cast %squeeze3A_206 : vector<1024xi32> to vector<1x1x1024xi32>
    tpu.vector_store %arg3[%swap3A_207, %swap3A_208, %swap3A_209], %swap3A_212 {strides = array<i32>} : memref<1x1x4096xi32, #tpu.memory_space<vmem>>, vector<1x1x1024xi32>,
    %get3A_213 = arith.constant 3 : index
    %get3A_214 = arith.constant 0 : index
    %get3A_215 = arith.constant 0 : index
    %get3A_216 = vector.load %arg1[%get3A_213, %get3A_214, %get3A_215] : memref<4x1024x96xf32, #tpu.memory_space<vmem>>, vector<1x1024x96xf32>
    %get3A_217 = vector.shape_cast %get3A_216 : vector<1x1024x96xf32> to vector<1024x96xf32>
    %get3A_218 = arith.constant 3 : index
    %get3A_219 = arith.constant 0 : index
    %get3A_220 = arith.constant 0 : index
    %get3A_221 = vector.load %arg2[%get3A_218, %get3A_219, %get3A_220] : memref<4x256x96xf32, #tpu.memory_space<vmem>>, vector<1x256x96xf32>
    %get3A_222 = vector.shape_cast %get3A_221 : vector<1x256x96xf32> to vector<256x96xf32>
    %mul3A_223 = arith.mulf %get3A_217, %get3A_217 : vector<1024x96xf32>
    %reduce_sum3A_224 = arith.constant dense<0.000000e+00> : vector<1024xf32>
    %reduce_sum3A_225 = vector.multi_reduction <add>, %mul3A_223, %reduce_sum3A_224 [1] : vector<1024x96xf32> to vector<1024xf32>
    %broadcast_in_dim3A_226 = vector.shape_cast %reduce_sum3A_225 : vector<1024xf32> to vector<1024x1xf32>
    %sqrt3A_227 = math.sqrt %broadcast_in_dim3A_226 : vector<1024x1xf32>
    %max3A_228 = arith.constant 9.99999996E-13 : f32
    %max3A_229 = vector.broadcast %max3A_228 : f32 to vector<1024x1xf32>
    %max3A_230 = arith.maximumf %sqrt3A_227, %max3A_229 : vector<1024x1xf32>
    %div3A_231 = arith.constant 1.000000e+00 : f32
    %div3A_232 = vector.broadcast %div3A_231 : f32 to vector<1024x1xf32>
    %div3A_233 = arith.divf %div3A_232, %max3A_230 : vector<1024x1xf32>
    %mul3A_234 = vector.broadcast %div3A_233 : vector<1024x1xf32> to vector<1024x96xf32>
    %mul3A_235 = arith.mulf %get3A_217, %mul3A_234 : vector<1024x96xf32>
    %mul3A_236 = arith.mulf %get3A_222, %get3A_222 : vector<256x96xf32>
    %reduce_sum3A_237 = arith.constant dense<0.000000e+00> : vector<256xf32>
    %reduce_sum3A_238 = vector.multi_reduction <add>, %mul3A_236, %reduce_sum3A_237 [1] : vector<256x96xf32> to vector<256xf32>
    %broadcast_in_dim3A_239 = vector.shape_cast %reduce_sum3A_238 : vector<256xf32> to vector<256x1xf32>
    %sqrt3A_240 = math.sqrt %broadcast_in_dim3A_239 : vector<256x1xf32>
    %max3A_241 = arith.constant 9.99999996E-13 : f32
    %max3A_242 = vector.broadcast %max3A_241 : f32 to vector<256x1xf32>
    %max3A_243 = arith.maximumf %sqrt3A_240, %max3A_242 : vector<256x1xf32>
    %div3A_244 = arith.constant 1.000000e+00 : f32
    %div3A_245 = vector.broadcast %div3A_244 : f32 to vector<256x1xf32>
    %div3A_246 = arith.divf %div3A_245, %max3A_243 : vector<256x1xf32>
    %mul3A_247 = vector.broadcast %div3A_246 : vector<256x1xf32> to vector<256x96xf32>
    %mul3A_248 = arith.mulf %get3A_222, %mul3A_247 : vector<256x96xf32>
    %dot_general3A_249 = arith.constant dense<0.000000e+00> : vector<1024x256xf32>
    %dot_general3A_250 = tpu.matmul %mul3A_235, %mul3A_248, %dot_general3A_249 {dimension_numbers = #tpu.dot_dimension_numbers<[1], [1], [0], [0], [0, 0, 1, 0], [], []>, transpose_lhs_hint = false} : vector<1024x96xf32>, vector<256x96xf32>, vector<1024x256xf32> -> vector<1024x256xf32>
    %reduce_max3A_251 = arith.constant dense<0xFF800000> : vector<1024xf32>
    %reduce_max3A_252 = vector.multi_reduction <maximumf>, %dot_general3A_250, %reduce_max3A_251 [1] : vector<1024x256xf32> to vector<1024xf32>
    %broadcast_in_dim3A_253 = vector.shape_cast %reduce_max3A_252 : vector<1024xf32> to vector<1024x1xf32>
    %iota3A_254 = tpu.iota {dimensions = array<i32: 1>} : vector<1024x256xi32>
    %convert_element_type3A_255 = arith.sitofp %iota3A_254 : vector<1024x256xi32> to vector<1024x256xf32>
    %eq3A_256 = vector.broadcast %broadcast_in_dim3A_253 : vector<1024x1xf32> to vector<1024x256xf32>
    %eq3A_257 = arith.cmpf oeq, %dot_general3A_250, %eq3A_256 : vector<1024x256xf32>
    %jit3A_258 = arith.constant 2.560000e+02 : f32
    %broadcast_in_dim3A_259 = vector.broadcast %jit3A_258 : f32 to vector<1024x256xf32>
    %select_n3A_260 = arith.select %eq3A_257, %convert_element_type3A_255, %broadcast_in_dim3A_259 : vector<1024x256xi1>, vector<1024x256xf32>
    %reduce_min3A_261 = arith.constant dense<0x7F800000> : vector<1024xf32>
    %reduce_min3A_262 = vector.multi_reduction <minimumf>, %select_n3A_260, %reduce_min3A_261 [1] : vector<1024x256xf32> to vector<1024xf32>
    %broadcast_in_dim3A_263 = vector.shape_cast %reduce_min3A_262 : vector<1024xf32> to vector<1024x1xf32>
    %eq3A_264 = vector.broadcast %broadcast_in_dim3A_263 : vector<1024x1xf32> to vector<1024x256xf32>
    %eq3A_265 = arith.cmpf oeq, %convert_element_type3A_255, %eq3A_264 : vector<1024x256xf32>
    %convert_element_type3A_266 = arith.extui %eq3A_265 : vector<1024x256xi1> to vector<1024x256xi32>
    %convert_element_type3A_267 = arith.sitofp %convert_element_type3A_266 : vector<1024x256xi32> to vector<1024x256xf32>
    %iota3A_268 = tpu.iota {dimensions = array<i32: 1>} : vector<1x256xi32>
    %convert_element_type3A_269 = arith.sitofp %iota3A_268 : vector<1x256xi32> to vector<1x256xf32>
    %dot_general3A_270 = arith.constant dense<0.000000e+00> : vector<1x1024xf32>
    %dot_general3A_271 = tpu.matmul %convert_element_type3A_269, %convert_element_type3A_267, %dot_general3A_270 {dimension_numbers = #tpu.dot_dimension_numbers<[1], [1], [0], [0], [0, 0, 1, 0], [], []>, transpose_lhs_hint = false} : vector<1x256xf32>, vector<1024x256xf32>, vector<1x1024xf32> -> vector<1x1024xf32>
    %convert_element_type3A_272 = arith.fptosi %dot_general3A_271 : vector<1x1024xf32> to vector<1x1024xi32>
    %mul3A_273 = arith.constant 4 : i32
    %mul3A_274 = arith.muli %arg0, %mul3A_273 : i32
    %add3A_275 = arith.constant 8 : i32
    %add3A_276 = arith.addi %add3A_275, %mul3A_274 : i32
    %add3A_277 = arith.constant 3 : i32
    %add3A_278 = arith.addi %add3A_276, %add3A_277 : i32
    %mul3A_279 = arith.constant 256 : i32
    %mul3A_280 = arith.muli %add3A_278, %mul3A_279 : i32
    %add3A_281 = vector.broadcast %mul3A_280 : i32 to vector<1x1024xi32>
    %add3A_282 = arith.addi %convert_element_type3A_272, %add3A_281 : vector<1x1024xi32>
    %squeeze3A_283 = vector.shape_cast %add3A_282 : vector<1x1024xi32> to vector<1024xi32>
    %swap3A_284 = arith.constant 0 : index
    %swap3A_285 = arith.constant 0 : index
    %swap3A_286 = arith.constant 3072 : index
    %swap3A_287 = vector.load %arg3[%swap3A_284, %swap3A_285, %swap3A_286] : memref<1x1x4096xi32, #tpu.memory_space<vmem>>, vector<1x1x1024xi32>
    %swap3A_288 = vector.shape_cast %swap3A_287 : vector<1x1x1024xi32> to vector<1024xi32>
    %swap3A_289 = vector.shape_cast %squeeze3A_283 : vector<1024xi32> to vector<1x1x1024xi32>
    tpu.vector_store %arg3[%swap3A_284, %swap3A_285, %swap3A_286], %swap3A_289 {strides = array<i32>} : memref<1x1x4096xi32, #tpu.memory_space<vmem>>, vector<1x1x1024xi32>,
    return
  }
  func.func @transform_0(%arg0: i32) -> (i32, i32, i32) {
    %add3A = arith.constant 2 : i32
    %add3A_0 = arith.addi %add3A, %arg0 : i32
    %c0_i32 = arith.constant 0 : i32
    %c0_i32_1 = arith.constant 0 : i32
    %c0_i32_2 = arith.constant 0 : i32
    return %add3A_0, %c0_i32, %c0_i32_1 : i32, i32, i32
  }
  func.func @transform_1(%arg0: i32) -> (i32, i32, i32) {
    %add3A = arith.constant 2 : i32
    %add3A_0 = arith.addi %add3A, %arg0 : i32
    %c0_i32 = arith.constant 0 : i32
    %c0_i32_1 = arith.constant 0 : i32
    %c0_i32_2 = arith.constant 0 : i32
    return %add3A_0, %c0_i32, %c0_i32_1 : i32, i32, i32
  }
  func.func @transform_2(%arg0: i32) -> (i32, i32, i32) {
    %c0_i32 = arith.constant 0 : i32
    %c0_i32_0 = arith.constant 0 : i32
    %c0_i32_1 = arith.constant 0 : i32
    return %arg0, %c0_i32, %c0_i32_0 : i32, i32, i32
  }
}

module attributes {stable_mosaic.version = 14 : i64} {
  func.func @_argmin_kernel(%arg0: i32, %arg1: memref<4x1024x96xf32, #tpu.memory_space<vmem>>, %arg2: memref<4x256x96xf32, #tpu.memory_space<vmem>>, %arg3: memref<1x1x4096xi32, #tpu.memory_space<vmem>>) attributes {dimension_semantics = [#tpu.dimension_semantics<arbitrary>], iteration_bounds = array<i64: 2>, scalar_prefetch = 0 : i64, scratch_operands = 0 : i64, tpu.core_type = #tpu.core_type<tc>, window_params = [{transform_indices = @transform_0, window_bounds = array<i64: 4, 1024, 96>}, {transform_indices = @transform_1, window_bounds = array<i64: 4, 256, 96>}, {transform_indices = @transform_2, window_bounds = array<i64: 1, 1, 4096>}]} {
    %get3A = arith.constant 0 : index
    %get3A_0 = arith.constant 0 : index
    %get3A_1 = arith.constant 0 : index
    %get3A_2 = vector.load %arg1[%get3A, %get3A_0, %get3A_1] : memref<4x1024x96xf32, #tpu.memory_space<vmem>>, vector<1x1024x96xf32>
    %get3A_3 = vector.shape_cast %get3A_2 : vector<1x1024x96xf32> to vector<1024x96xf32>
    %get3A_4 = arith.constant 0 : index
    %get3A_5 = arith.constant 0 : index
    %get3A_6 = arith.constant 0 : index
    %get3A_7 = vector.load %arg2[%get3A_4, %get3A_5, %get3A_6] : memref<4x256x96xf32, #tpu.memory_space<vmem>>, vector<1x256x96xf32>
    %get3A_8 = vector.shape_cast %get3A_7 : vector<1x256x96xf32> to vector<256x96xf32>
    %mul3A = arith.mulf %get3A_3, %get3A_3 : vector<1024x96xf32>
    %reduce_sum3A = arith.constant dense<0.000000e+00> : vector<1024xf32>
    %reduce_sum3A_9 = vector.multi_reduction <add>, %mul3A, %reduce_sum3A [1] : vector<1024x96xf32> to vector<1024xf32>
    %broadcast_in_dim3A = vector.shape_cast %reduce_sum3A_9 : vector<1024xf32> to vector<1024x1xf32>
    %sqrt3A = math.sqrt %broadcast_in_dim3A : vector<1024x1xf32>
    %max3A = arith.constant 9.99999996E-13 : f32
    %max3A_10 = vector.broadcast %max3A : f32 to vector<1024x1xf32>
    %max3A_11 = arith.maximumf %sqrt3A, %max3A_10 : vector<1024x1xf32>
    %div3A = arith.constant 1.000000e+00 : f32
    %div3A_12 = vector.broadcast %div3A : f32 to vector<1024x1xf32>
    %div3A_13 = arith.divf %div3A_12, %max3A_11 : vector<1024x1xf32>
    %mul3A_14 = vector.broadcast %div3A_13 : vector<1024x1xf32> to vector<1024x96xf32>
    %mul3A_15 = arith.mulf %get3A_3, %mul3A_14 : vector<1024x96xf32>
    %mul3A_16 = arith.mulf %get3A_8, %get3A_8 : vector<256x96xf32>
    %reduce_sum3A_17 = arith.constant dense<0.000000e+00> : vector<256xf32>
    %reduce_sum3A_18 = vector.multi_reduction <add>, %mul3A_16, %reduce_sum3A_17 [1] : vector<256x96xf32> to vector<256xf32>
    %broadcast_in_dim3A_19 = vector.shape_cast %reduce_sum3A_18 : vector<256xf32> to vector<256x1xf32>
    %sqrt3A_20 = math.sqrt %broadcast_in_dim3A_19 : vector<256x1xf32>
    %max3A_21 = arith.constant 9.99999996E-13 : f32
    %max3A_22 = vector.broadcast %max3A_21 : f32 to vector<256x1xf32>
    %max3A_23 = arith.maximumf %sqrt3A_20, %max3A_22 : vector<256x1xf32>
    %div3A_24 = arith.constant 1.000000e+00 : f32
    %div3A_25 = vector.broadcast %div3A_24 : f32 to vector<256x1xf32>
    %div3A_26 = arith.divf %div3A_25, %max3A_23 : vector<256x1xf32>
    %mul3A_27 = vector.broadcast %div3A_26 : vector<256x1xf32> to vector<256x96xf32>
    %mul3A_28 = arith.mulf %get3A_8, %mul3A_27 : vector<256x96xf32>
    %dot_general3A = arith.constant dense<0.000000e+00> : vector<1024x256xf32>
    %dot_general3A_29 = tpu.matmul %mul3A_15, %mul3A_28, %dot_general3A {dimension_numbers = #tpu.dot_dimension_numbers<[1], [1], [0], [0], [0, 0, 1, 0], [], []>, transpose_lhs_hint = false} : vector<1024x96xf32>, vector<256x96xf32>, vector<1024x256xf32> -> vector<1024x256xf32>
    %reduce_max3A = arith.constant dense<0xFF800000> : vector<1024xf32>
    %reduce_max3A_30 = vector.multi_reduction <maximumf>, %dot_general3A_29, %reduce_max3A [1] : vector<1024x256xf32> to vector<1024xf32>
    %broadcast_in_dim3A_31 = vector.shape_cast %reduce_max3A_30 : vector<1024xf32> to vector<1024x1xf32>
    %iota3A = tpu.iota {dimensions = array<i32: 1>} : vector<1024x256xi32>
    %convert_element_type3A = arith.sitofp %iota3A : vector<1024x256xi32> to vector<1024x256xf32>
    %eq3A = vector.broadcast %broadcast_in_dim3A_31 : vector<1024x1xf32> to vector<1024x256xf32>
    %eq3A_32 = arith.cmpf oeq, %dot_general3A_29, %eq3A : vector<1024x256xf32>
    %jit3A = arith.constant 2.560000e+02 : f32
    %broadcast_in_dim3A_33 = vector.broadcast %jit3A : f32 to vector<1024x256xf32>
    %select_n3A = arith.select %eq3A_32, %convert_element_type3A, %broadcast_in_dim3A_33 : vector<1024x256xi1>, vector<1024x256xf32>
    %reduce_min3A = arith.constant dense<0x7F800000> : vector<1024xf32>
    %reduce_min3A_34 = vector.multi_reduction <minimumf>, %select_n3A, %reduce_min3A [1] : vector<1024x256xf32> to vector<1024xf32>
    %broadcast_in_dim3A_35 = vector.shape_cast %reduce_min3A_34 : vector<1024xf32> to vector<1024x1xf32>
    %eq3A_36 = vector.broadcast %broadcast_in_dim3A_35 : vector<1024x1xf32> to vector<1024x256xf32>
    %eq3A_37 = arith.cmpf oeq, %convert_element_type3A, %eq3A_36 : vector<1024x256xf32>
    %convert_element_type3A_38 = arith.extui %eq3A_37 : vector<1024x256xi1> to vector<1024x256xi32>
    %convert_element_type3A_39 = arith.sitofp %convert_element_type3A_38 : vector<1024x256xi32> to vector<1024x256xf32>
    %iota3A_40 = tpu.iota {dimensions = array<i32: 1>} : vector<1x256xi32>
    %convert_element_type3A_41 = arith.sitofp %iota3A_40 : vector<1x256xi32> to vector<1x256xf32>
    %dot_general3A_42 = arith.constant dense<0.000000e+00> : vector<1x1024xf32>
    %dot_general3A_43 = tpu.matmul %convert_element_type3A_41, %convert_element_type3A_39, %dot_general3A_42 {dimension_numbers = #tpu.dot_dimension_numbers<[1], [1], [0], [0], [0, 0, 1, 0], [], []>, transpose_lhs_hint = false} : vector<1x256xf32>, vector<1024x256xf32>, vector<1x1024xf32> -> vector<1x1024xf32>
    %convert_element_type3A_44 = arith.fptosi %dot_general3A_43 : vector<1x1024xf32> to vector<1x1024xi32>
    %mul3A_45 = arith.constant 4 : i32
    %mul3A_46 = arith.muli %arg0, %mul3A_45 : i32
    %add3A = arith.constant 0 : i32
    %add3A_47 = arith.addi %add3A, %mul3A_46 : i32
    %add3A_48 = arith.constant 0 : i32
    %add3A_49 = arith.addi %add3A_47, %add3A_48 : i32
    %mul3A_50 = arith.constant 256 : i32
    %mul3A_51 = arith.muli %add3A_49, %mul3A_50 : i32
    %add3A_52 = vector.broadcast %mul3A_51 : i32 to vector<1x1024xi32>
    %add3A_53 = arith.addi %convert_element_type3A_44, %add3A_52 : vector<1x1024xi32>
    %squeeze3A = vector.shape_cast %add3A_53 : vector<1x1024xi32> to vector<1024xi32>
    %swap3A = arith.constant 0 : index
    %swap3A_54 = arith.constant 0 : index
    %swap3A_55 = arith.constant 0 : index
    %swap3A_56 = vector.load %arg3[%swap3A, %swap3A_54, %swap3A_55] : memref<1x1x4096xi32, #tpu.memory_space<vmem>>, vector<1x1x1024xi32>
    %swap3A_57 = vector.shape_cast %swap3A_56 : vector<1x1x1024xi32> to vector<1024xi32>
    %swap3A_58 = vector.shape_cast %squeeze3A : vector<1024xi32> to vector<1x1x1024xi32>
    tpu.vector_store %arg3[%swap3A, %swap3A_54, %swap3A_55], %swap3A_58 {strides = array<i32>} : memref<1x1x4096xi32, #tpu.memory_space<vmem>>, vector<1x1x1024xi32>,
    %get3A_59 = arith.constant 1 : index
    %get3A_60 = arith.constant 0 : index
    %get3A_61 = arith.constant 0 : index
    %get3A_62 = vector.load %arg1[%get3A_59, %get3A_60, %get3A_61] : memref<4x1024x96xf32, #tpu.memory_space<vmem>>, vector<1x1024x96xf32>
    %get3A_63 = vector.shape_cast %get3A_62 : vector<1x1024x96xf32> to vector<1024x96xf32>
    %get3A_64 = arith.constant 1 : index
    %get3A_65 = arith.constant 0 : index
    %get3A_66 = arith.constant 0 : index
    %get3A_67 = vector.load %arg2[%get3A_64, %get3A_65, %get3A_66] : memref<4x256x96xf32, #tpu.memory_space<vmem>>, vector<1x256x96xf32>
    %get3A_68 = vector.shape_cast %get3A_67 : vector<1x256x96xf32> to vector<256x96xf32>
    %mul3A_69 = arith.mulf %get3A_63, %get3A_63 : vector<1024x96xf32>
    %reduce_sum3A_70 = arith.constant dense<0.000000e+00> : vector<1024xf32>
    %reduce_sum3A_71 = vector.multi_reduction <add>, %mul3A_69, %reduce_sum3A_70 [1] : vector<1024x96xf32> to vector<1024xf32>
    %broadcast_in_dim3A_72 = vector.shape_cast %reduce_sum3A_71 : vector<1024xf32> to vector<1024x1xf32>
    %sqrt3A_73 = math.sqrt %broadcast_in_dim3A_72 : vector<1024x1xf32>
    %max3A_74 = arith.constant 9.99999996E-13 : f32
    %max3A_75 = vector.broadcast %max3A_74 : f32 to vector<1024x1xf32>
    %max3A_76 = arith.maximumf %sqrt3A_73, %max3A_75 : vector<1024x1xf32>
    %div3A_77 = arith.constant 1.000000e+00 : f32
    %div3A_78 = vector.broadcast %div3A_77 : f32 to vector<1024x1xf32>
    %div3A_79 = arith.divf %div3A_78, %max3A_76 : vector<1024x1xf32>
    %mul3A_80 = vector.broadcast %div3A_79 : vector<1024x1xf32> to vector<1024x96xf32>
    %mul3A_81 = arith.mulf %get3A_63, %mul3A_80 : vector<1024x96xf32>
    %mul3A_82 = arith.mulf %get3A_68, %get3A_68 : vector<256x96xf32>
    %reduce_sum3A_83 = arith.constant dense<0.000000e+00> : vector<256xf32>
    %reduce_sum3A_84 = vector.multi_reduction <add>, %mul3A_82, %reduce_sum3A_83 [1] : vector<256x96xf32> to vector<256xf32>
    %broadcast_in_dim3A_85 = vector.shape_cast %reduce_sum3A_84 : vector<256xf32> to vector<256x1xf32>
    %sqrt3A_86 = math.sqrt %broadcast_in_dim3A_85 : vector<256x1xf32>
    %max3A_87 = arith.constant 9.99999996E-13 : f32
    %max3A_88 = vector.broadcast %max3A_87 : f32 to vector<256x1xf32>
    %max3A_89 = arith.maximumf %sqrt3A_86, %max3A_88 : vector<256x1xf32>
    %div3A_90 = arith.constant 1.000000e+00 : f32
    %div3A_91 = vector.broadcast %div3A_90 : f32 to vector<256x1xf32>
    %div3A_92 = arith.divf %div3A_91, %max3A_89 : vector<256x1xf32>
    %mul3A_93 = vector.broadcast %div3A_92 : vector<256x1xf32> to vector<256x96xf32>
    %mul3A_94 = arith.mulf %get3A_68, %mul3A_93 : vector<256x96xf32>
    %dot_general3A_95 = arith.constant dense<0.000000e+00> : vector<1024x256xf32>
    %dot_general3A_96 = tpu.matmul %mul3A_81, %mul3A_94, %dot_general3A_95 {dimension_numbers = #tpu.dot_dimension_numbers<[1], [1], [0], [0], [0, 0, 1, 0], [], []>, transpose_lhs_hint = false} : vector<1024x96xf32>, vector<256x96xf32>, vector<1024x256xf32> -> vector<1024x256xf32>
    %reduce_max3A_97 = arith.constant dense<0xFF800000> : vector<1024xf32>
    %reduce_max3A_98 = vector.multi_reduction <maximumf>, %dot_general3A_96, %reduce_max3A_97 [1] : vector<1024x256xf32> to vector<1024xf32>
    %broadcast_in_dim3A_99 = vector.shape_cast %reduce_max3A_98 : vector<1024xf32> to vector<1024x1xf32>
    %iota3A_100 = tpu.iota {dimensions = array<i32: 1>} : vector<1024x256xi32>
    %convert_element_type3A_101 = arith.sitofp %iota3A_100 : vector<1024x256xi32> to vector<1024x256xf32>
    %eq3A_102 = vector.broadcast %broadcast_in_dim3A_99 : vector<1024x1xf32> to vector<1024x256xf32>
    %eq3A_103 = arith.cmpf oeq, %dot_general3A_96, %eq3A_102 : vector<1024x256xf32>
    %jit3A_104 = arith.constant 2.560000e+02 : f32
    %broadcast_in_dim3A_105 = vector.broadcast %jit3A_104 : f32 to vector<1024x256xf32>
    %select_n3A_106 = arith.select %eq3A_103, %convert_element_type3A_101, %broadcast_in_dim3A_105 : vector<1024x256xi1>, vector<1024x256xf32>
    %reduce_min3A_107 = arith.constant dense<0x7F800000> : vector<1024xf32>
    %reduce_min3A_108 = vector.multi_reduction <minimumf>, %select_n3A_106, %reduce_min3A_107 [1] : vector<1024x256xf32> to vector<1024xf32>
    %broadcast_in_dim3A_109 = vector.shape_cast %reduce_min3A_108 : vector<1024xf32> to vector<1024x1xf32>
    %eq3A_110 = vector.broadcast %broadcast_in_dim3A_109 : vector<1024x1xf32> to vector<1024x256xf32>
    %eq3A_111 = arith.cmpf oeq, %convert_element_type3A_101, %eq3A_110 : vector<1024x256xf32>
    %convert_element_type3A_112 = arith.extui %eq3A_111 : vector<1024x256xi1> to vector<1024x256xi32>
    %convert_element_type3A_113 = arith.sitofp %convert_element_type3A_112 : vector<1024x256xi32> to vector<1024x256xf32>
    %iota3A_114 = tpu.iota {dimensions = array<i32: 1>} : vector<1x256xi32>
    %convert_element_type3A_115 = arith.sitofp %iota3A_114 : vector<1x256xi32> to vector<1x256xf32>
    %dot_general3A_116 = arith.constant dense<0.000000e+00> : vector<1x1024xf32>
    %dot_general3A_117 = tpu.matmul %convert_element_type3A_115, %convert_element_type3A_113, %dot_general3A_116 {dimension_numbers = #tpu.dot_dimension_numbers<[1], [1], [0], [0], [0, 0, 1, 0], [], []>, transpose_lhs_hint = false} : vector<1x256xf32>, vector<1024x256xf32>, vector<1x1024xf32> -> vector<1x1024xf32>
    %convert_element_type3A_118 = arith.fptosi %dot_general3A_117 : vector<1x1024xf32> to vector<1x1024xi32>
    %mul3A_119 = arith.constant 4 : i32
    %mul3A_120 = arith.muli %arg0, %mul3A_119 : i32
    %add3A_121 = arith.constant 0 : i32
    %add3A_122 = arith.addi %add3A_121, %mul3A_120 : i32
    %add3A_123 = arith.constant 1 : i32
    %add3A_124 = arith.addi %add3A_122, %add3A_123 : i32
    %mul3A_125 = arith.constant 256 : i32
    %mul3A_126 = arith.muli %add3A_124, %mul3A_125 : i32
    %add3A_127 = vector.broadcast %mul3A_126 : i32 to vector<1x1024xi32>
    %add3A_128 = arith.addi %convert_element_type3A_118, %add3A_127 : vector<1x1024xi32>
    %squeeze3A_129 = vector.shape_cast %add3A_128 : vector<1x1024xi32> to vector<1024xi32>
    %swap3A_130 = arith.constant 0 : index
    %swap3A_131 = arith.constant 0 : index
    %swap3A_132 = arith.constant 1024 : index
    %swap3A_133 = vector.load %arg3[%swap3A_130, %swap3A_131, %swap3A_132] : memref<1x1x4096xi32, #tpu.memory_space<vmem>>, vector<1x1x1024xi32>
    %swap3A_134 = vector.shape_cast %swap3A_133 : vector<1x1x1024xi32> to vector<1024xi32>
    %swap3A_135 = vector.shape_cast %squeeze3A_129 : vector<1024xi32> to vector<1x1x1024xi32>
    tpu.vector_store %arg3[%swap3A_130, %swap3A_131, %swap3A_132], %swap3A_135 {strides = array<i32>} : memref<1x1x4096xi32, #tpu.memory_space<vmem>>, vector<1x1x1024xi32>,
    %get3A_136 = arith.constant 2 : index
    %get3A_137 = arith.constant 0 : index
    %get3A_138 = arith.constant 0 : index
    %get3A_139 = vector.load %arg1[%get3A_136, %get3A_137, %get3A_138] : memref<4x1024x96xf32, #tpu.memory_space<vmem>>, vector<1x1024x96xf32>
    %get3A_140 = vector.shape_cast %get3A_139 : vector<1x1024x96xf32> to vector<1024x96xf32>
    %get3A_141 = arith.constant 2 : index
    %get3A_142 = arith.constant 0 : index
    %get3A_143 = arith.constant 0 : index
    %get3A_144 = vector.load %arg2[%get3A_141, %get3A_142, %get3A_143] : memref<4x256x96xf32, #tpu.memory_space<vmem>>, vector<1x256x96xf32>
    %get3A_145 = vector.shape_cast %get3A_144 : vector<1x256x96xf32> to vector<256x96xf32>
    %mul3A_146 = arith.mulf %get3A_140, %get3A_140 : vector<1024x96xf32>
    %reduce_sum3A_147 = arith.constant dense<0.000000e+00> : vector<1024xf32>
    %reduce_sum3A_148 = vector.multi_reduction <add>, %mul3A_146, %reduce_sum3A_147 [1] : vector<1024x96xf32> to vector<1024xf32>
    %broadcast_in_dim3A_149 = vector.shape_cast %reduce_sum3A_148 : vector<1024xf32> to vector<1024x1xf32>
    %sqrt3A_150 = math.sqrt %broadcast_in_dim3A_149 : vector<1024x1xf32>
    %max3A_151 = arith.constant 9.99999996E-13 : f32
    %max3A_152 = vector.broadcast %max3A_151 : f32 to vector<1024x1xf32>
    %max3A_153 = arith.maximumf %sqrt3A_150, %max3A_152 : vector<1024x1xf32>
    %div3A_154 = arith.constant 1.000000e+00 : f32
    %div3A_155 = vector.broadcast %div3A_154 : f32 to vector<1024x1xf32>
    %div3A_156 = arith.divf %div3A_155, %max3A_153 : vector<1024x1xf32>
    %mul3A_157 = vector.broadcast %div3A_156 : vector<1024x1xf32> to vector<1024x96xf32>
    %mul3A_158 = arith.mulf %get3A_140, %mul3A_157 : vector<1024x96xf32>
    %mul3A_159 = arith.mulf %get3A_145, %get3A_145 : vector<256x96xf32>
    %reduce_sum3A_160 = arith.constant dense<0.000000e+00> : vector<256xf32>
    %reduce_sum3A_161 = vector.multi_reduction <add>, %mul3A_159, %reduce_sum3A_160 [1] : vector<256x96xf32> to vector<256xf32>
    %broadcast_in_dim3A_162 = vector.shape_cast %reduce_sum3A_161 : vector<256xf32> to vector<256x1xf32>
    %sqrt3A_163 = math.sqrt %broadcast_in_dim3A_162 : vector<256x1xf32>
    %max3A_164 = arith.constant 9.99999996E-13 : f32
    %max3A_165 = vector.broadcast %max3A_164 : f32 to vector<256x1xf32>
    %max3A_166 = arith.maximumf %sqrt3A_163, %max3A_165 : vector<256x1xf32>
    %div3A_167 = arith.constant 1.000000e+00 : f32
    %div3A_168 = vector.broadcast %div3A_167 : f32 to vector<256x1xf32>
    %div3A_169 = arith.divf %div3A_168, %max3A_166 : vector<256x1xf32>
    %mul3A_170 = vector.broadcast %div3A_169 : vector<256x1xf32> to vector<256x96xf32>
    %mul3A_171 = arith.mulf %get3A_145, %mul3A_170 : vector<256x96xf32>
    %dot_general3A_172 = arith.constant dense<0.000000e+00> : vector<1024x256xf32>
    %dot_general3A_173 = tpu.matmul %mul3A_158, %mul3A_171, %dot_general3A_172 {dimension_numbers = #tpu.dot_dimension_numbers<[1], [1], [0], [0], [0, 0, 1, 0], [], []>, transpose_lhs_hint = false} : vector<1024x96xf32>, vector<256x96xf32>, vector<1024x256xf32> -> vector<1024x256xf32>
    %reduce_max3A_174 = arith.constant dense<0xFF800000> : vector<1024xf32>
    %reduce_max3A_175 = vector.multi_reduction <maximumf>, %dot_general3A_173, %reduce_max3A_174 [1] : vector<1024x256xf32> to vector<1024xf32>
    %broadcast_in_dim3A_176 = vector.shape_cast %reduce_max3A_175 : vector<1024xf32> to vector<1024x1xf32>
    %iota3A_177 = tpu.iota {dimensions = array<i32: 1>} : vector<1024x256xi32>
    %convert_element_type3A_178 = arith.sitofp %iota3A_177 : vector<1024x256xi32> to vector<1024x256xf32>
    %eq3A_179 = vector.broadcast %broadcast_in_dim3A_176 : vector<1024x1xf32> to vector<1024x256xf32>
    %eq3A_180 = arith.cmpf oeq, %dot_general3A_173, %eq3A_179 : vector<1024x256xf32>
    %jit3A_181 = arith.constant 2.560000e+02 : f32
    %broadcast_in_dim3A_182 = vector.broadcast %jit3A_181 : f32 to vector<1024x256xf32>
    %select_n3A_183 = arith.select %eq3A_180, %convert_element_type3A_178, %broadcast_in_dim3A_182 : vector<1024x256xi1>, vector<1024x256xf32>
    %reduce_min3A_184 = arith.constant dense<0x7F800000> : vector<1024xf32>
    %reduce_min3A_185 = vector.multi_reduction <minimumf>, %select_n3A_183, %reduce_min3A_184 [1] : vector<1024x256xf32> to vector<1024xf32>
    %broadcast_in_dim3A_186 = vector.shape_cast %reduce_min3A_185 : vector<1024xf32> to vector<1024x1xf32>
    %eq3A_187 = vector.broadcast %broadcast_in_dim3A_186 : vector<1024x1xf32> to vector<1024x256xf32>
    %eq3A_188 = arith.cmpf oeq, %convert_element_type3A_178, %eq3A_187 : vector<1024x256xf32>
    %convert_element_type3A_189 = arith.extui %eq3A_188 : vector<1024x256xi1> to vector<1024x256xi32>
    %convert_element_type3A_190 = arith.sitofp %convert_element_type3A_189 : vector<1024x256xi32> to vector<1024x256xf32>
    %iota3A_191 = tpu.iota {dimensions = array<i32: 1>} : vector<1x256xi32>
    %convert_element_type3A_192 = arith.sitofp %iota3A_191 : vector<1x256xi32> to vector<1x256xf32>
    %dot_general3A_193 = arith.constant dense<0.000000e+00> : vector<1x1024xf32>
    %dot_general3A_194 = tpu.matmul %convert_element_type3A_192, %convert_element_type3A_190, %dot_general3A_193 {dimension_numbers = #tpu.dot_dimension_numbers<[1], [1], [0], [0], [0, 0, 1, 0], [], []>, transpose_lhs_hint = false} : vector<1x256xf32>, vector<1024x256xf32>, vector<1x1024xf32> -> vector<1x1024xf32>
    %convert_element_type3A_195 = arith.fptosi %dot_general3A_194 : vector<1x1024xf32> to vector<1x1024xi32>
    %mul3A_196 = arith.constant 4 : i32
    %mul3A_197 = arith.muli %arg0, %mul3A_196 : i32
    %add3A_198 = arith.constant 0 : i32
    %add3A_199 = arith.addi %add3A_198, %mul3A_197 : i32
    %add3A_200 = arith.constant 2 : i32
    %add3A_201 = arith.addi %add3A_199, %add3A_200 : i32
    %mul3A_202 = arith.constant 256 : i32
    %mul3A_203 = arith.muli %add3A_201, %mul3A_202 : i32
    %add3A_204 = vector.broadcast %mul3A_203 : i32 to vector<1x1024xi32>
    %add3A_205 = arith.addi %convert_element_type3A_195, %add3A_204 : vector<1x1024xi32>
    %squeeze3A_206 = vector.shape_cast %add3A_205 : vector<1x1024xi32> to vector<1024xi32>
    %swap3A_207 = arith.constant 0 : index
    %swap3A_208 = arith.constant 0 : index
    %swap3A_209 = arith.constant 2048 : index
    %swap3A_210 = vector.load %arg3[%swap3A_207, %swap3A_208, %swap3A_209] : memref<1x1x4096xi32, #tpu.memory_space<vmem>>, vector<1x1x1024xi32>
    %swap3A_211 = vector.shape_cast %swap3A_210 : vector<1x1x1024xi32> to vector<1024xi32>
    %swap3A_212 = vector.shape_cast %squeeze3A_206 : vector<1024xi32> to vector<1x1x1024xi32>
    tpu.vector_store %arg3[%swap3A_207, %swap3A_208, %swap3A_209], %swap3A_212 {strides = array<i32>} : memref<1x1x4096xi32, #tpu.memory_space<vmem>>, vector<1x1x1024xi32>,
    %get3A_213 = arith.constant 3 : index
    %get3A_214 = arith.constant 0 : index
    %get3A_215 = arith.constant 0 : index
    %get3A_216 = vector.load %arg1[%get3A_213, %get3A_214, %get3A_215] : memref<4x1024x96xf32, #tpu.memory_space<vmem>>, vector<1x1024x96xf32>
    %get3A_217 = vector.shape_cast %get3A_216 : vector<1x1024x96xf32> to vector<1024x96xf32>
    %get3A_218 = arith.constant 3 : index
    %get3A_219 = arith.constant 0 : index
    %get3A_220 = arith.constant 0 : index
    %get3A_221 = vector.load %arg2[%get3A_218, %get3A_219, %get3A_220] : memref<4x256x96xf32, #tpu.memory_space<vmem>>, vector<1x256x96xf32>
    %get3A_222 = vector.shape_cast %get3A_221 : vector<1x256x96xf32> to vector<256x96xf32>
    %mul3A_223 = arith.mulf %get3A_217, %get3A_217 : vector<1024x96xf32>
    %reduce_sum3A_224 = arith.constant dense<0.000000e+00> : vector<1024xf32>
    %reduce_sum3A_225 = vector.multi_reduction <add>, %mul3A_223, %reduce_sum3A_224 [1] : vector<1024x96xf32> to vector<1024xf32>
    %broadcast_in_dim3A_226 = vector.shape_cast %reduce_sum3A_225 : vector<1024xf32> to vector<1024x1xf32>
    %sqrt3A_227 = math.sqrt %broadcast_in_dim3A_226 : vector<1024x1xf32>
    %max3A_228 = arith.constant 9.99999996E-13 : f32
    %max3A_229 = vector.broadcast %max3A_228 : f32 to vector<1024x1xf32>
    %max3A_230 = arith.maximumf %sqrt3A_227, %max3A_229 : vector<1024x1xf32>
    %div3A_231 = arith.constant 1.000000e+00 : f32
    %div3A_232 = vector.broadcast %div3A_231 : f32 to vector<1024x1xf32>
    %div3A_233 = arith.divf %div3A_232, %max3A_230 : vector<1024x1xf32>
    %mul3A_234 = vector.broadcast %div3A_233 : vector<1024x1xf32> to vector<1024x96xf32>
    %mul3A_235 = arith.mulf %get3A_217, %mul3A_234 : vector<1024x96xf32>
    %mul3A_236 = arith.mulf %get3A_222, %get3A_222 : vector<256x96xf32>
    %reduce_sum3A_237 = arith.constant dense<0.000000e+00> : vector<256xf32>
    %reduce_sum3A_238 = vector.multi_reduction <add>, %mul3A_236, %reduce_sum3A_237 [1] : vector<256x96xf32> to vector<256xf32>
    %broadcast_in_dim3A_239 = vector.shape_cast %reduce_sum3A_238 : vector<256xf32> to vector<256x1xf32>
    %sqrt3A_240 = math.sqrt %broadcast_in_dim3A_239 : vector<256x1xf32>
    %max3A_241 = arith.constant 9.99999996E-13 : f32
    %max3A_242 = vector.broadcast %max3A_241 : f32 to vector<256x1xf32>
    %max3A_243 = arith.maximumf %sqrt3A_240, %max3A_242 : vector<256x1xf32>
    %div3A_244 = arith.constant 1.000000e+00 : f32
    %div3A_245 = vector.broadcast %div3A_244 : f32 to vector<256x1xf32>
    %div3A_246 = arith.divf %div3A_245, %max3A_243 : vector<256x1xf32>
    %mul3A_247 = vector.broadcast %div3A_246 : vector<256x1xf32> to vector<256x96xf32>
    %mul3A_248 = arith.mulf %get3A_222, %mul3A_247 : vector<256x96xf32>
    %dot_general3A_249 = arith.constant dense<0.000000e+00> : vector<1024x256xf32>
    %dot_general3A_250 = tpu.matmul %mul3A_235, %mul3A_248, %dot_general3A_249 {dimension_numbers = #tpu.dot_dimension_numbers<[1], [1], [0], [0], [0, 0, 1, 0], [], []>, transpose_lhs_hint = false} : vector<1024x96xf32>, vector<256x96xf32>, vector<1024x256xf32> -> vector<1024x256xf32>
    %reduce_max3A_251 = arith.constant dense<0xFF800000> : vector<1024xf32>
    %reduce_max3A_252 = vector.multi_reduction <maximumf>, %dot_general3A_250, %reduce_max3A_251 [1] : vector<1024x256xf32> to vector<1024xf32>
    %broadcast_in_dim3A_253 = vector.shape_cast %reduce_max3A_252 : vector<1024xf32> to vector<1024x1xf32>
    %iota3A_254 = tpu.iota {dimensions = array<i32: 1>} : vector<1024x256xi32>
    %convert_element_type3A_255 = arith.sitofp %iota3A_254 : vector<1024x256xi32> to vector<1024x256xf32>
    %eq3A_256 = vector.broadcast %broadcast_in_dim3A_253 : vector<1024x1xf32> to vector<1024x256xf32>
    %eq3A_257 = arith.cmpf oeq, %dot_general3A_250, %eq3A_256 : vector<1024x256xf32>
    %jit3A_258 = arith.constant 2.560000e+02 : f32
    %broadcast_in_dim3A_259 = vector.broadcast %jit3A_258 : f32 to vector<1024x256xf32>
    %select_n3A_260 = arith.select %eq3A_257, %convert_element_type3A_255, %broadcast_in_dim3A_259 : vector<1024x256xi1>, vector<1024x256xf32>
    %reduce_min3A_261 = arith.constant dense<0x7F800000> : vector<1024xf32>
    %reduce_min3A_262 = vector.multi_reduction <minimumf>, %select_n3A_260, %reduce_min3A_261 [1] : vector<1024x256xf32> to vector<1024xf32>
    %broadcast_in_dim3A_263 = vector.shape_cast %reduce_min3A_262 : vector<1024xf32> to vector<1024x1xf32>
    %eq3A_264 = vector.broadcast %broadcast_in_dim3A_263 : vector<1024x1xf32> to vector<1024x256xf32>
    %eq3A_265 = arith.cmpf oeq, %convert_element_type3A_255, %eq3A_264 : vector<1024x256xf32>
    %convert_element_type3A_266 = arith.extui %eq3A_265 : vector<1024x256xi1> to vector<1024x256xi32>
    %convert_element_type3A_267 = arith.sitofp %convert_element_type3A_266 : vector<1024x256xi32> to vector<1024x256xf32>
    %iota3A_268 = tpu.iota {dimensions = array<i32: 1>} : vector<1x256xi32>
    %convert_element_type3A_269 = arith.sitofp %iota3A_268 : vector<1x256xi32> to vector<1x256xf32>
    %dot_general3A_270 = arith.constant dense<0.000000e+00> : vector<1x1024xf32>
    %dot_general3A_271 = tpu.matmul %convert_element_type3A_269, %convert_element_type3A_267, %dot_general3A_270 {dimension_numbers = #tpu.dot_dimension_numbers<[1], [1], [0], [0], [0, 0, 1, 0], [], []>, transpose_lhs_hint = false} : vector<1x256xf32>, vector<1024x256xf32>, vector<1x1024xf32> -> vector<1x1024xf32>
    %convert_element_type3A_272 = arith.fptosi %dot_general3A_271 : vector<1x1024xf32> to vector<1x1024xi32>
    %mul3A_273 = arith.constant 4 : i32
    %mul3A_274 = arith.muli %arg0, %mul3A_273 : i32
    %add3A_275 = arith.constant 0 : i32
    %add3A_276 = arith.addi %add3A_275, %mul3A_274 : i32
    %add3A_277 = arith.constant 3 : i32
    %add3A_278 = arith.addi %add3A_276, %add3A_277 : i32
    %mul3A_279 = arith.constant 256 : i32
    %mul3A_280 = arith.muli %add3A_278, %mul3A_279 : i32
    %add3A_281 = vector.broadcast %mul3A_280 : i32 to vector<1x1024xi32>
    %add3A_282 = arith.addi %convert_element_type3A_272, %add3A_281 : vector<1x1024xi32>
    %squeeze3A_283 = vector.shape_cast %add3A_282 : vector<1x1024xi32> to vector<1024xi32>
    %swap3A_284 = arith.constant 0 : index
    %swap3A_285 = arith.constant 0 : index
    %swap3A_286 = arith.constant 3072 : index
    %swap3A_287 = vector.load %arg3[%swap3A_284, %swap3A_285, %swap3A_286] : memref<1x1x4096xi32, #tpu.memory_space<vmem>>, vector<1x1x1024xi32>
    %swap3A_288 = vector.shape_cast %swap3A_287 : vector<1x1x1024xi32> to vector<1024xi32>
    %swap3A_289 = vector.shape_cast %squeeze3A_283 : vector<1024xi32> to vector<1x1x1024xi32>
    tpu.vector_store %arg3[%swap3A_284, %swap3A_285, %swap3A_286], %swap3A_289 {strides = array<i32>} : memref<1x1x4096xi32, #tpu.memory_space<vmem>>, vector<1x1x1024xi32>,
    return
  }
  func.func @transform_0(%arg0: i32) -> (i32, i32, i32) {
    %add3A = arith.constant 0 : i32
    %add3A_0 = arith.addi %add3A, %arg0 : i32
    %c0_i32 = arith.constant 0 : i32
    %c0_i32_1 = arith.constant 0 : i32
    %c0_i32_2 = arith.constant 0 : i32
    return %add3A_0, %c0_i32, %c0_i32_1 : i32, i32, i32
  }
  func.func @transform_1(%arg0: i32) -> (i32, i32, i32) {
    %add3A = arith.constant 0 : i32
    %add3A_0 = arith.addi %add3A, %arg0 : i32
    %c0_i32 = arith.constant 0 : i32
    %c0_i32_1 = arith.constant 0 : i32
    %c0_i32_2 = arith.constant 0 : i32
    return %add3A_0, %c0_i32, %c0_i32_1 : i32, i32, i32
  }
  func.func @transform_2(%arg0: i32) -> (i32, i32, i32) {
    %c0_i32 = arith.constant 0 : i32
    %c0_i32_0 = arith.constant 0 : i32
    %c0_i32_1 = arith.constant 0 : i32
    return %arg0, %c0_i32, %c0_i32_0 : i32, i32, i32
  }
}

module attributes {stable_mosaic.version = 14 : i64} {
  func.func @_argmin_kernel(%arg0: i32, %arg1: memref<4x1024x96xf32, #tpu.memory_space<vmem>>, %arg2: memref<4x256x96xf32, #tpu.memory_space<vmem>>, %arg3: memref<1x1x4096xi32, #tpu.memory_space<vmem>>) attributes {dimension_semantics = [#tpu.dimension_semantics<arbitrary>], iteration_bounds = array<i64: 2>, scalar_prefetch = 0 : i64, scratch_operands = 0 : i64, tpu.core_type = #tpu.core_type<tc>, window_params = [{transform_indices = @transform_0, window_bounds = array<i64: 4, 1024, 96>}, {transform_indices = @transform_1, window_bounds = array<i64: 4, 256, 96>}, {transform_indices = @transform_2, window_bounds = array<i64: 1, 1, 4096>}]} {
    %get3A = arith.constant 0 : index
    %get3A_0 = arith.constant 0 : index
    %get3A_1 = arith.constant 0 : index
    %get3A_2 = vector.load %arg1[%get3A, %get3A_0, %get3A_1] : memref<4x1024x96xf32, #tpu.memory_space<vmem>>, vector<1x1024x96xf32>
    %get3A_3 = vector.shape_cast %get3A_2 : vector<1x1024x96xf32> to vector<1024x96xf32>
    %get3A_4 = arith.constant 0 : index
    %get3A_5 = arith.constant 0 : index
    %get3A_6 = arith.constant 0 : index
    %get3A_7 = vector.load %arg2[%get3A_4, %get3A_5, %get3A_6] : memref<4x256x96xf32, #tpu.memory_space<vmem>>, vector<1x256x96xf32>
    %get3A_8 = vector.shape_cast %get3A_7 : vector<1x256x96xf32> to vector<256x96xf32>
    %mul3A = arith.mulf %get3A_3, %get3A_3 : vector<1024x96xf32>
    %reduce_sum3A = arith.constant dense<0.000000e+00> : vector<1024xf32>
    %reduce_sum3A_9 = vector.multi_reduction <add>, %mul3A, %reduce_sum3A [1] : vector<1024x96xf32> to vector<1024xf32>
    %broadcast_in_dim3A = vector.shape_cast %reduce_sum3A_9 : vector<1024xf32> to vector<1024x1xf32>
    %sqrt3A = math.sqrt %broadcast_in_dim3A : vector<1024x1xf32>
    %max3A = arith.constant 9.99999996E-13 : f32
    %max3A_10 = vector.broadcast %max3A : f32 to vector<1024x1xf32>
    %max3A_11 = arith.maximumf %sqrt3A, %max3A_10 : vector<1024x1xf32>
    %div3A = arith.constant 1.000000e+00 : f32
    %div3A_12 = vector.broadcast %div3A : f32 to vector<1024x1xf32>
    %div3A_13 = arith.divf %div3A_12, %max3A_11 : vector<1024x1xf32>
    %mul3A_14 = vector.broadcast %div3A_13 : vector<1024x1xf32> to vector<1024x96xf32>
    %mul3A_15 = arith.mulf %get3A_3, %mul3A_14 : vector<1024x96xf32>
    %mul3A_16 = arith.mulf %get3A_8, %get3A_8 : vector<256x96xf32>
    %reduce_sum3A_17 = arith.constant dense<0.000000e+00> : vector<256xf32>
    %reduce_sum3A_18 = vector.multi_reduction <add>, %mul3A_16, %reduce_sum3A_17 [1] : vector<256x96xf32> to vector<256xf32>
    %broadcast_in_dim3A_19 = vector.shape_cast %reduce_sum3A_18 : vector<256xf32> to vector<256x1xf32>
    %sqrt3A_20 = math.sqrt %broadcast_in_dim3A_19 : vector<256x1xf32>
    %max3A_21 = arith.constant 9.99999996E-13 : f32
    %max3A_22 = vector.broadcast %max3A_21 : f32 to vector<256x1xf32>
    %max3A_23 = arith.maximumf %sqrt3A_20, %max3A_22 : vector<256x1xf32>
    %div3A_24 = arith.constant 1.000000e+00 : f32
    %div3A_25 = vector.broadcast %div3A_24 : f32 to vector<256x1xf32>
    %div3A_26 = arith.divf %div3A_25, %max3A_23 : vector<256x1xf32>
    %mul3A_27 = vector.broadcast %div3A_26 : vector<256x1xf32> to vector<256x96xf32>
    %mul3A_28 = arith.mulf %get3A_8, %mul3A_27 : vector<256x96xf32>
    %dot_general3A = arith.constant dense<0.000000e+00> : vector<1024x256xf32>
    %dot_general3A_29 = tpu.matmul %mul3A_15, %mul3A_28, %dot_general3A {dimension_numbers = #tpu.dot_dimension_numbers<[1], [1], [0], [0], [0, 0, 1, 0], [], []>, transpose_lhs_hint = false} : vector<1024x96xf32>, vector<256x96xf32>, vector<1024x256xf32> -> vector<1024x256xf32>
    %reduce_max3A = arith.constant dense<0xFF800000> : vector<1024xf32>
    %reduce_max3A_30 = vector.multi_reduction <maximumf>, %dot_general3A_29, %reduce_max3A [1] : vector<1024x256xf32> to vector<1024xf32>
    %broadcast_in_dim3A_31 = vector.shape_cast %reduce_max3A_30 : vector<1024xf32> to vector<1024x1xf32>
    %iota3A = tpu.iota {dimensions = array<i32: 1>} : vector<1024x256xi32>
    %convert_element_type3A = arith.sitofp %iota3A : vector<1024x256xi32> to vector<1024x256xf32>
    %eq3A = vector.broadcast %broadcast_in_dim3A_31 : vector<1024x1xf32> to vector<1024x256xf32>
    %eq3A_32 = arith.cmpf oeq, %dot_general3A_29, %eq3A : vector<1024x256xf32>
    %jit3A = arith.constant 2.560000e+02 : f32
    %broadcast_in_dim3A_33 = vector.broadcast %jit3A : f32 to vector<1024x256xf32>
    %select_n3A = arith.select %eq3A_32, %convert_element_type3A, %broadcast_in_dim3A_33 : vector<1024x256xi1>, vector<1024x256xf32>
    %reduce_min3A = arith.constant dense<0x7F800000> : vector<1024xf32>
    %reduce_min3A_34 = vector.multi_reduction <minimumf>, %select_n3A, %reduce_min3A [1] : vector<1024x256xf32> to vector<1024xf32>
    %broadcast_in_dim3A_35 = vector.shape_cast %reduce_min3A_34 : vector<1024xf32> to vector<1024x1xf32>
    %eq3A_36 = vector.broadcast %broadcast_in_dim3A_35 : vector<1024x1xf32> to vector<1024x256xf32>
    %eq3A_37 = arith.cmpf oeq, %convert_element_type3A, %eq3A_36 : vector<1024x256xf32>
    %convert_element_type3A_38 = arith.extui %eq3A_37 : vector<1024x256xi1> to vector<1024x256xi32>
    %convert_element_type3A_39 = arith.sitofp %convert_element_type3A_38 : vector<1024x256xi32> to vector<1024x256xf32>
    %iota3A_40 = tpu.iota {dimensions = array<i32: 1>} : vector<1x256xi32>
    %convert_element_type3A_41 = arith.sitofp %iota3A_40 : vector<1x256xi32> to vector<1x256xf32>
    %dot_general3A_42 = arith.constant dense<0.000000e+00> : vector<1x1024xf32>
    %dot_general3A_43 = tpu.matmul %convert_element_type3A_41, %convert_element_type3A_39, %dot_general3A_42 {dimension_numbers = #tpu.dot_dimension_numbers<[1], [1], [0], [0], [0, 0, 1, 0], [], []>, transpose_lhs_hint = false} : vector<1x256xf32>, vector<1024x256xf32>, vector<1x1024xf32> -> vector<1x1024xf32>
    %convert_element_type3A_44 = arith.fptosi %dot_general3A_43 : vector<1x1024xf32> to vector<1x1024xi32>
    %mul3A_45 = arith.constant 4 : i32
    %mul3A_46 = arith.muli %arg0, %mul3A_45 : i32
    %add3A = arith.constant 16 : i32
    %add3A_47 = arith.addi %add3A, %mul3A_46 : i32
    %add3A_48 = arith.constant 0 : i32
    %add3A_49 = arith.addi %add3A_47, %add3A_48 : i32
    %mul3A_50 = arith.constant 256 : i32
    %mul3A_51 = arith.muli %add3A_49, %mul3A_50 : i32
    %add3A_52 = vector.broadcast %mul3A_51 : i32 to vector<1x1024xi32>
    %add3A_53 = arith.addi %convert_element_type3A_44, %add3A_52 : vector<1x1024xi32>
    %squeeze3A = vector.shape_cast %add3A_53 : vector<1x1024xi32> to vector<1024xi32>
    %swap3A = arith.constant 0 : index
    %swap3A_54 = arith.constant 0 : index
    %swap3A_55 = arith.constant 0 : index
    %swap3A_56 = vector.load %arg3[%swap3A, %swap3A_54, %swap3A_55] : memref<1x1x4096xi32, #tpu.memory_space<vmem>>, vector<1x1x1024xi32>
    %swap3A_57 = vector.shape_cast %swap3A_56 : vector<1x1x1024xi32> to vector<1024xi32>
    %swap3A_58 = vector.shape_cast %squeeze3A : vector<1024xi32> to vector<1x1x1024xi32>
    tpu.vector_store %arg3[%swap3A, %swap3A_54, %swap3A_55], %swap3A_58 {strides = array<i32>} : memref<1x1x4096xi32, #tpu.memory_space<vmem>>, vector<1x1x1024xi32>,
    %get3A_59 = arith.constant 1 : index
    %get3A_60 = arith.constant 0 : index
    %get3A_61 = arith.constant 0 : index
    %get3A_62 = vector.load %arg1[%get3A_59, %get3A_60, %get3A_61] : memref<4x1024x96xf32, #tpu.memory_space<vmem>>, vector<1x1024x96xf32>
    %get3A_63 = vector.shape_cast %get3A_62 : vector<1x1024x96xf32> to vector<1024x96xf32>
    %get3A_64 = arith.constant 1 : index
    %get3A_65 = arith.constant 0 : index
    %get3A_66 = arith.constant 0 : index
    %get3A_67 = vector.load %arg2[%get3A_64, %get3A_65, %get3A_66] : memref<4x256x96xf32, #tpu.memory_space<vmem>>, vector<1x256x96xf32>
    %get3A_68 = vector.shape_cast %get3A_67 : vector<1x256x96xf32> to vector<256x96xf32>
    %mul3A_69 = arith.mulf %get3A_63, %get3A_63 : vector<1024x96xf32>
    %reduce_sum3A_70 = arith.constant dense<0.000000e+00> : vector<1024xf32>
    %reduce_sum3A_71 = vector.multi_reduction <add>, %mul3A_69, %reduce_sum3A_70 [1] : vector<1024x96xf32> to vector<1024xf32>
    %broadcast_in_dim3A_72 = vector.shape_cast %reduce_sum3A_71 : vector<1024xf32> to vector<1024x1xf32>
    %sqrt3A_73 = math.sqrt %broadcast_in_dim3A_72 : vector<1024x1xf32>
    %max3A_74 = arith.constant 9.99999996E-13 : f32
    %max3A_75 = vector.broadcast %max3A_74 : f32 to vector<1024x1xf32>
    %max3A_76 = arith.maximumf %sqrt3A_73, %max3A_75 : vector<1024x1xf32>
    %div3A_77 = arith.constant 1.000000e+00 : f32
    %div3A_78 = vector.broadcast %div3A_77 : f32 to vector<1024x1xf32>
    %div3A_79 = arith.divf %div3A_78, %max3A_76 : vector<1024x1xf32>
    %mul3A_80 = vector.broadcast %div3A_79 : vector<1024x1xf32> to vector<1024x96xf32>
    %mul3A_81 = arith.mulf %get3A_63, %mul3A_80 : vector<1024x96xf32>
    %mul3A_82 = arith.mulf %get3A_68, %get3A_68 : vector<256x96xf32>
    %reduce_sum3A_83 = arith.constant dense<0.000000e+00> : vector<256xf32>
    %reduce_sum3A_84 = vector.multi_reduction <add>, %mul3A_82, %reduce_sum3A_83 [1] : vector<256x96xf32> to vector<256xf32>
    %broadcast_in_dim3A_85 = vector.shape_cast %reduce_sum3A_84 : vector<256xf32> to vector<256x1xf32>
    %sqrt3A_86 = math.sqrt %broadcast_in_dim3A_85 : vector<256x1xf32>
    %max3A_87 = arith.constant 9.99999996E-13 : f32
    %max3A_88 = vector.broadcast %max3A_87 : f32 to vector<256x1xf32>
    %max3A_89 = arith.maximumf %sqrt3A_86, %max3A_88 : vector<256x1xf32>
    %div3A_90 = arith.constant 1.000000e+00 : f32
    %div3A_91 = vector.broadcast %div3A_90 : f32 to vector<256x1xf32>
    %div3A_92 = arith.divf %div3A_91, %max3A_89 : vector<256x1xf32>
    %mul3A_93 = vector.broadcast %div3A_92 : vector<256x1xf32> to vector<256x96xf32>
    %mul3A_94 = arith.mulf %get3A_68, %mul3A_93 : vector<256x96xf32>
    %dot_general3A_95 = arith.constant dense<0.000000e+00> : vector<1024x256xf32>
    %dot_general3A_96 = tpu.matmul %mul3A_81, %mul3A_94, %dot_general3A_95 {dimension_numbers = #tpu.dot_dimension_numbers<[1], [1], [0], [0], [0, 0, 1, 0], [], []>, transpose_lhs_hint = false} : vector<1024x96xf32>, vector<256x96xf32>, vector<1024x256xf32> -> vector<1024x256xf32>
    %reduce_max3A_97 = arith.constant dense<0xFF800000> : vector<1024xf32>
    %reduce_max3A_98 = vector.multi_reduction <maximumf>, %dot_general3A_96, %reduce_max3A_97 [1] : vector<1024x256xf32> to vector<1024xf32>
    %broadcast_in_dim3A_99 = vector.shape_cast %reduce_max3A_98 : vector<1024xf32> to vector<1024x1xf32>
    %iota3A_100 = tpu.iota {dimensions = array<i32: 1>} : vector<1024x256xi32>
    %convert_element_type3A_101 = arith.sitofp %iota3A_100 : vector<1024x256xi32> to vector<1024x256xf32>
    %eq3A_102 = vector.broadcast %broadcast_in_dim3A_99 : vector<1024x1xf32> to vector<1024x256xf32>
    %eq3A_103 = arith.cmpf oeq, %dot_general3A_96, %eq3A_102 : vector<1024x256xf32>
    %jit3A_104 = arith.constant 2.560000e+02 : f32
    %broadcast_in_dim3A_105 = vector.broadcast %jit3A_104 : f32 to vector<1024x256xf32>
    %select_n3A_106 = arith.select %eq3A_103, %convert_element_type3A_101, %broadcast_in_dim3A_105 : vector<1024x256xi1>, vector<1024x256xf32>
    %reduce_min3A_107 = arith.constant dense<0x7F800000> : vector<1024xf32>
    %reduce_min3A_108 = vector.multi_reduction <minimumf>, %select_n3A_106, %reduce_min3A_107 [1] : vector<1024x256xf32> to vector<1024xf32>
    %broadcast_in_dim3A_109 = vector.shape_cast %reduce_min3A_108 : vector<1024xf32> to vector<1024x1xf32>
    %eq3A_110 = vector.broadcast %broadcast_in_dim3A_109 : vector<1024x1xf32> to vector<1024x256xf32>
    %eq3A_111 = arith.cmpf oeq, %convert_element_type3A_101, %eq3A_110 : vector<1024x256xf32>
    %convert_element_type3A_112 = arith.extui %eq3A_111 : vector<1024x256xi1> to vector<1024x256xi32>
    %convert_element_type3A_113 = arith.sitofp %convert_element_type3A_112 : vector<1024x256xi32> to vector<1024x256xf32>
    %iota3A_114 = tpu.iota {dimensions = array<i32: 1>} : vector<1x256xi32>
    %convert_element_type3A_115 = arith.sitofp %iota3A_114 : vector<1x256xi32> to vector<1x256xf32>
    %dot_general3A_116 = arith.constant dense<0.000000e+00> : vector<1x1024xf32>
    %dot_general3A_117 = tpu.matmul %convert_element_type3A_115, %convert_element_type3A_113, %dot_general3A_116 {dimension_numbers = #tpu.dot_dimension_numbers<[1], [1], [0], [0], [0, 0, 1, 0], [], []>, transpose_lhs_hint = false} : vector<1x256xf32>, vector<1024x256xf32>, vector<1x1024xf32> -> vector<1x1024xf32>
    %convert_element_type3A_118 = arith.fptosi %dot_general3A_117 : vector<1x1024xf32> to vector<1x1024xi32>
    %mul3A_119 = arith.constant 4 : i32
    %mul3A_120 = arith.muli %arg0, %mul3A_119 : i32
    %add3A_121 = arith.constant 16 : i32
    %add3A_122 = arith.addi %add3A_121, %mul3A_120 : i32
    %add3A_123 = arith.constant 1 : i32
    %add3A_124 = arith.addi %add3A_122, %add3A_123 : i32
    %mul3A_125 = arith.constant 256 : i32
    %mul3A_126 = arith.muli %add3A_124, %mul3A_125 : i32
    %add3A_127 = vector.broadcast %mul3A_126 : i32 to vector<1x1024xi32>
    %add3A_128 = arith.addi %convert_element_type3A_118, %add3A_127 : vector<1x1024xi32>
    %squeeze3A_129 = vector.shape_cast %add3A_128 : vector<1x1024xi32> to vector<1024xi32>
    %swap3A_130 = arith.constant 0 : index
    %swap3A_131 = arith.constant 0 : index
    %swap3A_132 = arith.constant 1024 : index
    %swap3A_133 = vector.load %arg3[%swap3A_130, %swap3A_131, %swap3A_132] : memref<1x1x4096xi32, #tpu.memory_space<vmem>>, vector<1x1x1024xi32>
    %swap3A_134 = vector.shape_cast %swap3A_133 : vector<1x1x1024xi32> to vector<1024xi32>
    %swap3A_135 = vector.shape_cast %squeeze3A_129 : vector<1024xi32> to vector<1x1x1024xi32>
    tpu.vector_store %arg3[%swap3A_130, %swap3A_131, %swap3A_132], %swap3A_135 {strides = array<i32>} : memref<1x1x4096xi32, #tpu.memory_space<vmem>>, vector<1x1x1024xi32>,
    %get3A_136 = arith.constant 2 : index
    %get3A_137 = arith.constant 0 : index
    %get3A_138 = arith.constant 0 : index
    %get3A_139 = vector.load %arg1[%get3A_136, %get3A_137, %get3A_138] : memref<4x1024x96xf32, #tpu.memory_space<vmem>>, vector<1x1024x96xf32>
    %get3A_140 = vector.shape_cast %get3A_139 : vector<1x1024x96xf32> to vector<1024x96xf32>
    %get3A_141 = arith.constant 2 : index
    %get3A_142 = arith.constant 0 : index
    %get3A_143 = arith.constant 0 : index
    %get3A_144 = vector.load %arg2[%get3A_141, %get3A_142, %get3A_143] : memref<4x256x96xf32, #tpu.memory_space<vmem>>, vector<1x256x96xf32>
    %get3A_145 = vector.shape_cast %get3A_144 : vector<1x256x96xf32> to vector<256x96xf32>
    %mul3A_146 = arith.mulf %get3A_140, %get3A_140 : vector<1024x96xf32>
    %reduce_sum3A_147 = arith.constant dense<0.000000e+00> : vector<1024xf32>
    %reduce_sum3A_148 = vector.multi_reduction <add>, %mul3A_146, %reduce_sum3A_147 [1] : vector<1024x96xf32> to vector<1024xf32>
    %broadcast_in_dim3A_149 = vector.shape_cast %reduce_sum3A_148 : vector<1024xf32> to vector<1024x1xf32>
    %sqrt3A_150 = math.sqrt %broadcast_in_dim3A_149 : vector<1024x1xf32>
    %max3A_151 = arith.constant 9.99999996E-13 : f32
    %max3A_152 = vector.broadcast %max3A_151 : f32 to vector<1024x1xf32>
    %max3A_153 = arith.maximumf %sqrt3A_150, %max3A_152 : vector<1024x1xf32>
    %div3A_154 = arith.constant 1.000000e+00 : f32
    %div3A_155 = vector.broadcast %div3A_154 : f32 to vector<1024x1xf32>
    %div3A_156 = arith.divf %div3A_155, %max3A_153 : vector<1024x1xf32>
    %mul3A_157 = vector.broadcast %div3A_156 : vector<1024x1xf32> to vector<1024x96xf32>
    %mul3A_158 = arith.mulf %get3A_140, %mul3A_157 : vector<1024x96xf32>
    %mul3A_159 = arith.mulf %get3A_145, %get3A_145 : vector<256x96xf32>
    %reduce_sum3A_160 = arith.constant dense<0.000000e+00> : vector<256xf32>
    %reduce_sum3A_161 = vector.multi_reduction <add>, %mul3A_159, %reduce_sum3A_160 [1] : vector<256x96xf32> to vector<256xf32>
    %broadcast_in_dim3A_162 = vector.shape_cast %reduce_sum3A_161 : vector<256xf32> to vector<256x1xf32>
    %sqrt3A_163 = math.sqrt %broadcast_in_dim3A_162 : vector<256x1xf32>
    %max3A_164 = arith.constant 9.99999996E-13 : f32
    %max3A_165 = vector.broadcast %max3A_164 : f32 to vector<256x1xf32>
    %max3A_166 = arith.maximumf %sqrt3A_163, %max3A_165 : vector<256x1xf32>
    %div3A_167 = arith.constant 1.000000e+00 : f32
    %div3A_168 = vector.broadcast %div3A_167 : f32 to vector<256x1xf32>
    %div3A_169 = arith.divf %div3A_168, %max3A_166 : vector<256x1xf32>
    %mul3A_170 = vector.broadcast %div3A_169 : vector<256x1xf32> to vector<256x96xf32>
    %mul3A_171 = arith.mulf %get3A_145, %mul3A_170 : vector<256x96xf32>
    %dot_general3A_172 = arith.constant dense<0.000000e+00> : vector<1024x256xf32>
    %dot_general3A_173 = tpu.matmul %mul3A_158, %mul3A_171, %dot_general3A_172 {dimension_numbers = #tpu.dot_dimension_numbers<[1], [1], [0], [0], [0, 0, 1, 0], [], []>, transpose_lhs_hint = false} : vector<1024x96xf32>, vector<256x96xf32>, vector<1024x256xf32> -> vector<1024x256xf32>
    %reduce_max3A_174 = arith.constant dense<0xFF800000> : vector<1024xf32>
    %reduce_max3A_175 = vector.multi_reduction <maximumf>, %dot_general3A_173, %reduce_max3A_174 [1] : vector<1024x256xf32> to vector<1024xf32>
    %broadcast_in_dim3A_176 = vector.shape_cast %reduce_max3A_175 : vector<1024xf32> to vector<1024x1xf32>
    %iota3A_177 = tpu.iota {dimensions = array<i32: 1>} : vector<1024x256xi32>
    %convert_element_type3A_178 = arith.sitofp %iota3A_177 : vector<1024x256xi32> to vector<1024x256xf32>
    %eq3A_179 = vector.broadcast %broadcast_in_dim3A_176 : vector<1024x1xf32> to vector<1024x256xf32>
    %eq3A_180 = arith.cmpf oeq, %dot_general3A_173, %eq3A_179 : vector<1024x256xf32>
    %jit3A_181 = arith.constant 2.560000e+02 : f32
    %broadcast_in_dim3A_182 = vector.broadcast %jit3A_181 : f32 to vector<1024x256xf32>
    %select_n3A_183 = arith.select %eq3A_180, %convert_element_type3A_178, %broadcast_in_dim3A_182 : vector<1024x256xi1>, vector<1024x256xf32>
    %reduce_min3A_184 = arith.constant dense<0x7F800000> : vector<1024xf32>
    %reduce_min3A_185 = vector.multi_reduction <minimumf>, %select_n3A_183, %reduce_min3A_184 [1] : vector<1024x256xf32> to vector<1024xf32>
    %broadcast_in_dim3A_186 = vector.shape_cast %reduce_min3A_185 : vector<1024xf32> to vector<1024x1xf32>
    %eq3A_187 = vector.broadcast %broadcast_in_dim3A_186 : vector<1024x1xf32> to vector<1024x256xf32>
    %eq3A_188 = arith.cmpf oeq, %convert_element_type3A_178, %eq3A_187 : vector<1024x256xf32>
    %convert_element_type3A_189 = arith.extui %eq3A_188 : vector<1024x256xi1> to vector<1024x256xi32>
    %convert_element_type3A_190 = arith.sitofp %convert_element_type3A_189 : vector<1024x256xi32> to vector<1024x256xf32>
    %iota3A_191 = tpu.iota {dimensions = array<i32: 1>} : vector<1x256xi32>
    %convert_element_type3A_192 = arith.sitofp %iota3A_191 : vector<1x256xi32> to vector<1x256xf32>
    %dot_general3A_193 = arith.constant dense<0.000000e+00> : vector<1x1024xf32>
    %dot_general3A_194 = tpu.matmul %convert_element_type3A_192, %convert_element_type3A_190, %dot_general3A_193 {dimension_numbers = #tpu.dot_dimension_numbers<[1], [1], [0], [0], [0, 0, 1, 0], [], []>, transpose_lhs_hint = false} : vector<1x256xf32>, vector<1024x256xf32>, vector<1x1024xf32> -> vector<1x1024xf32>
    %convert_element_type3A_195 = arith.fptosi %dot_general3A_194 : vector<1x1024xf32> to vector<1x1024xi32>
    %mul3A_196 = arith.constant 4 : i32
    %mul3A_197 = arith.muli %arg0, %mul3A_196 : i32
    %add3A_198 = arith.constant 16 : i32
    %add3A_199 = arith.addi %add3A_198, %mul3A_197 : i32
    %add3A_200 = arith.constant 2 : i32
    %add3A_201 = arith.addi %add3A_199, %add3A_200 : i32
    %mul3A_202 = arith.constant 256 : i32
    %mul3A_203 = arith.muli %add3A_201, %mul3A_202 : i32
    %add3A_204 = vector.broadcast %mul3A_203 : i32 to vector<1x1024xi32>
    %add3A_205 = arith.addi %convert_element_type3A_195, %add3A_204 : vector<1x1024xi32>
    %squeeze3A_206 = vector.shape_cast %add3A_205 : vector<1x1024xi32> to vector<1024xi32>
    %swap3A_207 = arith.constant 0 : index
    %swap3A_208 = arith.constant 0 : index
    %swap3A_209 = arith.constant 2048 : index
    %swap3A_210 = vector.load %arg3[%swap3A_207, %swap3A_208, %swap3A_209] : memref<1x1x4096xi32, #tpu.memory_space<vmem>>, vector<1x1x1024xi32>
    %swap3A_211 = vector.shape_cast %swap3A_210 : vector<1x1x1024xi32> to vector<1024xi32>
    %swap3A_212 = vector.shape_cast %squeeze3A_206 : vector<1024xi32> to vector<1x1x1024xi32>
    tpu.vector_store %arg3[%swap3A_207, %swap3A_208, %swap3A_209], %swap3A_212 {strides = array<i32>} : memref<1x1x4096xi32, #tpu.memory_space<vmem>>, vector<1x1x1024xi32>,
    %get3A_213 = arith.constant 3 : index
    %get3A_214 = arith.constant 0 : index
    %get3A_215 = arith.constant 0 : index
    %get3A_216 = vector.load %arg1[%get3A_213, %get3A_214, %get3A_215] : memref<4x1024x96xf32, #tpu.memory_space<vmem>>, vector<1x1024x96xf32>
    %get3A_217 = vector.shape_cast %get3A_216 : vector<1x1024x96xf32> to vector<1024x96xf32>
    %get3A_218 = arith.constant 3 : index
    %get3A_219 = arith.constant 0 : index
    %get3A_220 = arith.constant 0 : index
    %get3A_221 = vector.load %arg2[%get3A_218, %get3A_219, %get3A_220] : memref<4x256x96xf32, #tpu.memory_space<vmem>>, vector<1x256x96xf32>
    %get3A_222 = vector.shape_cast %get3A_221 : vector<1x256x96xf32> to vector<256x96xf32>
    %mul3A_223 = arith.mulf %get3A_217, %get3A_217 : vector<1024x96xf32>
    %reduce_sum3A_224 = arith.constant dense<0.000000e+00> : vector<1024xf32>
    %reduce_sum3A_225 = vector.multi_reduction <add>, %mul3A_223, %reduce_sum3A_224 [1] : vector<1024x96xf32> to vector<1024xf32>
    %broadcast_in_dim3A_226 = vector.shape_cast %reduce_sum3A_225 : vector<1024xf32> to vector<1024x1xf32>
    %sqrt3A_227 = math.sqrt %broadcast_in_dim3A_226 : vector<1024x1xf32>
    %max3A_228 = arith.constant 9.99999996E-13 : f32
    %max3A_229 = vector.broadcast %max3A_228 : f32 to vector<1024x1xf32>
    %max3A_230 = arith.maximumf %sqrt3A_227, %max3A_229 : vector<1024x1xf32>
    %div3A_231 = arith.constant 1.000000e+00 : f32
    %div3A_232 = vector.broadcast %div3A_231 : f32 to vector<1024x1xf32>
    %div3A_233 = arith.divf %div3A_232, %max3A_230 : vector<1024x1xf32>
    %mul3A_234 = vector.broadcast %div3A_233 : vector<1024x1xf32> to vector<1024x96xf32>
    %mul3A_235 = arith.mulf %get3A_217, %mul3A_234 : vector<1024x96xf32>
    %mul3A_236 = arith.mulf %get3A_222, %get3A_222 : vector<256x96xf32>
    %reduce_sum3A_237 = arith.constant dense<0.000000e+00> : vector<256xf32>
    %reduce_sum3A_238 = vector.multi_reduction <add>, %mul3A_236, %reduce_sum3A_237 [1] : vector<256x96xf32> to vector<256xf32>
    %broadcast_in_dim3A_239 = vector.shape_cast %reduce_sum3A_238 : vector<256xf32> to vector<256x1xf32>
    %sqrt3A_240 = math.sqrt %broadcast_in_dim3A_239 : vector<256x1xf32>
    %max3A_241 = arith.constant 9.99999996E-13 : f32
    %max3A_242 = vector.broadcast %max3A_241 : f32 to vector<256x1xf32>
    %max3A_243 = arith.maximumf %sqrt3A_240, %max3A_242 : vector<256x1xf32>
    %div3A_244 = arith.constant 1.000000e+00 : f32
    %div3A_245 = vector.broadcast %div3A_244 : f32 to vector<256x1xf32>
    %div3A_246 = arith.divf %div3A_245, %max3A_243 : vector<256x1xf32>
    %mul3A_247 = vector.broadcast %div3A_246 : vector<256x1xf32> to vector<256x96xf32>
    %mul3A_248 = arith.mulf %get3A_222, %mul3A_247 : vector<256x96xf32>
    %dot_general3A_249 = arith.constant dense<0.000000e+00> : vector<1024x256xf32>
    %dot_general3A_250 = tpu.matmul %mul3A_235, %mul3A_248, %dot_general3A_249 {dimension_numbers = #tpu.dot_dimension_numbers<[1], [1], [0], [0], [0, 0, 1, 0], [], []>, transpose_lhs_hint = false} : vector<1024x96xf32>, vector<256x96xf32>, vector<1024x256xf32> -> vector<1024x256xf32>
    %reduce_max3A_251 = arith.constant dense<0xFF800000> : vector<1024xf32>
    %reduce_max3A_252 = vector.multi_reduction <maximumf>, %dot_general3A_250, %reduce_max3A_251 [1] : vector<1024x256xf32> to vector<1024xf32>
    %broadcast_in_dim3A_253 = vector.shape_cast %reduce_max3A_252 : vector<1024xf32> to vector<1024x1xf32>
    %iota3A_254 = tpu.iota {dimensions = array<i32: 1>} : vector<1024x256xi32>
    %convert_element_type3A_255 = arith.sitofp %iota3A_254 : vector<1024x256xi32> to vector<1024x256xf32>
    %eq3A_256 = vector.broadcast %broadcast_in_dim3A_253 : vector<1024x1xf32> to vector<1024x256xf32>
    %eq3A_257 = arith.cmpf oeq, %dot_general3A_250, %eq3A_256 : vector<1024x256xf32>
    %jit3A_258 = arith.constant 2.560000e+02 : f32
    %broadcast_in_dim3A_259 = vector.broadcast %jit3A_258 : f32 to vector<1024x256xf32>
    %select_n3A_260 = arith.select %eq3A_257, %convert_element_type3A_255, %broadcast_in_dim3A_259 : vector<1024x256xi1>, vector<1024x256xf32>
    %reduce_min3A_261 = arith.constant dense<0x7F800000> : vector<1024xf32>
    %reduce_min3A_262 = vector.multi_reduction <minimumf>, %select_n3A_260, %reduce_min3A_261 [1] : vector<1024x256xf32> to vector<1024xf32>
    %broadcast_in_dim3A_263 = vector.shape_cast %reduce_min3A_262 : vector<1024xf32> to vector<1024x1xf32>
    %eq3A_264 = vector.broadcast %broadcast_in_dim3A_263 : vector<1024x1xf32> to vector<1024x256xf32>
    %eq3A_265 = arith.cmpf oeq, %convert_element_type3A_255, %eq3A_264 : vector<1024x256xf32>
    %convert_element_type3A_266 = arith.extui %eq3A_265 : vector<1024x256xi1> to vector<1024x256xi32>
    %convert_element_type3A_267 = arith.sitofp %convert_element_type3A_266 : vector<1024x256xi32> to vector<1024x256xf32>
    %iota3A_268 = tpu.iota {dimensions = array<i32: 1>} : vector<1x256xi32>
    %convert_element_type3A_269 = arith.sitofp %iota3A_268 : vector<1x256xi32> to vector<1x256xf32>
    %dot_general3A_270 = arith.constant dense<0.000000e+00> : vector<1x1024xf32>
    %dot_general3A_271 = tpu.matmul %convert_element_type3A_269, %convert_element_type3A_267, %dot_general3A_270 {dimension_numbers = #tpu.dot_dimension_numbers<[1], [1], [0], [0], [0, 0, 1, 0], [], []>, transpose_lhs_hint = false} : vector<1x256xf32>, vector<1024x256xf32>, vector<1x1024xf32> -> vector<1x1024xf32>
    %convert_element_type3A_272 = arith.fptosi %dot_general3A_271 : vector<1x1024xf32> to vector<1x1024xi32>
    %mul3A_273 = arith.constant 4 : i32
    %mul3A_274 = arith.muli %arg0, %mul3A_273 : i32
    %add3A_275 = arith.constant 16 : i32
    %add3A_276 = arith.addi %add3A_275, %mul3A_274 : i32
    %add3A_277 = arith.constant 3 : i32
    %add3A_278 = arith.addi %add3A_276, %add3A_277 : i32
    %mul3A_279 = arith.constant 256 : i32
    %mul3A_280 = arith.muli %add3A_278, %mul3A_279 : i32
    %add3A_281 = vector.broadcast %mul3A_280 : i32 to vector<1x1024xi32>
    %add3A_282 = arith.addi %convert_element_type3A_272, %add3A_281 : vector<1x1024xi32>
    %squeeze3A_283 = vector.shape_cast %add3A_282 : vector<1x1024xi32> to vector<1024xi32>
    %swap3A_284 = arith.constant 0 : index
    %swap3A_285 = arith.constant 0 : index
    %swap3A_286 = arith.constant 3072 : index
    %swap3A_287 = vector.load %arg3[%swap3A_284, %swap3A_285, %swap3A_286] : memref<1x1x4096xi32, #tpu.memory_space<vmem>>, vector<1x1x1024xi32>
    %swap3A_288 = vector.shape_cast %swap3A_287 : vector<1x1x1024xi32> to vector<1024xi32>
    %swap3A_289 = vector.shape_cast %squeeze3A_283 : vector<1024xi32> to vector<1x1x1024xi32>
    tpu.vector_store %arg3[%swap3A_284, %swap3A_285, %swap3A_286], %swap3A_289 {strides = array<i32>} : memref<1x1x4096xi32, #tpu.memory_space<vmem>>, vector<1x1x1024xi32>,
    return
  }
  func.func @transform_0(%arg0: i32) -> (i32, i32, i32) {
    %add3A = arith.constant 4 : i32
    %add3A_0 = arith.addi %add3A, %arg0 : i32
    %c0_i32 = arith.constant 0 : i32
    %c0_i32_1 = arith.constant 0 : i32
    %c0_i32_2 = arith.constant 0 : i32
    return %add3A_0, %c0_i32, %c0_i32_1 : i32, i32, i32
  }
  func.func @transform_1(%arg0: i32) -> (i32, i32, i32) {
    %add3A = arith.constant 4 : i32
    %add3A_0 = arith.addi %add3A, %arg0 : i32
    %c0_i32 = arith.constant 0 : i32
    %c0_i32_1 = arith.constant 0 : i32
    %c0_i32_2 = arith.constant 0 : i32
    return %add3A_0, %c0_i32, %c0_i32_1 : i32, i32, i32
  }
  func.func @transform_2(%arg0: i32) -> (i32, i32, i32) {
    %c0_i32 = arith.constant 0 : i32
    %c0_i32_0 = arith.constant 0 : i32
    %c0_i32_1 = arith.constant 0 : i32
    return %arg0, %c0_i32, %c0_i32_0 : i32, i32, i32
  }
}

module attributes {stable_mosaic.version = 14 : i64} {
  func.func @_argmin_kernel(%arg0: i32, %arg1: memref<4x1024x96xf32, #tpu.memory_space<vmem>>, %arg2: memref<4x256x96xf32, #tpu.memory_space<vmem>>, %arg3: memref<1x1x4096xi32, #tpu.memory_space<vmem>>) attributes {dimension_semantics = [#tpu.dimension_semantics<arbitrary>], iteration_bounds = array<i64: 2>, scalar_prefetch = 0 : i64, scratch_operands = 0 : i64, tpu.core_type = #tpu.core_type<tc>, window_params = [{transform_indices = @transform_0, window_bounds = array<i64: 4, 1024, 96>}, {transform_indices = @transform_1, window_bounds = array<i64: 4, 256, 96>}, {transform_indices = @transform_2, window_bounds = array<i64: 1, 1, 4096>}]} {
    %get3A = arith.constant 0 : index
    %get3A_0 = arith.constant 0 : index
    %get3A_1 = arith.constant 0 : index
    %get3A_2 = vector.load %arg1[%get3A, %get3A_0, %get3A_1] : memref<4x1024x96xf32, #tpu.memory_space<vmem>>, vector<1x1024x96xf32>
    %get3A_3 = vector.shape_cast %get3A_2 : vector<1x1024x96xf32> to vector<1024x96xf32>
    %get3A_4 = arith.constant 0 : index
    %get3A_5 = arith.constant 0 : index
    %get3A_6 = arith.constant 0 : index
    %get3A_7 = vector.load %arg2[%get3A_4, %get3A_5, %get3A_6] : memref<4x256x96xf32, #tpu.memory_space<vmem>>, vector<1x256x96xf32>
    %get3A_8 = vector.shape_cast %get3A_7 : vector<1x256x96xf32> to vector<256x96xf32>
    %mul3A = arith.mulf %get3A_3, %get3A_3 : vector<1024x96xf32>
    %reduce_sum3A = arith.constant dense<0.000000e+00> : vector<1024xf32>
    %reduce_sum3A_9 = vector.multi_reduction <add>, %mul3A, %reduce_sum3A [1] : vector<1024x96xf32> to vector<1024xf32>
    %broadcast_in_dim3A = vector.shape_cast %reduce_sum3A_9 : vector<1024xf32> to vector<1024x1xf32>
    %sqrt3A = math.sqrt %broadcast_in_dim3A : vector<1024x1xf32>
    %max3A = arith.constant 9.99999996E-13 : f32
    %max3A_10 = vector.broadcast %max3A : f32 to vector<1024x1xf32>
    %max3A_11 = arith.maximumf %sqrt3A, %max3A_10 : vector<1024x1xf32>
    %div3A = arith.constant 1.000000e+00 : f32
    %div3A_12 = vector.broadcast %div3A : f32 to vector<1024x1xf32>
    %div3A_13 = arith.divf %div3A_12, %max3A_11 : vector<1024x1xf32>
    %mul3A_14 = vector.broadcast %div3A_13 : vector<1024x1xf32> to vector<1024x96xf32>
    %mul3A_15 = arith.mulf %get3A_3, %mul3A_14 : vector<1024x96xf32>
    %mul3A_16 = arith.mulf %get3A_8, %get3A_8 : vector<256x96xf32>
    %reduce_sum3A_17 = arith.constant dense<0.000000e+00> : vector<256xf32>
    %reduce_sum3A_18 = vector.multi_reduction <add>, %mul3A_16, %reduce_sum3A_17 [1] : vector<256x96xf32> to vector<256xf32>
    %broadcast_in_dim3A_19 = vector.shape_cast %reduce_sum3A_18 : vector<256xf32> to vector<256x1xf32>
    %sqrt3A_20 = math.sqrt %broadcast_in_dim3A_19 : vector<256x1xf32>
    %max3A_21 = arith.constant 9.99999996E-13 : f32
    %max3A_22 = vector.broadcast %max3A_21 : f32 to vector<256x1xf32>
    %max3A_23 = arith.maximumf %sqrt3A_20, %max3A_22 : vector<256x1xf32>
    %div3A_24 = arith.constant 1.000000e+00 : f32
    %div3A_25 = vector.broadcast %div3A_24 : f32 to vector<256x1xf32>
    %div3A_26 = arith.divf %div3A_25, %max3A_23 : vector<256x1xf32>
    %mul3A_27 = vector.broadcast %div3A_26 : vector<256x1xf32> to vector<256x96xf32>
    %mul3A_28 = arith.mulf %get3A_8, %mul3A_27 : vector<256x96xf32>
    %dot_general3A = arith.constant dense<0.000000e+00> : vector<1024x256xf32>
    %dot_general3A_29 = tpu.matmul %mul3A_15, %mul3A_28, %dot_general3A {dimension_numbers = #tpu.dot_dimension_numbers<[1], [1], [0], [0], [0, 0, 1, 0], [], []>, transpose_lhs_hint = false} : vector<1024x96xf32>, vector<256x96xf32>, vector<1024x256xf32> -> vector<1024x256xf32>
    %reduce_max3A = arith.constant dense<0xFF800000> : vector<1024xf32>
    %reduce_max3A_30 = vector.multi_reduction <maximumf>, %dot_general3A_29, %reduce_max3A [1] : vector<1024x256xf32> to vector<1024xf32>
    %broadcast_in_dim3A_31 = vector.shape_cast %reduce_max3A_30 : vector<1024xf32> to vector<1024x1xf32>
    %iota3A = tpu.iota {dimensions = array<i32: 1>} : vector<1024x256xi32>
    %convert_element_type3A = arith.sitofp %iota3A : vector<1024x256xi32> to vector<1024x256xf32>
    %eq3A = vector.broadcast %broadcast_in_dim3A_31 : vector<1024x1xf32> to vector<1024x256xf32>
    %eq3A_32 = arith.cmpf oeq, %dot_general3A_29, %eq3A : vector<1024x256xf32>
    %jit3A = arith.constant 2.560000e+02 : f32
    %broadcast_in_dim3A_33 = vector.broadcast %jit3A : f32 to vector<1024x256xf32>
    %select_n3A = arith.select %eq3A_32, %convert_element_type3A, %broadcast_in_dim3A_33 : vector<1024x256xi1>, vector<1024x256xf32>
    %reduce_min3A = arith.constant dense<0x7F800000> : vector<1024xf32>
    %reduce_min3A_34 = vector.multi_reduction <minimumf>, %select_n3A, %reduce_min3A [1] : vector<1024x256xf32> to vector<1024xf32>
    %broadcast_in_dim3A_35 = vector.shape_cast %reduce_min3A_34 : vector<1024xf32> to vector<1024x1xf32>
    %eq3A_36 = vector.broadcast %broadcast_in_dim3A_35 : vector<1024x1xf32> to vector<1024x256xf32>
    %eq3A_37 = arith.cmpf oeq, %convert_element_type3A, %eq3A_36 : vector<1024x256xf32>
    %convert_element_type3A_38 = arith.extui %eq3A_37 : vector<1024x256xi1> to vector<1024x256xi32>
    %convert_element_type3A_39 = arith.sitofp %convert_element_type3A_38 : vector<1024x256xi32> to vector<1024x256xf32>
    %iota3A_40 = tpu.iota {dimensions = array<i32: 1>} : vector<1x256xi32>
    %convert_element_type3A_41 = arith.sitofp %iota3A_40 : vector<1x256xi32> to vector<1x256xf32>
    %dot_general3A_42 = arith.constant dense<0.000000e+00> : vector<1x1024xf32>
    %dot_general3A_43 = tpu.matmul %convert_element_type3A_41, %convert_element_type3A_39, %dot_general3A_42 {dimension_numbers = #tpu.dot_dimension_numbers<[1], [1], [0], [0], [0, 0, 1, 0], [], []>, transpose_lhs_hint = false} : vector<1x256xf32>, vector<1024x256xf32>, vector<1x1024xf32> -> vector<1x1024xf32>
    %convert_element_type3A_44 = arith.fptosi %dot_general3A_43 : vector<1x1024xf32> to vector<1x1024xi32>
    %mul3A_45 = arith.constant 4 : i32
    %mul3A_46 = arith.muli %arg0, %mul3A_45 : i32
    %add3A = arith.constant 24 : i32
    %add3A_47 = arith.addi %add3A, %mul3A_46 : i32
    %add3A_48 = arith.constant 0 : i32
    %add3A_49 = arith.addi %add3A_47, %add3A_48 : i32
    %mul3A_50 = arith.constant 256 : i32
    %mul3A_51 = arith.muli %add3A_49, %mul3A_50 : i32
    %add3A_52 = vector.broadcast %mul3A_51 : i32 to vector<1x1024xi32>
    %add3A_53 = arith.addi %convert_element_type3A_44, %add3A_52 : vector<1x1024xi32>
    %squeeze3A = vector.shape_cast %add3A_53 : vector<1x1024xi32> to vector<1024xi32>
    %swap3A = arith.constant 0 : index
    %swap3A_54 = arith.constant 0 : index
    %swap3A_55 = arith.constant 0 : index
    %swap3A_56 = vector.load %arg3[%swap3A, %swap3A_54, %swap3A_55] : memref<1x1x4096xi32, #tpu.memory_space<vmem>>, vector<1x1x1024xi32>
    %swap3A_57 = vector.shape_cast %swap3A_56 : vector<1x1x1024xi32> to vector<1024xi32>
    %swap3A_58 = vector.shape_cast %squeeze3A : vector<1024xi32> to vector<1x1x1024xi32>
    tpu.vector_store %arg3[%swap3A, %swap3A_54, %swap3A_55], %swap3A_58 {strides = array<i32>} : memref<1x1x4096xi32, #tpu.memory_space<vmem>>, vector<1x1x1024xi32>,
    %get3A_59 = arith.constant 1 : index
    %get3A_60 = arith.constant 0 : index
    %get3A_61 = arith.constant 0 : index
    %get3A_62 = vector.load %arg1[%get3A_59, %get3A_60, %get3A_61] : memref<4x1024x96xf32, #tpu.memory_space<vmem>>, vector<1x1024x96xf32>
    %get3A_63 = vector.shape_cast %get3A_62 : vector<1x1024x96xf32> to vector<1024x96xf32>
    %get3A_64 = arith.constant 1 : index
    %get3A_65 = arith.constant 0 : index
    %get3A_66 = arith.constant 0 : index
    %get3A_67 = vector.load %arg2[%get3A_64, %get3A_65, %get3A_66] : memref<4x256x96xf32, #tpu.memory_space<vmem>>, vector<1x256x96xf32>
    %get3A_68 = vector.shape_cast %get3A_67 : vector<1x256x96xf32> to vector<256x96xf32>
    %mul3A_69 = arith.mulf %get3A_63, %get3A_63 : vector<1024x96xf32>
    %reduce_sum3A_70 = arith.constant dense<0.000000e+00> : vector<1024xf32>
    %reduce_sum3A_71 = vector.multi_reduction <add>, %mul3A_69, %reduce_sum3A_70 [1] : vector<1024x96xf32> to vector<1024xf32>
    %broadcast_in_dim3A_72 = vector.shape_cast %reduce_sum3A_71 : vector<1024xf32> to vector<1024x1xf32>
    %sqrt3A_73 = math.sqrt %broadcast_in_dim3A_72 : vector<1024x1xf32>
    %max3A_74 = arith.constant 9.99999996E-13 : f32
    %max3A_75 = vector.broadcast %max3A_74 : f32 to vector<1024x1xf32>
    %max3A_76 = arith.maximumf %sqrt3A_73, %max3A_75 : vector<1024x1xf32>
    %div3A_77 = arith.constant 1.000000e+00 : f32
    %div3A_78 = vector.broadcast %div3A_77 : f32 to vector<1024x1xf32>
    %div3A_79 = arith.divf %div3A_78, %max3A_76 : vector<1024x1xf32>
    %mul3A_80 = vector.broadcast %div3A_79 : vector<1024x1xf32> to vector<1024x96xf32>
    %mul3A_81 = arith.mulf %get3A_63, %mul3A_80 : vector<1024x96xf32>
    %mul3A_82 = arith.mulf %get3A_68, %get3A_68 : vector<256x96xf32>
    %reduce_sum3A_83 = arith.constant dense<0.000000e+00> : vector<256xf32>
    %reduce_sum3A_84 = vector.multi_reduction <add>, %mul3A_82, %reduce_sum3A_83 [1] : vector<256x96xf32> to vector<256xf32>
    %broadcast_in_dim3A_85 = vector.shape_cast %reduce_sum3A_84 : vector<256xf32> to vector<256x1xf32>
    %sqrt3A_86 = math.sqrt %broadcast_in_dim3A_85 : vector<256x1xf32>
    %max3A_87 = arith.constant 9.99999996E-13 : f32
    %max3A_88 = vector.broadcast %max3A_87 : f32 to vector<256x1xf32>
    %max3A_89 = arith.maximumf %sqrt3A_86, %max3A_88 : vector<256x1xf32>
    %div3A_90 = arith.constant 1.000000e+00 : f32
    %div3A_91 = vector.broadcast %div3A_90 : f32 to vector<256x1xf32>
    %div3A_92 = arith.divf %div3A_91, %max3A_89 : vector<256x1xf32>
    %mul3A_93 = vector.broadcast %div3A_92 : vector<256x1xf32> to vector<256x96xf32>
    %mul3A_94 = arith.mulf %get3A_68, %mul3A_93 : vector<256x96xf32>
    %dot_general3A_95 = arith.constant dense<0.000000e+00> : vector<1024x256xf32>
    %dot_general3A_96 = tpu.matmul %mul3A_81, %mul3A_94, %dot_general3A_95 {dimension_numbers = #tpu.dot_dimension_numbers<[1], [1], [0], [0], [0, 0, 1, 0], [], []>, transpose_lhs_hint = false} : vector<1024x96xf32>, vector<256x96xf32>, vector<1024x256xf32> -> vector<1024x256xf32>
    %reduce_max3A_97 = arith.constant dense<0xFF800000> : vector<1024xf32>
    %reduce_max3A_98 = vector.multi_reduction <maximumf>, %dot_general3A_96, %reduce_max3A_97 [1] : vector<1024x256xf32> to vector<1024xf32>
    %broadcast_in_dim3A_99 = vector.shape_cast %reduce_max3A_98 : vector<1024xf32> to vector<1024x1xf32>
    %iota3A_100 = tpu.iota {dimensions = array<i32: 1>} : vector<1024x256xi32>
    %convert_element_type3A_101 = arith.sitofp %iota3A_100 : vector<1024x256xi32> to vector<1024x256xf32>
    %eq3A_102 = vector.broadcast %broadcast_in_dim3A_99 : vector<1024x1xf32> to vector<1024x256xf32>
    %eq3A_103 = arith.cmpf oeq, %dot_general3A_96, %eq3A_102 : vector<1024x256xf32>
    %jit3A_104 = arith.constant 2.560000e+02 : f32
    %broadcast_in_dim3A_105 = vector.broadcast %jit3A_104 : f32 to vector<1024x256xf32>
    %select_n3A_106 = arith.select %eq3A_103, %convert_element_type3A_101, %broadcast_in_dim3A_105 : vector<1024x256xi1>, vector<1024x256xf32>
    %reduce_min3A_107 = arith.constant dense<0x7F800000> : vector<1024xf32>
    %reduce_min3A_108 = vector.multi_reduction <minimumf>, %select_n3A_106, %reduce_min3A_107 [1] : vector<1024x256xf32> to vector<1024xf32>
    %broadcast_in_dim3A_109 = vector.shape_cast %reduce_min3A_108 : vector<1024xf32> to vector<1024x1xf32>
    %eq3A_110 = vector.broadcast %broadcast_in_dim3A_109 : vector<1024x1xf32> to vector<1024x256xf32>
    %eq3A_111 = arith.cmpf oeq, %convert_element_type3A_101, %eq3A_110 : vector<1024x256xf32>
    %convert_element_type3A_112 = arith.extui %eq3A_111 : vector<1024x256xi1> to vector<1024x256xi32>
    %convert_element_type3A_113 = arith.sitofp %convert_element_type3A_112 : vector<1024x256xi32> to vector<1024x256xf32>
    %iota3A_114 = tpu.iota {dimensions = array<i32: 1>} : vector<1x256xi32>
    %convert_element_type3A_115 = arith.sitofp %iota3A_114 : vector<1x256xi32> to vector<1x256xf32>
    %dot_general3A_116 = arith.constant dense<0.000000e+00> : vector<1x1024xf32>
    %dot_general3A_117 = tpu.matmul %convert_element_type3A_115, %convert_element_type3A_113, %dot_general3A_116 {dimension_numbers = #tpu.dot_dimension_numbers<[1], [1], [0], [0], [0, 0, 1, 0], [], []>, transpose_lhs_hint = false} : vector<1x256xf32>, vector<1024x256xf32>, vector<1x1024xf32> -> vector<1x1024xf32>
    %convert_element_type3A_118 = arith.fptosi %dot_general3A_117 : vector<1x1024xf32> to vector<1x1024xi32>
    %mul3A_119 = arith.constant 4 : i32
    %mul3A_120 = arith.muli %arg0, %mul3A_119 : i32
    %add3A_121 = arith.constant 24 : i32
    %add3A_122 = arith.addi %add3A_121, %mul3A_120 : i32
    %add3A_123 = arith.constant 1 : i32
    %add3A_124 = arith.addi %add3A_122, %add3A_123 : i32
    %mul3A_125 = arith.constant 256 : i32
    %mul3A_126 = arith.muli %add3A_124, %mul3A_125 : i32
    %add3A_127 = vector.broadcast %mul3A_126 : i32 to vector<1x1024xi32>
    %add3A_128 = arith.addi %convert_element_type3A_118, %add3A_127 : vector<1x1024xi32>
    %squeeze3A_129 = vector.shape_cast %add3A_128 : vector<1x1024xi32> to vector<1024xi32>
    %swap3A_130 = arith.constant 0 : index
    %swap3A_131 = arith.constant 0 : index
    %swap3A_132 = arith.constant 1024 : index
    %swap3A_133 = vector.load %arg3[%swap3A_130, %swap3A_131, %swap3A_132] : memref<1x1x4096xi32, #tpu.memory_space<vmem>>, vector<1x1x1024xi32>
    %swap3A_134 = vector.shape_cast %swap3A_133 : vector<1x1x1024xi32> to vector<1024xi32>
    %swap3A_135 = vector.shape_cast %squeeze3A_129 : vector<1024xi32> to vector<1x1x1024xi32>
    tpu.vector_store %arg3[%swap3A_130, %swap3A_131, %swap3A_132], %swap3A_135 {strides = array<i32>} : memref<1x1x4096xi32, #tpu.memory_space<vmem>>, vector<1x1x1024xi32>,
    %get3A_136 = arith.constant 2 : index
    %get3A_137 = arith.constant 0 : index
    %get3A_138 = arith.constant 0 : index
    %get3A_139 = vector.load %arg1[%get3A_136, %get3A_137, %get3A_138] : memref<4x1024x96xf32, #tpu.memory_space<vmem>>, vector<1x1024x96xf32>
    %get3A_140 = vector.shape_cast %get3A_139 : vector<1x1024x96xf32> to vector<1024x96xf32>
    %get3A_141 = arith.constant 2 : index
    %get3A_142 = arith.constant 0 : index
    %get3A_143 = arith.constant 0 : index
    %get3A_144 = vector.load %arg2[%get3A_141, %get3A_142, %get3A_143] : memref<4x256x96xf32, #tpu.memory_space<vmem>>, vector<1x256x96xf32>
    %get3A_145 = vector.shape_cast %get3A_144 : vector<1x256x96xf32> to vector<256x96xf32>
    %mul3A_146 = arith.mulf %get3A_140, %get3A_140 : vector<1024x96xf32>
    %reduce_sum3A_147 = arith.constant dense<0.000000e+00> : vector<1024xf32>
    %reduce_sum3A_148 = vector.multi_reduction <add>, %mul3A_146, %reduce_sum3A_147 [1] : vector<1024x96xf32> to vector<1024xf32>
    %broadcast_in_dim3A_149 = vector.shape_cast %reduce_sum3A_148 : vector<1024xf32> to vector<1024x1xf32>
    %sqrt3A_150 = math.sqrt %broadcast_in_dim3A_149 : vector<1024x1xf32>
    %max3A_151 = arith.constant 9.99999996E-13 : f32
    %max3A_152 = vector.broadcast %max3A_151 : f32 to vector<1024x1xf32>
    %max3A_153 = arith.maximumf %sqrt3A_150, %max3A_152 : vector<1024x1xf32>
    %div3A_154 = arith.constant 1.000000e+00 : f32
    %div3A_155 = vector.broadcast %div3A_154 : f32 to vector<1024x1xf32>
    %div3A_156 = arith.divf %div3A_155, %max3A_153 : vector<1024x1xf32>
    %mul3A_157 = vector.broadcast %div3A_156 : vector<1024x1xf32> to vector<1024x96xf32>
    %mul3A_158 = arith.mulf %get3A_140, %mul3A_157 : vector<1024x96xf32>
    %mul3A_159 = arith.mulf %get3A_145, %get3A_145 : vector<256x96xf32>
    %reduce_sum3A_160 = arith.constant dense<0.000000e+00> : vector<256xf32>
    %reduce_sum3A_161 = vector.multi_reduction <add>, %mul3A_159, %reduce_sum3A_160 [1] : vector<256x96xf32> to vector<256xf32>
    %broadcast_in_dim3A_162 = vector.shape_cast %reduce_sum3A_161 : vector<256xf32> to vector<256x1xf32>
    %sqrt3A_163 = math.sqrt %broadcast_in_dim3A_162 : vector<256x1xf32>
    %max3A_164 = arith.constant 9.99999996E-13 : f32
    %max3A_165 = vector.broadcast %max3A_164 : f32 to vector<256x1xf32>
    %max3A_166 = arith.maximumf %sqrt3A_163, %max3A_165 : vector<256x1xf32>
    %div3A_167 = arith.constant 1.000000e+00 : f32
    %div3A_168 = vector.broadcast %div3A_167 : f32 to vector<256x1xf32>
    %div3A_169 = arith.divf %div3A_168, %max3A_166 : vector<256x1xf32>
    %mul3A_170 = vector.broadcast %div3A_169 : vector<256x1xf32> to vector<256x96xf32>
    %mul3A_171 = arith.mulf %get3A_145, %mul3A_170 : vector<256x96xf32>
    %dot_general3A_172 = arith.constant dense<0.000000e+00> : vector<1024x256xf32>
    %dot_general3A_173 = tpu.matmul %mul3A_158, %mul3A_171, %dot_general3A_172 {dimension_numbers = #tpu.dot_dimension_numbers<[1], [1], [0], [0], [0, 0, 1, 0], [], []>, transpose_lhs_hint = false} : vector<1024x96xf32>, vector<256x96xf32>, vector<1024x256xf32> -> vector<1024x256xf32>
    %reduce_max3A_174 = arith.constant dense<0xFF800000> : vector<1024xf32>
    %reduce_max3A_175 = vector.multi_reduction <maximumf>, %dot_general3A_173, %reduce_max3A_174 [1] : vector<1024x256xf32> to vector<1024xf32>
    %broadcast_in_dim3A_176 = vector.shape_cast %reduce_max3A_175 : vector<1024xf32> to vector<1024x1xf32>
    %iota3A_177 = tpu.iota {dimensions = array<i32: 1>} : vector<1024x256xi32>
    %convert_element_type3A_178 = arith.sitofp %iota3A_177 : vector<1024x256xi32> to vector<1024x256xf32>
    %eq3A_179 = vector.broadcast %broadcast_in_dim3A_176 : vector<1024x1xf32> to vector<1024x256xf32>
    %eq3A_180 = arith.cmpf oeq, %dot_general3A_173, %eq3A_179 : vector<1024x256xf32>
    %jit3A_181 = arith.constant 2.560000e+02 : f32
    %broadcast_in_dim3A_182 = vector.broadcast %jit3A_181 : f32 to vector<1024x256xf32>
    %select_n3A_183 = arith.select %eq3A_180, %convert_element_type3A_178, %broadcast_in_dim3A_182 : vector<1024x256xi1>, vector<1024x256xf32>
    %reduce_min3A_184 = arith.constant dense<0x7F800000> : vector<1024xf32>
    %reduce_min3A_185 = vector.multi_reduction <minimumf>, %select_n3A_183, %reduce_min3A_184 [1] : vector<1024x256xf32> to vector<1024xf32>
    %broadcast_in_dim3A_186 = vector.shape_cast %reduce_min3A_185 : vector<1024xf32> to vector<1024x1xf32>
    %eq3A_187 = vector.broadcast %broadcast_in_dim3A_186 : vector<1024x1xf32> to vector<1024x256xf32>
    %eq3A_188 = arith.cmpf oeq, %convert_element_type3A_178, %eq3A_187 : vector<1024x256xf32>
    %convert_element_type3A_189 = arith.extui %eq3A_188 : vector<1024x256xi1> to vector<1024x256xi32>
    %convert_element_type3A_190 = arith.sitofp %convert_element_type3A_189 : vector<1024x256xi32> to vector<1024x256xf32>
    %iota3A_191 = tpu.iota {dimensions = array<i32: 1>} : vector<1x256xi32>
    %convert_element_type3A_192 = arith.sitofp %iota3A_191 : vector<1x256xi32> to vector<1x256xf32>
    %dot_general3A_193 = arith.constant dense<0.000000e+00> : vector<1x1024xf32>
    %dot_general3A_194 = tpu.matmul %convert_element_type3A_192, %convert_element_type3A_190, %dot_general3A_193 {dimension_numbers = #tpu.dot_dimension_numbers<[1], [1], [0], [0], [0, 0, 1, 0], [], []>, transpose_lhs_hint = false} : vector<1x256xf32>, vector<1024x256xf32>, vector<1x1024xf32> -> vector<1x1024xf32>
    %convert_element_type3A_195 = arith.fptosi %dot_general3A_194 : vector<1x1024xf32> to vector<1x1024xi32>
    %mul3A_196 = arith.constant 4 : i32
    %mul3A_197 = arith.muli %arg0, %mul3A_196 : i32
    %add3A_198 = arith.constant 24 : i32
    %add3A_199 = arith.addi %add3A_198, %mul3A_197 : i32
    %add3A_200 = arith.constant 2 : i32
    %add3A_201 = arith.addi %add3A_199, %add3A_200 : i32
    %mul3A_202 = arith.constant 256 : i32
    %mul3A_203 = arith.muli %add3A_201, %mul3A_202 : i32
    %add3A_204 = vector.broadcast %mul3A_203 : i32 to vector<1x1024xi32>
    %add3A_205 = arith.addi %convert_element_type3A_195, %add3A_204 : vector<1x1024xi32>
    %squeeze3A_206 = vector.shape_cast %add3A_205 : vector<1x1024xi32> to vector<1024xi32>
    %swap3A_207 = arith.constant 0 : index
    %swap3A_208 = arith.constant 0 : index
    %swap3A_209 = arith.constant 2048 : index
    %swap3A_210 = vector.load %arg3[%swap3A_207, %swap3A_208, %swap3A_209] : memref<1x1x4096xi32, #tpu.memory_space<vmem>>, vector<1x1x1024xi32>
    %swap3A_211 = vector.shape_cast %swap3A_210 : vector<1x1x1024xi32> to vector<1024xi32>
    %swap3A_212 = vector.shape_cast %squeeze3A_206 : vector<1024xi32> to vector<1x1x1024xi32>
    tpu.vector_store %arg3[%swap3A_207, %swap3A_208, %swap3A_209], %swap3A_212 {strides = array<i32>} : memref<1x1x4096xi32, #tpu.memory_space<vmem>>, vector<1x1x1024xi32>,
    %get3A_213 = arith.constant 3 : index
    %get3A_214 = arith.constant 0 : index
    %get3A_215 = arith.constant 0 : index
    %get3A_216 = vector.load %arg1[%get3A_213, %get3A_214, %get3A_215] : memref<4x1024x96xf32, #tpu.memory_space<vmem>>, vector<1x1024x96xf32>
    %get3A_217 = vector.shape_cast %get3A_216 : vector<1x1024x96xf32> to vector<1024x96xf32>
    %get3A_218 = arith.constant 3 : index
    %get3A_219 = arith.constant 0 : index
    %get3A_220 = arith.constant 0 : index
    %get3A_221 = vector.load %arg2[%get3A_218, %get3A_219, %get3A_220] : memref<4x256x96xf32, #tpu.memory_space<vmem>>, vector<1x256x96xf32>
    %get3A_222 = vector.shape_cast %get3A_221 : vector<1x256x96xf32> to vector<256x96xf32>
    %mul3A_223 = arith.mulf %get3A_217, %get3A_217 : vector<1024x96xf32>
    %reduce_sum3A_224 = arith.constant dense<0.000000e+00> : vector<1024xf32>
    %reduce_sum3A_225 = vector.multi_reduction <add>, %mul3A_223, %reduce_sum3A_224 [1] : vector<1024x96xf32> to vector<1024xf32>
    %broadcast_in_dim3A_226 = vector.shape_cast %reduce_sum3A_225 : vector<1024xf32> to vector<1024x1xf32>
    %sqrt3A_227 = math.sqrt %broadcast_in_dim3A_226 : vector<1024x1xf32>
    %max3A_228 = arith.constant 9.99999996E-13 : f32
    %max3A_229 = vector.broadcast %max3A_228 : f32 to vector<1024x1xf32>
    %max3A_230 = arith.maximumf %sqrt3A_227, %max3A_229 : vector<1024x1xf32>
    %div3A_231 = arith.constant 1.000000e+00 : f32
    %div3A_232 = vector.broadcast %div3A_231 : f32 to vector<1024x1xf32>
    %div3A_233 = arith.divf %div3A_232, %max3A_230 : vector<1024x1xf32>
    %mul3A_234 = vector.broadcast %div3A_233 : vector<1024x1xf32> to vector<1024x96xf32>
    %mul3A_235 = arith.mulf %get3A_217, %mul3A_234 : vector<1024x96xf32>
    %mul3A_236 = arith.mulf %get3A_222, %get3A_222 : vector<256x96xf32>
    %reduce_sum3A_237 = arith.constant dense<0.000000e+00> : vector<256xf32>
    %reduce_sum3A_238 = vector.multi_reduction <add>, %mul3A_236, %reduce_sum3A_237 [1] : vector<256x96xf32> to vector<256xf32>
    %broadcast_in_dim3A_239 = vector.shape_cast %reduce_sum3A_238 : vector<256xf32> to vector<256x1xf32>
    %sqrt3A_240 = math.sqrt %broadcast_in_dim3A_239 : vector<256x1xf32>
    %max3A_241 = arith.constant 9.99999996E-13 : f32
    %max3A_242 = vector.broadcast %max3A_241 : f32 to vector<256x1xf32>
    %max3A_243 = arith.maximumf %sqrt3A_240, %max3A_242 : vector<256x1xf32>
    %div3A_244 = arith.constant 1.000000e+00 : f32
    %div3A_245 = vector.broadcast %div3A_244 : f32 to vector<256x1xf32>
    %div3A_246 = arith.divf %div3A_245, %max3A_243 : vector<256x1xf32>
    %mul3A_247 = vector.broadcast %div3A_246 : vector<256x1xf32> to vector<256x96xf32>
    %mul3A_248 = arith.mulf %get3A_222, %mul3A_247 : vector<256x96xf32>
    %dot_general3A_249 = arith.constant dense<0.000000e+00> : vector<1024x256xf32>
    %dot_general3A_250 = tpu.matmul %mul3A_235, %mul3A_248, %dot_general3A_249 {dimension_numbers = #tpu.dot_dimension_numbers<[1], [1], [0], [0], [0, 0, 1, 0], [], []>, transpose_lhs_hint = false} : vector<1024x96xf32>, vector<256x96xf32>, vector<1024x256xf32> -> vector<1024x256xf32>
    %reduce_max3A_251 = arith.constant dense<0xFF800000> : vector<1024xf32>
    %reduce_max3A_252 = vector.multi_reduction <maximumf>, %dot_general3A_250, %reduce_max3A_251 [1] : vector<1024x256xf32> to vector<1024xf32>
    %broadcast_in_dim3A_253 = vector.shape_cast %reduce_max3A_252 : vector<1024xf32> to vector<1024x1xf32>
    %iota3A_254 = tpu.iota {dimensions = array<i32: 1>} : vector<1024x256xi32>
    %convert_element_type3A_255 = arith.sitofp %iota3A_254 : vector<1024x256xi32> to vector<1024x256xf32>
    %eq3A_256 = vector.broadcast %broadcast_in_dim3A_253 : vector<1024x1xf32> to vector<1024x256xf32>
    %eq3A_257 = arith.cmpf oeq, %dot_general3A_250, %eq3A_256 : vector<1024x256xf32>
    %jit3A_258 = arith.constant 2.560000e+02 : f32
    %broadcast_in_dim3A_259 = vector.broadcast %jit3A_258 : f32 to vector<1024x256xf32>
    %select_n3A_260 = arith.select %eq3A_257, %convert_element_type3A_255, %broadcast_in_dim3A_259 : vector<1024x256xi1>, vector<1024x256xf32>
    %reduce_min3A_261 = arith.constant dense<0x7F800000> : vector<1024xf32>
    %reduce_min3A_262 = vector.multi_reduction <minimumf>, %select_n3A_260, %reduce_min3A_261 [1] : vector<1024x256xf32> to vector<1024xf32>
    %broadcast_in_dim3A_263 = vector.shape_cast %reduce_min3A_262 : vector<1024xf32> to vector<1024x1xf32>
    %eq3A_264 = vector.broadcast %broadcast_in_dim3A_263 : vector<1024x1xf32> to vector<1024x256xf32>
    %eq3A_265 = arith.cmpf oeq, %convert_element_type3A_255, %eq3A_264 : vector<1024x256xf32>
    %convert_element_type3A_266 = arith.extui %eq3A_265 : vector<1024x256xi1> to vector<1024x256xi32>
    %convert_element_type3A_267 = arith.sitofp %convert_element_type3A_266 : vector<1024x256xi32> to vector<1024x256xf32>
    %iota3A_268 = tpu.iota {dimensions = array<i32: 1>} : vector<1x256xi32>
    %convert_element_type3A_269 = arith.sitofp %iota3A_268 : vector<1x256xi32> to vector<1x256xf32>
    %dot_general3A_270 = arith.constant dense<0.000000e+00> : vector<1x1024xf32>
    %dot_general3A_271 = tpu.matmul %convert_element_type3A_269, %convert_element_type3A_267, %dot_general3A_270 {dimension_numbers = #tpu.dot_dimension_numbers<[1], [1], [0], [0], [0, 0, 1, 0], [], []>, transpose_lhs_hint = false} : vector<1x256xf32>, vector<1024x256xf32>, vector<1x1024xf32> -> vector<1x1024xf32>
    %convert_element_type3A_272 = arith.fptosi %dot_general3A_271 : vector<1x1024xf32> to vector<1x1024xi32>
    %mul3A_273 = arith.constant 4 : i32
    %mul3A_274 = arith.muli %arg0, %mul3A_273 : i32
    %add3A_275 = arith.constant 24 : i32
    %add3A_276 = arith.addi %add3A_275, %mul3A_274 : i32
    %add3A_277 = arith.constant 3 : i32
    %add3A_278 = arith.addi %add3A_276, %add3A_277 : i32
    %mul3A_279 = arith.constant 256 : i32
    %mul3A_280 = arith.muli %add3A_278, %mul3A_279 : i32
    %add3A_281 = vector.broadcast %mul3A_280 : i32 to vector<1x1024xi32>
    %add3A_282 = arith.addi %convert_element_type3A_272, %add3A_281 : vector<1x1024xi32>
    %squeeze3A_283 = vector.shape_cast %add3A_282 : vector<1x1024xi32> to vector<1024xi32>
    %swap3A_284 = arith.constant 0 : index
    %swap3A_285 = arith.constant 0 : index
    %swap3A_286 = arith.constant 3072 : index
    %swap3A_287 = vector.load %arg3[%swap3A_284, %swap3A_285, %swap3A_286] : memref<1x1x4096xi32, #tpu.memory_space<vmem>>, vector<1x1x1024xi32>
    %swap3A_288 = vector.shape_cast %swap3A_287 : vector<1x1x1024xi32> to vector<1024xi32>
    %swap3A_289 = vector.shape_cast %squeeze3A_283 : vector<1024xi32> to vector<1x1x1024xi32>
    tpu.vector_store %arg3[%swap3A_284, %swap3A_285, %swap3A_286], %swap3A_289 {strides = array<i32>} : memref<1x1x4096xi32, #tpu.memory_space<vmem>>, vector<1x1x1024xi32>,
    return
  }
  func.func @transform_0(%arg0: i32) -> (i32, i32, i32) {
    %add3A = arith.constant 6 : i32
    %add3A_0 = arith.addi %add3A, %arg0 : i32
    %c0_i32 = arith.constant 0 : i32
    %c0_i32_1 = arith.constant 0 : i32
    %c0_i32_2 = arith.constant 0 : i32
    return %add3A_0, %c0_i32, %c0_i32_1 : i32, i32, i32
  }
  func.func @transform_1(%arg0: i32) -> (i32, i32, i32) {
    %add3A = arith.constant 6 : i32
    %add3A_0 = arith.addi %add3A, %arg0 : i32
    %c0_i32 = arith.constant 0 : i32
    %c0_i32_1 = arith.constant 0 : i32
    %c0_i32_2 = arith.constant 0 : i32
    return %add3A_0, %c0_i32, %c0_i32_1 : i32, i32, i32
  }
  func.func @transform_2(%arg0: i32) -> (i32, i32, i32) {
    %c0_i32 = arith.constant 0 : i32
    %c0_i32_0 = arith.constant 0 : i32
    %c0_i32_1 = arith.constant 0 : i32
    return %arg0, %c0_i32, %c0_i32_0 : i32, i32, i32
  }
}

</mosaic_0001>

<sc_bundles>
// kernel: kernel.10.cloned.1.call-start
scs
__scs_entry_jumppad:
0x0: {  	(pc) =	sbr.rel $0x88, $3  }
0x1: {  	(tag) =	ssettag $0x0;
	lr =	simm.s32 $0x1  }
0x2: {  	[smem:$0x3F9F] =	sst lr;
	_ =	strace $0xD0000000  }
0x3: {  	_ = 	snop  }
0x4: {  	_ = 	snop  }
0x5: {  	_ = 	snop  }
0x6: {  	_ = 	snop  }
0x7: {  	_ = 	snop  }
__scs_overlays_trampoline_lowered:
0x8: {  	[smem:$0x3FAE] =	sst s0  }
0x9: {  	[smem:$0x3FAF] =	sst s1  }
0xa: {  	[smem:$0x3FB0] =	sst s2  }
0xb: {  	[smem:$0x3FB1] =	sst s3  }
0xc: {  	[smem:$0x3FB2] =	sst s4  }
0xd: {  	[smem:$0x3FB3] =	sst s5  }
0xe: {  	[smem:$0x3FB4] =	sst s6  }
0xf: {  	[smem:$0x3FB5] =	sst s7  }
0x10: {  	[smem:$0x3FB6] =	sst s8  }
0x11: {  	[smem:$0x3FB7] =	sst s9;
	s0 =	simm.s32 @!p0 $0x0  }
0x12: {  	s1 =	sld [smem:$0x3F9D];
	s0 =	simm.s32 @p0 $0x1  }
0x13: {  	[smem:$0x3FB8] =	sst s0;
	s0 =	simm.s32 @!p1 $0x0  }
0x14: {  	s2 =	sld [smem:$0x3F9C];
	s0 =	simm.s32 @p1 $0x1  }
0x15: {  	[smem:$0x3FB9] =	sst s0;
	s0 =	simm.s32 @!p2 $0x0  }
0x16: {  	s3 =	sld [smem:$0x3FDB];
	s0 =	simm.s32 @p2 $0x1  }
0x17: {  	s4 =	simm.s32 $0x1BF5;
	[smem:$0x3FBB] =	sst s0  }
0x18: {  	s0 =	sld [smem:$0x3F9E];
	_ =	swait.ge [sflag:s4], $0x0  }
0x19: {  	s7 =	sld [smem:$0x3F9F]  }
0x1a: {  	s8 =	sadd.s32 $0xFFFFE003, lr  }
0x1b: {  	s9 =	sadd.s32 $0xFFFFFEF7, lr;
	s5 =	simm.s32 $0xFFFFFFFF;
	p2 =	slt.u32 s8, $0xFFFFF086  }
0x1c: {  	p1 =	slt.u32 s9, $0xF7A;
	s5 =	simm.s32 @!p2 $0x0  }
0x1d: {  	s5 =	simm.s32 @p1 $0x1;
	p0 =	seq.s32 s7, s2  }
0x1e: {  	s7 =	smul.u32 @!p0 $0xF7A, s2;
	p2 =	seq.s32 @!p0 s5, $0x0  }
0x1f: {  	s9 =	smul.u32 $0xF7A, s1;
	s8 =	simm.s32 @!p0 $0x1BF5;
	p2 =	por !p2, p0  }
0x20: {  	[sflag:s8] =	ssyncset.s32 @!p0 $0xFFFFF086;
	s6 =	sadd.s32 @!p0 s3, s7;
	s7 =	simm.s32 @!p0 $0x108  }
0x21: {  	s3 =	sadd.s32 s3, s9;
	s6 =	sadd.s32 @!p0 $0x88, s6;
	s7 =	simm.s32 @p2 $0x1082  }
0x22: {  	[simem:s7], [sflag:s8] =	dma.local @!p0 [hbm:s6], $0xF7A  }
0x23: {  	s9 =	sor.u32 $0xD0000000, s2;
	s6 =	simm.s32 $0x108;
	_ =	swait.ge @!p0 [sflag:s8], $0x0  }
0x24: {  	s3 =	sadd.s32 $0x88, s3;
	s6 =	simm.s32 @!p1 $0x1082;
	[sflag:s4] =	ssyncset.s32 $0xFFFFF086  }
0x25: {  	[simem:s6], [sflag:s4] =	dma.local [hbm:s3], $0xF7A  }
0x26: {  	[smem:$0x3F9F] =	sst s1;
	(tag) =	ssettag s2;
	_ =	strace s9  }
0x27: {  	s1 =	sld [smem:$0x3FAF]  }
0x28: {  	s2 =	sld [smem:$0x3FB0]  }
0x29: {  	s4 =	sld [smem:$0x3FB2]  }
0x2a: {  	p0 =	seq.s32 s5, $0x0;
	s5 =	sld [smem:$0x3FB3]  }
0x2b: {  	s6 =	sld [smem:$0x3FB4]  }
0x2c: {  	s7 =	sld [smem:$0x3FB5]  }
0x2d: {  	s3 =	simm.s32 $0x108;
	s8 =	sld [smem:$0x3FB6]  }
0x2e: {  	s3 =	simm.s32 @!p0 $0x1082;
	s9 =	sld [smem:$0x3FB7]  }
0x2f: {  	lr =	sadd.s32 s0, s3;
	s0 =	sld [smem:$0x3FAE]  }
0x30: {  	s3 =	sld [smem:$0x3FB1]  }
0x31: {  	[smem:$0x3FBA] =	sst s10  }
0x32: {  	s10 =	sld [smem:$0x3FB8];
	_ =	sdelay $0x3  }
0x33: {  	p0 =	seq.s32 s10, $0x1;
	s10 =	sld [smem:$0x3FBA];
	_ =	sdelay $0x3  }
0x34: {  	[smem:$0x3FBA] =	sst s10  }
0x35: {  	s10 =	sld [smem:$0x3FB9];
	_ =	sdelay $0x3  }
0x36: {  	p1 =	seq.s32 s10, $0x1;
	s10 =	sld [smem:$0x3FBA];
	_ =	sdelay $0x3  }
0x37: {  	[smem:$0x3FBA] =	sst s10  }
0x38: {  	s10 =	sld [smem:$0x3FBB]  }
0x39: {  	_ = 	snop;
	(pc) =	sbr.ind lr, $3  }
0x3a: {  	_ = 	snop  }
0x3b: {  	_ = 	snop  }
0x3c: {  	p2 =	seq.s32 s10, $0x1;
	s10 =	sld [smem:$0x3FBA]  }
0x3d: {  	_ =	shalt  }
0x3e: {  	_ =	shalt  }
0x3f: {  	_ =	shalt  }
0x40: {  	_ =	shalt  }
0x41: {  	_ =	shalt  }
0x42: {  	_ =	shalt  }
0x43: {  	_ =	shalt  }
0x44: {  	_ =	shalt  }
0x45: {  	_ =	shalt  }
0x46: {  	_ =	shalt  }
0x47: {  	_ =	shalt  }
0x48: {  	_ =	shalt  }
0x49: {  	_ =	shalt  }
0x4a: {  	_ =	shalt  }
0x4b: {  	_ =	shalt  }
0x4c: {  	_ =	shalt  }
0x4d: {  	_ =	shalt  }
0x4e: {  	_ =	shalt  }
0x4f: {  	_ =	shalt  }
0x50: {  	_ =	shalt  }
0x51: {  	_ =	shalt  }
0x52: {  	_ =	shalt  }
0x53: {  	_ =	shalt  }
0x54: {  	_ =	shalt  }
0x55: {  	_ =	shalt  }
0x56: {  	_ =	shalt  }
0x57: {  	_ =	shalt  }
0x58: {  	_ =	shalt  }
0x59: {  	_ =	shalt  }
0x5a: {  	_ =	shalt  }
0x5b: {  	_ =	shalt  }
0x5c: {  	_ =	shalt  }
0x5d: {  	_ =	shalt  }
0x5e: {  	_ =	shalt  }
0x5f: {  	_ =	shalt  }
0x60: {  	_ =	shalt  }
0x61: {  	_ =	shalt  }
0x62: {  	_ =	shalt  }
0x63: {  	_ =	shalt  }
0x64: {  	_ =	shalt  }
0x65: {  	_ =	shalt  }
0x66: {  	_ =	shalt  }
0x67: {  	_ =	shalt  }
0x68: {  	_ =	shalt  }
0x69: {  	_ =	shalt  }
0x6a: {  	_ =	shalt  }
0x6b: {  	_ =	shalt  }
0x6c: {  	_ =	shalt  }
0x6d: {  	_ =	shalt  }
0x6e: {  	_ =	shalt  }
0x6f: {  	_ =	shalt  }
0x70: {  	_ =	shalt  }
0x71: {  	_ =	shalt  }
0x72: {  	_ =	shalt  }
0x73: {  	_ =	shalt  }
0x74: {  	_ =	shalt  }
0x75: {  	_ =	shalt  }
0x76: {  	_ =	shalt  }
0x77: {  	_ =	shalt  }
0x78: {  	_ =	shalt  }
0x79: {  	_ =	shalt  }
0x7a: {  	_ =	shalt  }
0x7b: {  	_ =	shalt  }
0x7c: {  	_ =	shalt  }
0x7d: {  	_ =	shalt  }
0x7e: {  	_ =	shalt  }
0x7f: {  	_ =	shalt  }
0x80: {  	_ =	shalt  }
0x81: {  	_ =	shalt  }
0x82: {  	_ =	shalt  }
0x83: {  	_ =	shalt  }
0x84: {  	_ =	shalt  }
0x85: {  	_ =	shalt  }
0x86: {  	_ =	shalt  }
0x87: {  	_ =	shalt  }
.Lfunc_end0:
.L_simem_size_0:
called_computation_lowered:
.L_overlay_start_0:
0x88: {  	s2 =	sld [smem:$0x3FD9]  }
0x89: {  	s3 =	sld [smem:$0x3FFE];
	_ =	sdelay $0x1  }
0x8a: {  	s1 =	srdreg.scid  }
0x8b: {  	s0 =	sand.u32 $0x1, s1  }
0x8c: {  	s17 =	sshll.u32 s0, $0xA;
	s2 =	sadd.s32 s3, s2  }
0x8d: {  	s2 =	sadd.s32 s2, s17  }
0x8e: {  	[smem:$0x3FC6] =	sst s2  }
0x8f: {  	_ = 	snop  }
0x90: {  	s18 =	sld [smem:$0x3FD0];
	(tm) =	ssettm $0x1  }
0x91: {  	s19 =	sld [smem:$0x3FFB];
	_ =	sdelay $0x3  }
0x92: {  	_ =	strace s19  }
0x93: {  	s2 =	sld [smem:$0x3FFC];
	_ =	sdelay $0x3  }
0x94: {  	_ =	strace s2  }
0x95: {  	s2 =	sld [smem:$0x3FFD];
	_ =	sdelay $0x3  }
0x96: {  	_ =	strace s2  }
0x97: {  	_ =	strace $0x8FFFFFFF  }
0x98: {  	s20 =	sld [smem:$0x3FDB];
	_ =	sdelay $0x1  }
0x99: {  	s4 =	simm.s32 $_scs_section_size  }
0x9a: {  	s5 =	simm.s32 $_size__tile_overlayer_lowered;
	s6 =	simm.s32 $_tile_overlayer_lowered  }
0x9b: {  	s7 =	simm.s32 $0x1BFF;
	s21 =	sshll.u32 s6, $0x1;
	s4 =	sadd.s32 s4, s20  }
0x9c: {  	s22 =	simm.s32 $0x0;
	s5 =	sshll.u32 s5, $0x1;
	s6 =	sadd.s32 s21, s4  }
0x9d: {  	[timem:s22], [sflag:s7] =	dma.local [hbm:s6], s5  }
0x9e: {  	_ =	swait.ge [sflag:s7], s5  }
0x9f: {  	s5 =	ssub.s32 $0x0, s5;
	[sflag:s7] =	ssyncset.done $0x0  }
0xa0: {  	[sflag:s7] =	ssyncadd.s32 s5;
	_ =	sdelay $0x1  }
0xa1: {  	s23 =	simm.s32 $0x1B8B  }
0xa2: {  	_ =	swait.ge [sflag:s23], $0x1  }
0xa3: {  	[sflag:s23] =	ssyncset.done $0x0  }
0xa4: {  	[sflag:s23] =	ssyncadd.s32 $0xFFFFFFFF  }
0xa5: {  	s5 =	sld [smem:$0x0]  }
0xa6: {  	s6 =	sand.u32 $0xFFFFFFFE, s1  }
0xa7: {  	p0 =	sne.s32 s1, s6  }
0xa8: {  	s6 =	sshll.u32 @p0 s6, $0xE  }
0xa9: {  	s6 =	sadd.s32 @p0 $0x11B8D, s6;
	s7 =	sshll.u32 @p0 s5, $0x11  }
0xaa: {  	s6 =	sor.u32 @p0 s7, s6  }
0xab: {  	[sflag:s6] =	ssyncadd.remote.s32 @p0 $0x1;
	_ =	sdelay $0x1  }
0xac: {  	s6 =	simm.s32 @p0 $0x1B8D  }
0xad: {  	_ =	swait.eq @p0 [sflag:s6], $0x1  }
0xae: {  	[sflag:s6] =	ssyncadd.s32 @p0 $0xFFFFFFFF  }
0xaf: {  	s7 =	sshll.u32 @!p0 s1, $0xE  }
0xb0: {  	s7 =	sor.u32 @!p0 $0x4000, s7;
	s6 =	simm.s32 @!p0 $0x1B8D  }
0xb1: {  	s5 =	sshll.u32 @!p0 s5, $0x11;
	s7 =	sadd.s32 @!p0 $0x11B8D, s7;
	_ =	swait.eq @!p0 [sflag:s6], $0x1  }
0xb2: {  	s5 =	sor.u32 @!p0 s5, s7;
	[sflag:s6] =	ssyncadd.s32 @!p0 $0xFFFFFFFF  }
0xb3: {  	s25 =	simm.s32 $0x1B8E;
	s24 =	sld [smem:$0x3FFE];
	[sflag:s5] =	ssyncadd.remote.s32 @!p0 $0x1  }
0xb4: {  	s26 =	simm.s32 $execute0_lowered;
	[smem:$0x3FD2] =	sst s25  }
0xb5: {  	s6 =	sshll.u32 s26, $0x1;
	_ =	strace $0x80000049;
	[dreg:$0x1] =	wrdreg $0xFFFFFFFF  }
0xb6: {  	s28 =	simm.s32 $_size_execute0_lowered;
	s4 =	sadd.s32 s4, s6;
	[dreg:$0x0] =	wrdreg $0x0  }
0xb7: {  	s6 =	sshll.u32 s28, $0x1;
	[dreg:$0x2] =	wrdreg s4  }
0xb8: {  	[dreg:$0x3] =	wrdreg s6  }
0xb9: {  	[dreg:$0x4] =	wrdreg $0xC0  }
0xba: {  	_ =	task [dreg:s22], $0x5FFFF  }
0xbb: {  	[dreg:$0x1] =	wrdreg $0xFFFFFFFF  }
0xbc: {  	[dreg:$0x0] =	wrdreg $0x60  }
0xbd: {  	[dreg:$0x2] =	wrdreg s18  }
0xbe: {  	[dreg:$0x3] =	wrdreg s24  }
0xbf: {  	[dreg:$0x4] =	wrdreg $0x9  }
0xc0: {  	_ =	task.clear_ibuf [dreg:s22], $0x5FFFF;
	_ =	strace $0x90000049  }
0xc1: {  	s29 =	simm.s32 $0x9;
	_ =	strace $0x8000004B  }
0xc2: {  	_ =	swait.ge [sflag:s29], $0x1  }
0xc3: {  	[sflag:s29] =	ssyncadd.s32 $0xFFFFFFFF  }
0xc4: {  	_ =	strace $0x9000004B  }
0xc5: {  	_ =	sfence  }
0xc6: {  	s30 =	sld [smem:$0x0];
	_ =	sdelay $0x2  }
0xc7: {  	s31 =	sshll.u32 s1, $0xD;
	s1 =	sshrl.u32 s1, $0x2  }
0xc8: {  	s4 =	sand.u32 $0x4000, s31;
	s1 =	sadd.s32 s1, s30  }
0xc9: {  	s0 =	sor.u32 s4, s0;
	s1 =	sshll.u32 s1, $0x11  }
0xca: {  	s0 =	sor.u32 s1, s0  }
0xcb: {  	s0 =	sadd.s32 $0x8F2B, s0  }
0xcc: {  	[sflag:s0] =	ssyncadd.remote.s32 $0x1  }
0xcd: {  	_ =	sfence.sel $0xFFFF  }
0xce: {  	[dreg:$0x0] =	wrdreg $0xFFFFFFFF;
	(pc) =	sbr.abs _section_cstart, $3  }
0xcf: {  	[dreg:$0x1] =	wrdreg $0xFFFFFFFF  }
0xd0: {  	_ =	task.clear_ibuf [dreg:s22], $0x2FFFF;
	_ =	strace $0x9FFFFFFF  }
0xd1: {  	(tm) =	ssettm $0x7FFFFFFF  }
tec
execute0_lowered:
.L_overlay_start_1:
0x0: {  	(tag) =	ssettag $0x1  }
0x1: {  	s1 =	srdreg.scid  }
0x2: {  	s0 =	stileid.u32;
	s10 =	sand.u32 $0x1, s1  }
0x3: {  	s2 =	rddreg [dreg:$0x0];
	s29 =	sshll.u32 s0, $0x9;
	s3 =	sshll.u32 s10, $0x8  }
0x4: {  	s11 =	rddreg [dreg:$0x1];
	s12 =	sor.u32 s3, s29  }
0x5: {  	s1 =	rddreg [dreg:$0x2];
	s3 =	simm.s32 $0x0;
	s4 =	sshrl.u32 s12, $0x3  }
0x6: {  	[smem:$0x7FF] =	sst s3;
	s4 =	sadd.s32 s4, s11  }
0x7: {  	_ =	strace $0x8000004A;
	s5 =	sadd.s32 $0x19C00, s4;
	s4 =	simm.s32 $0x2  }
0x8: {  	[tilespmem:s3], [sflag:$0x2] =	stream.linear.gather [hbm4b:s5+s3], $0x100, $0x38;
	[tilespmem:$0x6100] =	vst v63  }
0x9: {  	_ =	swait.ge [sflag:s4], $0x100  }
0xa: {  	[sflag:s4] =	ssyncset.done $0x0  }
0xb: {  	s6 =	simm.s32 $0x80;
	s7 =	simm.s32 $0x100;
	[sflag:s4] =	ssyncadd.s32 $0xFFFFFF00  }
0xc: {  	[tilespmem:s7], [sflag:$0x1] =	stream.indirect.gather [hbm4b:s2+s6], $0x60, s3, s6, $0xb8;
	[tilespmem:$0x6100] =	vst v63  }
0xd: {  	s8 =	simm.s32 $0x3100;
	s9 =	simm.s32 $0x1;
	s10 =	ssub.s32 $0x2, s10  }
0xe: {  	[tilespmem:s8], [sflag:$0x1] =	stream.indirect.gather [hbm4b:s2+s6], $0x60, s6, s6, $0xb8;
	[tilespmem:$0x6100] =	vst v63  }
0xf: {  	s13 =	sshrl.u32 s10, $0x1;
	_ =	swait.ge [sflag:s9], $0x3000  }
0x10: {  	s30 =	ssub.s32 s10, s13;
	[sflag:s9] =	ssyncset.done $0x0  }
0x11: {  	s12 =	smul.u32 $0xC, s12;
	s31 =	smax.u32 s30, $0x1;
	[sflag:s9] =	ssyncadd.s32 $0xFFFFD000  }
0x12: {  	p0 =	sne.s32 s31, $0x1;
	_ =	swait.ge [sflag:s9], $0x3000  }
.Ltmp0:
0x13: {  	s11 =	sadd.s32 s12, s11;
	[sflag:s9] =	ssyncset.done $0x0;
	(pc) =	sbr.rel @!p0 .LBB2_2-.Ltmp0, $4  }
0x14: {  	s10 =	sadd.s32 $0x1A000, s11;
	[sflag:s9] =	ssyncadd.s32 $0xFFFFD000  }
0x15: {  	[hbm4b:s10+s3] =	stream.linear.scatter [tilespmem:s7], [sflag:$0x2], $0x6000, $0x38;
	[tilespmem:$0x6100] =	vst v63  }
0x16: {  	_ =	swait.ge [sflag:s4], $0x6000  }
0x17: {  	s11 =	sadd.s32 $0xFFFFFFFF, s31;
	[sflag:s4] =	ssyncset.done $0x0  }
.LBB2_1:
0x18: {  	p0 =	sne.s32 s11, $0x1;
	s11 =	sadd.s32 $0xFFFFFFFF, s11;
	[sflag:s4] =	ssyncadd.s32 $0xFFFFA000  }
0x19: {  	[tilespmem:s3], [sflag:$0x2] =	stream.linear.gather [hbm4b:s5+s3], $0x100, $0x38;
	[tilespmem:$0x6100] =	vst v63  }
0x1a: {  	_ =	swait.ge [sflag:s4], $0x100  }
0x1b: {  	[sflag:s4] =	ssyncset.done $0x0  }
0x1c: {  	[sflag:s4] =	ssyncadd.s32 $0xFFFFFF00  }
0x1d: {  	[tilespmem:s7], [sflag:$0x1] =	stream.indirect.gather [hbm4b:s2+s6], $0x60, s3, s6, $0xb8;
	[tilespmem:$0x6100] =	vst v63  }
0x1e: {  	_ = 	snop  }
0x1f: {  	[tilespmem:s8], [sflag:$0x1] =	stream.indirect.gather [hbm4b:s2+s6], $0x60, s6, s6, $0xb8;
	[tilespmem:$0x6100] =	vst v63  }
0x20: {  	_ =	swait.ge [sflag:s9], $0x3000  }
0x21: {  	[sflag:s9] =	ssyncset.done $0x0  }
0x22: {  	[sflag:s9] =	ssyncadd.s32 $0xFFFFD000  }
0x23: {  	_ =	swait.ge [sflag:s9], $0x3000  }
.Ltmp1:
0x24: {  	[sflag:s9] =	ssyncset.done $0x0;
	(pc) =	sbr.rel @p0 .LBB2_1-.Ltmp1, $4  }
0x25: {  	[sflag:s9] =	ssyncadd.s32 $0xFFFFD000  }
0x26: {  	[hbm4b:s10+s3] =	stream.linear.scatter [tilespmem:s7], [sflag:$0x2], $0x6000, $0x38;
	[tilespmem:$0x6100] =	vst v63  }
0x27: {  	_ =	swait.ge [sflag:s4], $0x6000  }
0x28: {  	[sflag:s4] =	ssyncset.done $0x0  }
.LBB2_2:
0x29: {  	[sflag:s4] =	ssyncadd.s32 $0xFFFFA000  }
0x2a: {  	_ =	sfence.sel $0x180000  }
0x2b: {  	[bflag:$0x0] =	sbarrier.arrive $0xFFFF  }
0x2c: {  	p0 =	sne.s32 s0, $0x0;
	_ =	strace $0x9000004A  }
0x2d: {  	s0 =	sadd.s32 @!p0 $0x100000, s1;
	[bflag:$0x2] =	sbarrier.arrive $0xFFFF  }
0x2e: {  	[sflag:s0] =	ssyncadd.tile.s32 @!p0 $0x1;
	_ =	shalt  }
.Lfunc_end2:
_tile_overlayer_lowered:
.L_overlay_start_2:
0x2f: {  	(tag) =	ssettag $0x2  }
0x30: {  	s0 =	rddreg [dreg:$0x0];
	s2 =	stileid.u32  }
0x31: {  	s1 =	rddreg [dreg:$0x1];
	p0 =	sne.s32 s2, $0x0  }
0x32: {  	s3 =	rddreg [dreg:$0x2];
	[bflag:$0x3] =	sbarrier.arrive $0xFFFF;
	s2 =	simm.s32 @!p0 $0x1C02  }
0x33: {  	[timem:s3], [sflag:s2] =	dma.local @!p0 [hbm:s0], s1  }
0x34: {  	s0 =	simm.s32 @!p0 $0x2  }
0x35: {  	_ =	swait.ge @!p0 [sflag:s0], s1  }
0x36: {  	s1 =	ssub.s32 @!p0 $0x0, s1;
	[sflag:s0] =	ssyncset.done @!p0 $0x0  }
0x37: {  	[sflag:s0] =	ssyncadd.s32 @!p0 s1  }
0x38: {  	[bflag:$0x3] =	sbarrier.arrive $0xFFFF  }
0x39: {  	_ =	shalt  }

// kernel: kernel.13.cloned.1.call-start
scs
__scs_entry_jumppad:
0x0: {  	(pc) =	sbr.rel $0x88, $3  }
0x1: {  	(tag) =	ssettag $0x0;
	lr =	simm.s32 $0x1  }
0x2: {  	[smem:$0x3F9F] =	sst lr;
	_ =	strace $0xD0000000  }
0x3: {  	_ = 	snop  }
0x4: {  	_ = 	snop  }
0x5: {  	_ = 	snop  }
0x6: {  	_ = 	snop  }
0x7: {  	_ = 	snop  }
__scs_overlays_trampoline_lowered:
0x8: {  	[smem:$0x3FAE] =	sst s0  }
0x9: {  	[smem:$0x3FAF] =	sst s1  }
0xa: {  	[smem:$0x3FB0] =	sst s2  }
0xb: {  	[smem:$0x3FB1] =	sst s3  }
0xc: {  	[smem:$0x3FB2] =	sst s4  }
0xd: {  	[smem:$0x3FB3] =	sst s5  }
0xe: {  	[smem:$0x3FB4] =	sst s6  }
0xf: {  	[smem:$0x3FB5] =	sst s7  }
0x10: {  	[smem:$0x3FB6] =	sst s8  }
0x11: {  	[smem:$0x3FB7] =	sst s9;
	s0 =	simm.s32 @!p0 $0x0  }
0x12: {  	s1 =	sld [smem:$0x3F9D];
	s0 =	simm.s32 @p0 $0x1  }
0x13: {  	[smem:$0x3FB8] =	sst s0;
	s0 =	simm.s32 @!p1 $0x0  }
0x14: {  	s2 =	sld [smem:$0x3F9C];
	s0 =	simm.s32 @p1 $0x1  }
0x15: {  	[smem:$0x3FB9] =	sst s0;
	s0 =	simm.s32 @!p2 $0x0  }
0x16: {  	s3 =	sld [smem:$0x3FDB];
	s0 =	simm.s32 @p2 $0x1  }
0x17: {  	s4 =	simm.s32 $0x1BF5;
	[smem:$0x3FBB] =	sst s0  }
0x18: {  	s0 =	sld [smem:$0x3F9E];
	_ =	swait.ge [sflag:s4], $0x0  }
0x19: {  	s7 =	sld [smem:$0x3F9F]  }
0x1a: {  	s8 =	sadd.s32 $0xFFFFE003, lr  }
0x1b: {  	s9 =	sadd.s32 $0xFFFFFEF7, lr;
	s5 =	simm.s32 $0xFFFFFFFF;
	p2 =	slt.u32 s8, $0xFFFFF086  }
0x1c: {  	p1 =	slt.u32 s9, $0xF7A;
	s5 =	simm.s32 @!p2 $0x0  }
0x1d: {  	s5 =	simm.s32 @p1 $0x1;
	p0 =	seq.s32 s7, s2  }
0x1e: {  	s7 =	smul.u32 @!p0 $0xF7A, s2;
	p2 =	seq.s32 @!p0 s5, $0x0  }
0x1f: {  	s9 =	smul.u32 $0xF7A, s1;
	s8 =	simm.s32 @!p0 $0x1BF5;
	p2 =	por !p2, p0  }
0x20: {  	[sflag:s8] =	ssyncset.s32 @!p0 $0xFFFFF086;
	s6 =	sadd.s32 @!p0 s3, s7;
	s7 =	simm.s32 @!p0 $0x108  }
0x21: {  	s3 =	sadd.s32 s3, s9;
	s6 =	sadd.s32 @!p0 $0x88, s6;
	s7 =	simm.s32 @p2 $0x1082  }
0x22: {  	[simem:s7], [sflag:s8] =	dma.local @!p0 [hbm:s6], $0xF7A  }
0x23: {  	s9 =	sor.u32 $0xD0000000, s2;
	s6 =	simm.s32 $0x108;
	_ =	swait.ge @!p0 [sflag:s8], $0x0  }
0x24: {  	s3 =	sadd.s32 $0x88, s3;
	s6 =	simm.s32 @!p1 $0x1082;
	[sflag:s4] =	ssyncset.s32 $0xFFFFF086  }
0x25: {  	[simem:s6], [sflag:s4] =	dma.local [hbm:s3], $0xF7A  }
0x26: {  	[smem:$0x3F9F] =	sst s1;
	(tag) =	ssettag s2;
	_ =	strace s9  }
0x27: {  	s1 =	sld [smem:$0x3FAF]  }
0x28: {  	s2 =	sld [smem:$0x3FB0]  }
0x29: {  	s4 =	sld [smem:$0x3FB2]  }
0x2a: {  	p0 =	seq.s32 s5, $0x0;
	s5 =	sld [smem:$0x3FB3]  }
0x2b: {  	s6 =	sld [smem:$0x3FB4]  }
0x2c: {  	s7 =	sld [smem:$0x3FB5]  }
0x2d: {  	s3 =	simm.s32 $0x108;
	s8 =	sld [smem:$0x3FB6]  }
0x2e: {  	s3 =	simm.s32 @!p0 $0x1082;
	s9 =	sld [smem:$0x3FB7]  }
0x2f: {  	lr =	sadd.s32 s0, s3;
	s0 =	sld [smem:$0x3FAE]  }
0x30: {  	s3 =	sld [smem:$0x3FB1]  }
0x31: {  	[smem:$0x3FBA] =	sst s10  }
0x32: {  	s10 =	sld [smem:$0x3FB8];
	_ =	sdelay $0x3  }
0x33: {  	p0 =	seq.s32 s10, $0x1;
	s10 =	sld [smem:$0x3FBA];
	_ =	sdelay $0x3  }
0x34: {  	[smem:$0x3FBA] =	sst s10  }
0x35: {  	s10 =	sld [smem:$0x3FB9];
	_ =	sdelay $0x3  }
0x36: {  	p1 =	seq.s32 s10, $0x1;
	s10 =	sld [smem:$0x3FBA];
	_ =	sdelay $0x3  }
0x37: {  	[smem:$0x3FBA] =	sst s10  }
0x38: {  	s10 =	sld [smem:$0x3FBB]  }
0x39: {  	_ = 	snop;
	(pc) =	sbr.ind lr, $3  }
0x3a: {  	_ = 	snop  }
0x3b: {  	_ = 	snop  }
0x3c: {  	p2 =	seq.s32 s10, $0x1;
	s10 =	sld [smem:$0x3FBA]  }
0x3d: {  	_ =	shalt  }
0x3e: {  	_ =	shalt  }
0x3f: {  	_ =	shalt  }
0x40: {  	_ =	shalt  }
0x41: {  	_ =	shalt  }
0x42: {  	_ =	shalt  }
0x43: {  	_ =	shalt  }
0x44: {  	_ =	shalt  }
0x45: {  	_ =	shalt  }
0x46: {  	_ =	shalt  }
0x47: {  	_ =	shalt  }
0x48: {  	_ =	shalt  }
0x49: {  	_ =	shalt  }
0x4a: {  	_ =	shalt  }
0x4b: {  	_ =	shalt  }
0x4c: {  	_ =	shalt  }
0x4d: {  	_ =	shalt  }
0x4e: {  	_ =	shalt  }
0x4f: {  	_ =	shalt  }
0x50: {  	_ =	shalt  }
0x51: {  	_ =	shalt  }
0x52: {  	_ =	shalt  }
0x53: {  	_ =	shalt  }
0x54: {  	_ =	shalt  }
0x55: {  	_ =	shalt  }
0x56: {  	_ =	shalt  }
0x57: {  	_ =	shalt  }
0x58: {  	_ =	shalt  }
0x59: {  	_ =	shalt  }
0x5a: {  	_ =	shalt  }
0x5b: {  	_ =	shalt  }
0x5c: {  	_ =	shalt  }
0x5d: {  	_ =	shalt  }
0x5e: {  	_ =	shalt  }
0x5f: {  	_ =	shalt  }
0x60: {  	_ =	shalt  }
0x61: {  	_ =	shalt  }
0x62: {  	_ =	shalt  }
0x63: {  	_ =	shalt  }
0x64: {  	_ =	shalt  }
0x65: {  	_ =	shalt  }
0x66: {  	_ =	shalt  }
0x67: {  	_ =	shalt  }
0x68: {  	_ =	shalt  }
0x69: {  	_ =	shalt  }
0x6a: {  	_ =	shalt  }
0x6b: {  	_ =	shalt  }
0x6c: {  	_ =	shalt  }
0x6d: {  	_ =	shalt  }
0x6e: {  	_ =	shalt  }
0x6f: {  	_ =	shalt  }
0x70: {  	_ =	shalt  }
0x71: {  	_ =	shalt  }
0x72: {  	_ =	shalt  }
0x73: {  	_ =	shalt  }
0x74: {  	_ =	shalt  }
0x75: {  	_ =	shalt  }
0x76: {  	_ =	shalt  }
0x77: {  	_ =	shalt  }
0x78: {  	_ =	shalt  }
0x79: {  	_ =	shalt  }
0x7a: {  	_ =	shalt  }
0x7b: {  	_ =	shalt  }
0x7c: {  	_ =	shalt  }
0x7d: {  	_ =	shalt  }
0x7e: {  	_ =	shalt  }
0x7f: {  	_ =	shalt  }
0x80: {  	_ =	shalt  }
0x81: {  	_ =	shalt  }
0x82: {  	_ =	shalt  }
0x83: {  	_ =	shalt  }
0x84: {  	_ =	shalt  }
0x85: {  	_ =	shalt  }
0x86: {  	_ =	shalt  }
0x87: {  	_ =	shalt  }
.Lfunc_end0:
.L_simem_size_0:
called_computation.1_lowered:
.L_overlay_start_0:
0x88: {  	s2 =	sld [smem:$0x3FD9]  }
0x89: {  	s3 =	sld [smem:$0x3FFE];
	_ =	sdelay $0x1  }
0x8a: {  	s1 =	srdreg.scid  }
0x8b: {  	s0 =	sand.u32 $0x1, s1  }
0x8c: {  	s17 =	sshll.u32 s0, $0xA;
	s2 =	sadd.s32 s3, s2  }
0x8d: {  	s2 =	sadd.s32 s2, s17  }
0x8e: {  	[smem:$0x3FC6] =	sst s2  }
0x8f: {  	_ = 	snop  }
0x90: {  	s2 =	sld [smem:$0x3FD0];
	(tm) =	ssettm $0x1  }
0x91: {  	s18 =	sld [smem:$0x3FFB];
	_ =	sdelay $0x3  }
0x92: {  	_ =	strace s18  }
0x93: {  	s3 =	sld [smem:$0x3FFC];
	_ =	sdelay $0x3  }
0x94: {  	_ =	strace s3  }
0x95: {  	s3 =	sld [smem:$0x3FFD];
	_ =	sdelay $0x3  }
0x96: {  	_ =	strace s3  }
0x97: {  	_ =	strace $0x8FFFFFFF  }
0x98: {  	s19 =	sld [smem:$0x3FDB];
	_ =	sdelay $0x1  }
0x99: {  	s4 =	simm.s32 $_scs_section_size  }
0x9a: {  	s5 =	simm.s32 $_size__tile_overlayer_lowered;
	s6 =	simm.s32 $_tile_overlayer_lowered  }
0x9b: {  	s22 =	simm.s32 $0x1BFF;
	s21 =	sshll.u32 s6, $0x1;
	s3 =	sadd.s32 s4, s19  }
0x9c: {  	s7 =	simm.s32 $0x0;
	s20 =	sshll.u32 s5, $0x1;
	s5 =	sadd.s32 s21, s3  }
0x9d: {  	[timem:s7], [sflag:s22] =	dma.local [hbm:s5], s20  }
0x9e: {  	_ =	swait.ge [sflag:s22], s20  }
0x9f: {  	s4 =	ssub.s32 $0x0, s20;
	[sflag:s22] =	ssyncset.done $0x0  }
0xa0: {  	[sflag:s22] =	ssyncadd.s32 s4;
	_ =	sdelay $0x1  }
0xa1: {  	s23 =	simm.s32 $0x1B8B  }
0xa2: {  	_ =	swait.ge [sflag:s23], $0x1  }
0xa3: {  	[sflag:s23] =	ssyncset.done $0x0  }
0xa4: {  	s25 =	simm.s32 $0x1B8E;
	s24 =	sld [smem:$0x3FFE];
	[sflag:s23] =	ssyncadd.s32 $0xFFFFFFFF  }
0xa5: {  	s26 =	simm.s32 $execute0_lowered;
	[smem:$0x3FD2] =	sst s25  }
0xa6: {  	s5 =	sshll.u32 s26, $0x1;
	_ =	strace $0x80000046;
	[dreg:$0x1] =	wrdreg $0xFFFFFFFF  }
0xa7: {  	s28 =	simm.s32 $_size_execute0_lowered;
	s3 =	sadd.s32 s3, s5;
	[dreg:$0x0] =	wrdreg $0x0  }
0xa8: {  	s5 =	sshll.u32 s28, $0x1;
	[dreg:$0x2] =	wrdreg s3  }
0xa9: {  	[dreg:$0x3] =	wrdreg s5  }
0xaa: {  	[dreg:$0x4] =	wrdreg $0xC0  }
0xab: {  	_ =	task [dreg:s7], $0x5FFFF  }
0xac: {  	[dreg:$0x1] =	wrdreg $0xFFFFFFFF  }
0xad: {  	[dreg:$0x0] =	wrdreg $0x60  }
0xae: {  	[dreg:$0x2] =	wrdreg s2  }
0xaf: {  	[dreg:$0x3] =	wrdreg s24  }
0xb0: {  	[dreg:$0x4] =	wrdreg $0xA  }
0xb1: {  	_ =	task.clear_ibuf [dreg:s7], $0x5FFFF;
	_ =	strace $0x90000046  }
0xb2: {  	s29 =	simm.s32 $0xA;
	_ =	strace $0x80000048  }
0xb3: {  	_ =	swait.ge [sflag:s29], $0x1  }
0xb4: {  	[sflag:s29] =	ssyncadd.s32 $0xFFFFFFFF  }
0xb5: {  	_ =	strace $0x90000048  }
0xb6: {  	_ =	sfence  }
0xb7: {  	s30 =	sld [smem:$0x0];
	_ =	sdelay $0x2  }
0xb8: {  	s31 =	sshll.u32 s1, $0xD;
	s1 =	sshrl.u32 s1, $0x2  }
0xb9: {  	s3 =	sand.u32 $0x4000, s31;
	s1 =	sadd.s32 s1, s30  }
0xba: {  	s0 =	sor.u32 s3, s0;
	s1 =	sshll.u32 s1, $0x11  }
0xbb: {  	s0 =	sor.u32 s1, s0  }
0xbc: {  	s0 =	sadd.s32 $0x8F2B, s0  }
0xbd: {  	[sflag:s0] =	ssyncadd.remote.s32 $0x1  }
0xbe: {  	_ =	sfence.sel $0xFFFF  }
0xbf: {  	[dreg:$0x0] =	wrdreg $0xFFFFFFFF;
	(pc) =	sbr.abs _section_cstart, $3  }
0xc0: {  	[dreg:$0x1] =	wrdreg $0xFFFFFFFF  }
0xc1: {  	_ =	task.clear_ibuf [dreg:s7], $0x2FFFF;
	_ =	strace $0x9FFFFFFF  }
0xc2: {  	(tm) =	ssettm $0x7FFFFFFF  }
0xc3: {  	_ =	shalt  }
tec
execute0_lowered:
.L_overlay_start_1:
0x0: {  	(tag) =	ssettag $0x1  }
0x1: {  	s1 =	srdreg.scid  }
0x2: {  	s0 =	stileid.u32;
	s10 =	sand.u32 $0x1, s1  }
0x3: {  	s2 =	rddreg [dreg:$0x0];
	s29 =	sshll.u32 s0, $0x9;
	s3 =	sshll.u32 s10, $0x8  }
0x4: {  	s11 =	rddreg [dreg:$0x1];
	s12 =	sor.u32 s3, s29  }
0x5: {  	s1 =	rddreg [dreg:$0x2];
	s3 =	simm.s32 $0x0;
	s4 =	sshrl.u32 s12, $0x3  }
0x6: {  	[smem:$0x7FF] =	sst s3;
	s4 =	sadd.s32 s4, s11  }
0x7: {  	_ =	strace $0x80000047;
	s5 =	sadd.s32 $0x1800, s4;
	s4 =	simm.s32 $0x2  }
0x8: {  	[tilespmem:s3], [sflag:$0x2] =	stream.linear.gather [hbm4b:s5+s3], $0x100, $0x38;
	[tilespmem:$0x6100] =	vst v63  }
0x9: {  	_ =	swait.ge [sflag:s4], $0x100  }
0xa: {  	[sflag:s4] =	ssyncset.done $0x0  }
0xb: {  	s6 =	simm.s32 $0x80;
	s7 =	simm.s32 $0x100;
	[sflag:s4] =	ssyncadd.s32 $0xFFFFFF00  }
0xc: {  	[tilespmem:s7], [sflag:$0x1] =	stream.indirect.gather [hbm4b:s2+s6], $0x60, s3, s6, $0xb8;
	[tilespmem:$0x6100] =	vst v63  }
0xd: {  	s8 =	simm.s32 $0x3100;
	s9 =	simm.s32 $0x1;
	s10 =	ssub.s32 $0x2, s10  }
0xe: {  	[tilespmem:s8], [sflag:$0x1] =	stream.indirect.gather [hbm4b:s2+s6], $0x60, s6, s6, $0xb8;
	[tilespmem:$0x6100] =	vst v63  }
0xf: {  	s13 =	sshrl.u32 s10, $0x1;
	_ =	swait.ge [sflag:s9], $0x3000  }
0x10: {  	s30 =	ssub.s32 s10, s13;
	[sflag:s9] =	ssyncset.done $0x0  }
0x11: {  	s12 =	smul.u32 $0xC, s12;
	s31 =	smax.u32 s30, $0x1;
	[sflag:s9] =	ssyncadd.s32 $0xFFFFD000  }
0x12: {  	p0 =	sne.s32 s31, $0x1;
	_ =	swait.ge [sflag:s9], $0x3000  }
.Ltmp0:
0x13: {  	s11 =	sadd.s32 s12, s11;
	[sflag:s9] =	ssyncset.done $0x0;
	(pc) =	sbr.rel @!p0 .LBB2_2-.Ltmp0, $4  }
0x14: {  	s10 =	sadd.s32 $0x1C00, s11;
	[sflag:s9] =	ssyncadd.s32 $0xFFFFD000  }
0x15: {  	[hbm4b:s10+s3] =	stream.linear.scatter [tilespmem:s7], [sflag:$0x2], $0x6000, $0x38;
	[tilespmem:$0x6100] =	vst v63  }
0x16: {  	_ =	swait.ge [sflag:s4], $0x6000  }
0x17: {  	s11 =	sadd.s32 $0xFFFFFFFF, s31;
	[sflag:s4] =	ssyncset.done $0x0  }
.LBB2_1:
0x18: {  	p0 =	sne.s32 s11, $0x1;
	s11 =	sadd.s32 $0xFFFFFFFF, s11;
	[sflag:s4] =	ssyncadd.s32 $0xFFFFA000  }
0x19: {  	[tilespmem:s3], [sflag:$0x2] =	stream.linear.gather [hbm4b:s5+s3], $0x100, $0x38;
	[tilespmem:$0x6100] =	vst v63  }
0x1a: {  	_ =	swait.ge [sflag:s4], $0x100  }
0x1b: {  	[sflag:s4] =	ssyncset.done $0x0  }
0x1c: {  	[sflag:s4] =	ssyncadd.s32 $0xFFFFFF00  }
0x1d: {  	[tilespmem:s7], [sflag:$0x1] =	stream.indirect.gather [hbm4b:s2+s6], $0x60, s3, s6, $0xb8;
	[tilespmem:$0x6100] =	vst v63  }
0x1e: {  	_ = 	snop  }
0x1f: {  	[tilespmem:s8], [sflag:$0x1] =	stream.indirect.gather [hbm4b:s2+s6], $0x60, s6, s6, $0xb8;
	[tilespmem:$0x6100] =	vst v63  }
0x20: {  	_ =	swait.ge [sflag:s9], $0x3000  }
0x21: {  	[sflag:s9] =	ssyncset.done $0x0  }
0x22: {  	[sflag:s9] =	ssyncadd.s32 $0xFFFFD000  }
0x23: {  	_ =	swait.ge [sflag:s9], $0x3000  }
.Ltmp1:
0x24: {  	[sflag:s9] =	ssyncset.done $0x0;
	(pc) =	sbr.rel @p0 .LBB2_1-.Ltmp1, $4  }
0x25: {  	[sflag:s9] =	ssyncadd.s32 $0xFFFFD000  }
0x26: {  	[hbm4b:s10+s3] =	stream.linear.scatter [tilespmem:s7], [sflag:$0x2], $0x6000, $0x38;
	[tilespmem:$0x6100] =	vst v63  }
0x27: {  	_ =	swait.ge [sflag:s4], $0x6000  }
0x28: {  	[sflag:s4] =	ssyncset.done $0x0  }
.LBB2_2:
0x29: {  	[sflag:s4] =	ssyncadd.s32 $0xFFFFA000  }
0x2a: {  	_ =	sfence.sel $0x180000  }
0x2b: {  	[bflag:$0x0] =	sbarrier.arrive $0xFFFF  }
0x2c: {  	p0 =	sne.s32 s0, $0x0;
	_ =	strace $0x90000047  }
0x2d: {  	s0 =	sadd.s32 @!p0 $0x100000, s1;
	[bflag:$0x2] =	sbarrier.arrive $0xFFFF  }
0x2e: {  	[sflag:s0] =	ssyncadd.tile.s32 @!p0 $0x1;
	_ =	shalt  }
.Lfunc_end2:
_tile_overlayer_lowered:
.L_overlay_start_2:
0x2f: {  	(tag) =	ssettag $0x2  }
0x30: {  	s0 =	rddreg [dreg:$0x0];
	s2 =	stileid.u32  }
0x31: {  	s1 =	rddreg [dreg:$0x1];
	p0 =	sne.s32 s2, $0x0  }
0x32: {  	s3 =	rddreg [dreg:$0x2];
	[bflag:$0x3] =	sbarrier.arrive $0xFFFF;
	s2 =	simm.s32 @!p0 $0x1C02  }
0x33: {  	[timem:s3], [sflag:s2] =	dma.local @!p0 [hbm:s0], s1  }
0x34: {  	s0 =	simm.s32 @!p0 $0x2  }
0x35: {  	_ =	swait.ge @!p0 [sflag:s0], s1  }
0x36: {  	s1 =	ssub.s32 @!p0 $0x0, s1;
	[sflag:s0] =	ssyncset.done @!p0 $0x0  }
0x37: {  	[sflag:s0] =	ssyncadd.s32 @!p0 s1  }
0x38: {  	[bflag:$0x3] =	sbarrier.arrive $0xFFFF  }
0x39: {  	_ =	shalt  }

// kernel: kernel.16.cloned.1.call-start
scs
__scs_entry_jumppad:
0x0: {  	(pc) =	sbr.rel $0x88, $3  }
0x1: {  	(tag) =	ssettag $0x0;
	lr =	simm.s32 $0x1  }
0x2: {  	[smem:$0x3F9F] =	sst lr;
	_ =	strace $0xD0000000  }
0x3: {  	_ = 	snop  }
0x4: {  	_ = 	snop  }
0x5: {  	_ = 	snop  }
0x6: {  	_ = 	snop  }
0x7: {  	_ = 	snop  }
__scs_overlays_trampoline_lowered:
0x8: {  	[smem:$0x3FAE] =	sst s0  }
0x9: {  	[smem:$0x3FAF] =	sst s1  }
0xa: {  	[smem:$0x3FB0] =	sst s2  }
0xb: {  	[smem:$0x3FB1] =	sst s3  }
0xc: {  	[smem:$0x3FB2] =	sst s4  }
0xd: {  	[smem:$0x3FB3] =	sst s5  }
0xe: {  	[smem:$0x3FB4] =	sst s6  }
0xf: {  	[smem:$0x3FB5] =	sst s7  }
0x10: {  	[smem:$0x3FB6] =	sst s8  }
0x11: {  	[smem:$0x3FB7] =	sst s9;
	s0 =	simm.s32 @!p0 $0x0  }
0x12: {  	s1 =	sld [smem:$0x3F9D];
	s0 =	simm.s32 @p0 $0x1  }
0x13: {  	[smem:$0x3FB8] =	sst s0;
	s0 =	simm.s32 @!p1 $0x0  }
0x14: {  	s2 =	sld [smem:$0x3F9C];
	s0 =	simm.s32 @p1 $0x1  }
0x15: {  	[smem:$0x3FB9] =	sst s0;
	s0 =	simm.s32 @!p2 $0x0  }
0x16: {  	s3 =	sld [smem:$0x3FDB];
	s0 =	simm.s32 @p2 $0x1  }
0x17: {  	s4 =	simm.s32 $0x1BF5;
	[smem:$0x3FBB] =	sst s0  }
0x18: {  	s0 =	sld [smem:$0x3F9E];
	_ =	swait.ge [sflag:s4], $0x0  }
0x19: {  	s7 =	sld [smem:$0x3F9F]  }
0x1a: {  	s8 =	sadd.s32 $0xFFFFE003, lr  }
0x1b: {  	s9 =	sadd.s32 $0xFFFFFEF7, lr;
	s5 =	simm.s32 $0xFFFFFFFF;
	p2 =	slt.u32 s8, $0xFFFFF086  }
0x1c: {  	p1 =	slt.u32 s9, $0xF7A;
	s5 =	simm.s32 @!p2 $0x0  }
0x1d: {  	s5 =	simm.s32 @p1 $0x1;
	p0 =	seq.s32 s7, s2  }
0x1e: {  	s7 =	smul.u32 @!p0 $0xF7A, s2;
	p2 =	seq.s32 @!p0 s5, $0x0  }
0x1f: {  	s9 =	smul.u32 $0xF7A, s1;
	s8 =	simm.s32 @!p0 $0x1BF5;
	p2 =	por !p2, p0  }
0x20: {  	[sflag:s8] =	ssyncset.s32 @!p0 $0xFFFFF086;
	s6 =	sadd.s32 @!p0 s3, s7;
	s7 =	simm.s32 @!p0 $0x108  }
0x21: {  	s3 =	sadd.s32 s3, s9;
	s6 =	sadd.s32 @!p0 $0x88, s6;
	s7 =	simm.s32 @p2 $0x1082  }
0x22: {  	[simem:s7], [sflag:s8] =	dma.local @!p0 [hbm:s6], $0xF7A  }
0x23: {  	s9 =	sor.u32 $0xD0000000, s2;
	s6 =	simm.s32 $0x108;
	_ =	swait.ge @!p0 [sflag:s8], $0x0  }
0x24: {  	s3 =	sadd.s32 $0x88, s3;
	s6 =	simm.s32 @!p1 $0x1082;
	[sflag:s4] =	ssyncset.s32 $0xFFFFF086  }
0x25: {  	[simem:s6], [sflag:s4] =	dma.local [hbm:s3], $0xF7A  }
0x26: {  	[smem:$0x3F9F] =	sst s1;
	(tag) =	ssettag s2;
	_ =	strace s9  }
0x27: {  	s1 =	sld [smem:$0x3FAF]  }
0x28: {  	s2 =	sld [smem:$0x3FB0]  }
0x29: {  	s4 =	sld [smem:$0x3FB2]  }
0x2a: {  	p0 =	seq.s32 s5, $0x0;
	s5 =	sld [smem:$0x3FB3]  }
0x2b: {  	s6 =	sld [smem:$0x3FB4]  }
0x2c: {  	s7 =	sld [smem:$0x3FB5]  }
0x2d: {  	s3 =	simm.s32 $0x108;
	s8 =	sld [smem:$0x3FB6]  }
0x2e: {  	s3 =	simm.s32 @!p0 $0x1082;
	s9 =	sld [smem:$0x3FB7]  }
0x2f: {  	lr =	sadd.s32 s0, s3;
	s0 =	sld [smem:$0x3FAE]  }
0x30: {  	s3 =	sld [smem:$0x3FB1]  }
0x31: {  	[smem:$0x3FBA] =	sst s10  }
0x32: {  	s10 =	sld [smem:$0x3FB8];
	_ =	sdelay $0x3  }
0x33: {  	p0 =	seq.s32 s10, $0x1;
	s10 =	sld [smem:$0x3FBA];
	_ =	sdelay $0x3  }
0x34: {  	[smem:$0x3FBA] =	sst s10  }
0x35: {  	s10 =	sld [smem:$0x3FB9];
	_ =	sdelay $0x3  }
0x36: {  	p1 =	seq.s32 s10, $0x1;
	s10 =	sld [smem:$0x3FBA];
	_ =	sdelay $0x3  }
0x37: {  	[smem:$0x3FBA] =	sst s10  }
0x38: {  	s10 =	sld [smem:$0x3FBB]  }
0x39: {  	_ = 	snop;
	(pc) =	sbr.ind lr, $3  }
0x3a: {  	_ = 	snop  }
0x3b: {  	_ = 	snop  }
0x3c: {  	p2 =	seq.s32 s10, $0x1;
	s10 =	sld [smem:$0x3FBA]  }
0x3d: {  	_ =	shalt  }
0x3e: {  	_ =	shalt  }
0x3f: {  	_ =	shalt  }
0x40: {  	_ =	shalt  }
0x41: {  	_ =	shalt  }
0x42: {  	_ =	shalt  }
0x43: {  	_ =	shalt  }
0x44: {  	_ =	shalt  }
0x45: {  	_ =	shalt  }
0x46: {  	_ =	shalt  }
0x47: {  	_ =	shalt  }
0x48: {  	_ =	shalt  }
0x49: {  	_ =	shalt  }
0x4a: {  	_ =	shalt  }
0x4b: {  	_ =	shalt  }
0x4c: {  	_ =	shalt  }
0x4d: {  	_ =	shalt  }
0x4e: {  	_ =	shalt  }
0x4f: {  	_ =	shalt  }
0x50: {  	_ =	shalt  }
0x51: {  	_ =	shalt  }
0x52: {  	_ =	shalt  }
0x53: {  	_ =	shalt  }
0x54: {  	_ =	shalt  }
0x55: {  	_ =	shalt  }
0x56: {  	_ =	shalt  }
0x57: {  	_ =	shalt  }
0x58: {  	_ =	shalt  }
0x59: {  	_ =	shalt  }
0x5a: {  	_ =	shalt  }
0x5b: {  	_ =	shalt  }
0x5c: {  	_ =	shalt  }
0x5d: {  	_ =	shalt  }
0x5e: {  	_ =	shalt  }
0x5f: {  	_ =	shalt  }
0x60: {  	_ =	shalt  }
0x61: {  	_ =	shalt  }
0x62: {  	_ =	shalt  }
0x63: {  	_ =	shalt  }
0x64: {  	_ =	shalt  }
0x65: {  	_ =	shalt  }
0x66: {  	_ =	shalt  }
0x67: {  	_ =	shalt  }
0x68: {  	_ =	shalt  }
0x69: {  	_ =	shalt  }
0x6a: {  	_ =	shalt  }
0x6b: {  	_ =	shalt  }
0x6c: {  	_ =	shalt  }
0x6d: {  	_ =	shalt  }
0x6e: {  	_ =	shalt  }
0x6f: {  	_ =	shalt  }
0x70: {  	_ =	shalt  }
0x71: {  	_ =	shalt  }
0x72: {  	_ =	shalt  }
0x73: {  	_ =	shalt  }
0x74: {  	_ =	shalt  }
0x75: {  	_ =	shalt  }
0x76: {  	_ =	shalt  }
0x77: {  	_ =	shalt  }
0x78: {  	_ =	shalt  }
0x79: {  	_ =	shalt  }
0x7a: {  	_ =	shalt  }
0x7b: {  	_ =	shalt  }
0x7c: {  	_ =	shalt  }
0x7d: {  	_ =	shalt  }
0x7e: {  	_ =	shalt  }
0x7f: {  	_ =	shalt  }
0x80: {  	_ =	shalt  }
0x81: {  	_ =	shalt  }
0x82: {  	_ =	shalt  }
0x83: {  	_ =	shalt  }
0x84: {  	_ =	shalt  }
0x85: {  	_ =	shalt  }
0x86: {  	_ =	shalt  }
0x87: {  	_ =	shalt  }
.Lfunc_end0:
.L_simem_size_0:
called_computation.2_lowered:
.L_overlay_start_0:
0x88: {  	s2 =	sld [smem:$0x3FD9]  }
0x89: {  	s3 =	sld [smem:$0x3FFE];
	_ =	sdelay $0x1  }
0x8a: {  	s1 =	srdreg.scid  }
0x8b: {  	s0 =	sand.u32 $0x1, s1  }
0x8c: {  	s17 =	sshll.u32 s0, $0xA;
	s2 =	sadd.s32 s3, s2  }
0x8d: {  	s2 =	sadd.s32 s2, s17  }
0x8e: {  	[smem:$0x3FC6] =	sst s2  }
0x8f: {  	_ = 	snop  }
0x90: {  	s18 =	sld [smem:$0x3FD0];
	(tm) =	ssettm $0x1  }
0x91: {  	s19 =	sld [smem:$0x3FFB];
	_ =	sdelay $0x3  }
0x92: {  	_ =	strace s19  }
0x93: {  	s2 =	sld [smem:$0x3FFC];
	_ =	sdelay $0x3  }
0x94: {  	_ =	strace s2  }
0x95: {  	s2 =	sld [smem:$0x3FFD];
	_ =	sdelay $0x3  }
0x96: {  	_ =	strace s2  }
0x97: {  	_ =	strace $0x8FFFFFFF  }
0x98: {  	s20 =	sld [smem:$0x3FDB];
	_ =	sdelay $0x1  }
0x99: {  	s4 =	simm.s32 $_scs_section_size  }
0x9a: {  	s5 =	simm.s32 $_size__tile_overlayer_lowered;
	s6 =	simm.s32 $_tile_overlayer_lowered  }
0x9b: {  	s7 =	simm.s32 $0x1BFF;
	s21 =	sshll.u32 s6, $0x1;
	s4 =	sadd.s32 s4, s20  }
0x9c: {  	s22 =	simm.s32 $0x0;
	s5 =	sshll.u32 s5, $0x1;
	s6 =	sadd.s32 s21, s4  }
0x9d: {  	[timem:s22], [sflag:s7] =	dma.local [hbm:s6], s5  }
0x9e: {  	_ =	swait.ge [sflag:s7], s5  }
0x9f: {  	s5 =	ssub.s32 $0x0, s5;
	[sflag:s7] =	ssyncset.done $0x0  }
0xa0: {  	[sflag:s7] =	ssyncadd.s32 s5;
	_ =	sdelay $0x1  }
0xa1: {  	s23 =	simm.s32 $0x1B8B  }
0xa2: {  	_ =	swait.ge [sflag:s23], $0x1  }
0xa3: {  	[sflag:s23] =	ssyncset.done $0x0  }
0xa4: {  	[sflag:s23] =	ssyncadd.s32 $0xFFFFFFFF  }
0xa5: {  	s5 =	sld [smem:$0x0]  }
0xa6: {  	s6 =	sand.u32 $0xFFFFFFFE, s1  }
0xa7: {  	p0 =	sne.s32 s1, s6  }
0xa8: {  	s6 =	sshll.u32 @p0 s6, $0xE  }
0xa9: {  	s6 =	sadd.s32 @p0 $0x11B8D, s6;
	s7 =	sshll.u32 @p0 s5, $0x11  }
0xaa: {  	s6 =	sor.u32 @p0 s7, s6  }
0xab: {  	[sflag:s6] =	ssyncadd.remote.s32 @p0 $0x1;
	_ =	sdelay $0x1  }
0xac: {  	s6 =	simm.s32 @p0 $0x1B8D  }
0xad: {  	_ =	swait.eq @p0 [sflag:s6], $0x1  }
0xae: {  	[sflag:s6] =	ssyncadd.s32 @p0 $0xFFFFFFFF  }
0xaf: {  	s7 =	sshll.u32 @!p0 s1, $0xE  }
0xb0: {  	s7 =	sor.u32 @!p0 $0x4000, s7;
	s6 =	simm.s32 @!p0 $0x1B8D  }
0xb1: {  	s5 =	sshll.u32 @!p0 s5, $0x11;
	s7 =	sadd.s32 @!p0 $0x11B8D, s7;
	_ =	swait.eq @!p0 [sflag:s6], $0x1  }
0xb2: {  	s5 =	sor.u32 @!p0 s5, s7;
	[sflag:s6] =	ssyncadd.s32 @!p0 $0xFFFFFFFF  }
0xb3: {  	s25 =	simm.s32 $0x1B8E;
	s24 =	sld [smem:$0x3FFE];
	[sflag:s5] =	ssyncadd.remote.s32 @!p0 $0x1  }
0xb4: {  	s26 =	simm.s32 $execute0_lowered;
	[smem:$0x3FD2] =	sst s25  }
0xb5: {  	s6 =	sshll.u32 s26, $0x1;
	_ =	strace $0x8000004C;
	[dreg:$0x1] =	wrdreg $0xFFFFFFFF  }
0xb6: {  	s28 =	simm.s32 $_size_execute0_lowered;
	s4 =	sadd.s32 s4, s6;
	[dreg:$0x0] =	wrdreg $0x0  }
0xb7: {  	s6 =	sshll.u32 s28, $0x1;
	[dreg:$0x2] =	wrdreg s4  }
0xb8: {  	[dreg:$0x3] =	wrdreg s6  }
0xb9: {  	[dreg:$0x4] =	wrdreg $0xC0  }
0xba: {  	_ =	task [dreg:s22], $0x5FFFF  }
0xbb: {  	[dreg:$0x1] =	wrdreg $0xFFFFFFFF  }
0xbc: {  	[dreg:$0x0] =	wrdreg $0x60  }
0xbd: {  	[dreg:$0x2] =	wrdreg s18  }
0xbe: {  	[dreg:$0x3] =	wrdreg s24  }
0xbf: {  	[dreg:$0x4] =	wrdreg $0xB  }
0xc0: {  	_ =	task.clear_ibuf [dreg:s22], $0x5FFFF;
	_ =	strace $0x9000004C  }
0xc1: {  	s29 =	simm.s32 $0xB;
	_ =	strace $0x8000004E  }
0xc2: {  	_ =	swait.ge [sflag:s29], $0x1  }
0xc3: {  	[sflag:s29] =	ssyncadd.s32 $0xFFFFFFFF  }
0xc4: {  	_ =	strace $0x9000004E  }
0xc5: {  	_ =	sfence  }
0xc6: {  	s30 =	sld [smem:$0x0];
	_ =	sdelay $0x2  }
0xc7: {  	s31 =	sshll.u32 s1, $0xD;
	s1 =	sshrl.u32 s1, $0x2  }
0xc8: {  	s4 =	sand.u32 $0x4000, s31;
	s1 =	sadd.s32 s1, s30  }
0xc9: {  	s0 =	sor.u32 s4, s0;
	s1 =	sshll.u32 s1, $0x11  }
0xca: {  	s0 =	sor.u32 s1, s0  }
0xcb: {  	s0 =	sadd.s32 $0x8F2B, s0  }
0xcc: {  	[sflag:s0] =	ssyncadd.remote.s32 $0x1  }
0xcd: {  	_ =	sfence.sel $0xFFFF  }
0xce: {  	[dreg:$0x0] =	wrdreg $0xFFFFFFFF;
	(pc) =	sbr.abs _section_cstart, $3  }
0xcf: {  	[dreg:$0x1] =	wrdreg $0xFFFFFFFF  }
0xd0: {  	_ =	task.clear_ibuf [dreg:s22], $0x2FFFF;
	_ =	strace $0x9FFFFFFF  }
0xd1: {  	(tm) =	ssettm $0x7FFFFFFF  }
tec
execute0_lowered:
.L_overlay_start_1:
0x0: {  	(tag) =	ssettag $0x1  }
0x1: {  	s1 =	srdreg.scid  }
0x2: {  	s0 =	stileid.u32;
	s10 =	sand.u32 $0x1, s1  }
0x3: {  	s2 =	rddreg [dreg:$0x0];
	s29 =	sshll.u32 s0, $0x9;
	s3 =	sshll.u32 s10, $0x8  }
0x4: {  	s11 =	rddreg [dreg:$0x1];
	s12 =	sor.u32 s3, s29  }
0x5: {  	s1 =	rddreg [dreg:$0x2];
	s3 =	simm.s32 $0x0;
	s4 =	sshrl.u32 s12, $0x3  }
0x6: {  	[smem:$0x7FF] =	sst s3;
	s4 =	sadd.s32 s4, s11  }
0x7: {  	_ =	strace $0x8000004D;
	s5 =	sadd.s32 $0x32000, s4;
	s4 =	simm.s32 $0x2  }
0x8: {  	[tilespmem:s3], [sflag:$0x2] =	stream.linear.gather [hbm4b:s5+s3], $0x100, $0x38;
	[tilespmem:$0x6100] =	vst v63  }
0x9: {  	_ =	swait.ge [sflag:s4], $0x100  }
0xa: {  	[sflag:s4] =	ssyncset.done $0x0  }
0xb: {  	s6 =	simm.s32 $0x80;
	s7 =	simm.s32 $0x100;
	[sflag:s4] =	ssyncadd.s32 $0xFFFFFF00  }
0xc: {  	[tilespmem:s7], [sflag:$0x1] =	stream.indirect.gather [hbm4b:s2+s6], $0x60, s3, s6, $0xb8;
	[tilespmem:$0x6100] =	vst v63  }
0xd: {  	s8 =	simm.s32 $0x3100;
	s9 =	simm.s32 $0x1;
	s10 =	ssub.s32 $0x2, s10  }
0xe: {  	[tilespmem:s8], [sflag:$0x1] =	stream.indirect.gather [hbm4b:s2+s6], $0x60, s6, s6, $0xb8;
	[tilespmem:$0x6100] =	vst v63  }
0xf: {  	s13 =	sshrl.u32 s10, $0x1;
	_ =	swait.ge [sflag:s9], $0x3000  }
0x10: {  	s30 =	ssub.s32 s10, s13;
	[sflag:s9] =	ssyncset.done $0x0  }
0x11: {  	s12 =	smul.u32 $0xC, s12;
	s31 =	smax.u32 s30, $0x1;
	[sflag:s9] =	ssyncadd.s32 $0xFFFFD000  }
0x12: {  	p0 =	sne.s32 s31, $0x1;
	_ =	swait.ge [sflag:s9], $0x3000  }
.Ltmp0:
0x13: {  	s11 =	sadd.s32 s12, s11;
	[sflag:s9] =	ssyncset.done $0x0;
	(pc) =	sbr.rel @!p0 .LBB2_2-.Ltmp0, $4  }
0x14: {  	s10 =	sadd.s32 $0x32400, s11;
	[sflag:s9] =	ssyncadd.s32 $0xFFFFD000  }
0x15: {  	[hbm4b:s10+s3] =	stream.linear.scatter [tilespmem:s7], [sflag:$0x2], $0x6000, $0x38;
	[tilespmem:$0x6100] =	vst v63  }
0x16: {  	_ =	swait.ge [sflag:s4], $0x6000  }
0x17: {  	s11 =	sadd.s32 $0xFFFFFFFF, s31;
	[sflag:s4] =	ssyncset.done $0x0  }
.LBB2_1:
0x18: {  	p0 =	sne.s32 s11, $0x1;
	s11 =	sadd.s32 $0xFFFFFFFF, s11;
	[sflag:s4] =	ssyncadd.s32 $0xFFFFA000  }
0x19: {  	[tilespmem:s3], [sflag:$0x2] =	stream.linear.gather [hbm4b:s5+s3], $0x100, $0x38;
	[tilespmem:$0x6100] =	vst v63  }
0x1a: {  	_ =	swait.ge [sflag:s4], $0x100  }
0x1b: {  	[sflag:s4] =	ssyncset.done $0x0  }
0x1c: {  	[sflag:s4] =	ssyncadd.s32 $0xFFFFFF00  }
0x1d: {  	[tilespmem:s7], [sflag:$0x1] =	stream.indirect.gather [hbm4b:s2+s6], $0x60, s3, s6, $0xb8;
	[tilespmem:$0x6100] =	vst v63  }
0x1e: {  	_ = 	snop  }
0x1f: {  	[tilespmem:s8], [sflag:$0x1] =	stream.indirect.gather [hbm4b:s2+s6], $0x60, s6, s6, $0xb8;
	[tilespmem:$0x6100] =	vst v63  }
0x20: {  	_ =	swait.ge [sflag:s9], $0x3000  }
0x21: {  	[sflag:s9] =	ssyncset.done $0x0  }
0x22: {  	[sflag:s9] =	ssyncadd.s32 $0xFFFFD000  }
0x23: {  	_ =	swait.ge [sflag:s9], $0x3000  }
.Ltmp1:
0x24: {  	[sflag:s9] =	ssyncset.done $0x0;
	(pc) =	sbr.rel @p0 .LBB2_1-.Ltmp1, $4  }
0x25: {  	[sflag:s9] =	ssyncadd.s32 $0xFFFFD000  }
0x26: {  	[hbm4b:s10+s3] =	stream.linear.scatter [tilespmem:s7], [sflag:$0x2], $0x6000, $0x38;
	[tilespmem:$0x6100] =	vst v63  }
0x27: {  	_ =	swait.ge [sflag:s4], $0x6000  }
0x28: {  	[sflag:s4] =	ssyncset.done $0x0  }
.LBB2_2:
0x29: {  	[sflag:s4] =	ssyncadd.s32 $0xFFFFA000  }
0x2a: {  	_ =	sfence.sel $0x180000  }
0x2b: {  	[bflag:$0x0] =	sbarrier.arrive $0xFFFF  }
0x2c: {  	p0 =	sne.s32 s0, $0x0;
	_ =	strace $0x9000004D  }
0x2d: {  	s0 =	sadd.s32 @!p0 $0x100000, s1;
	[bflag:$0x2] =	sbarrier.arrive $0xFFFF  }
0x2e: {  	[sflag:s0] =	ssyncadd.tile.s32 @!p0 $0x1;
	_ =	shalt  }
.Lfunc_end2:
_tile_overlayer_lowered:
.L_overlay_start_2:
0x2f: {  	(tag) =	ssettag $0x2  }
0x30: {  	s0 =	rddreg [dreg:$0x0];
	s2 =	stileid.u32  }
0x31: {  	s1 =	rddreg [dreg:$0x1];
	p0 =	sne.s32 s2, $0x0  }
0x32: {  	s3 =	rddreg [dreg:$0x2];
	[bflag:$0x3] =	sbarrier.arrive $0xFFFF;
	s2 =	simm.s32 @!p0 $0x1C02  }
0x33: {  	[timem:s3], [sflag:s2] =	dma.local @!p0 [hbm:s0], s1  }
0x34: {  	s0 =	simm.s32 @!p0 $0x2  }
0x35: {  	_ =	swait.ge @!p0 [sflag:s0], s1  }
0x36: {  	s1 =	ssub.s32 @!p0 $0x0, s1;
	[sflag:s0] =	ssyncset.done @!p0 $0x0  }
0x37: {  	[sflag:s0] =	ssyncadd.s32 @!p0 s1  }
0x38: {  	[bflag:$0x3] =	sbarrier.arrive $0xFFFF  }
0x39: {  	_ =	shalt  }

// kernel: kernel.19.cloned.1.call-start
scs
__scs_entry_jumppad:
0x0: {  	(pc) =	sbr.rel $0x88, $3  }
0x1: {  	(tag) =	ssettag $0x0;
	lr =	simm.s32 $0x1  }
0x2: {  	[smem:$0x3F9F] =	sst lr;
	_ =	strace $0xD0000000  }
0x3: {  	_ = 	snop  }
0x4: {  	_ = 	snop  }
0x5: {  	_ = 	snop  }
0x6: {  	_ = 	snop  }
0x7: {  	_ = 	snop  }
__scs_overlays_trampoline_lowered:
0x8: {  	[smem:$0x3FAE] =	sst s0  }
0x9: {  	[smem:$0x3FAF] =	sst s1  }
0xa: {  	[smem:$0x3FB0] =	sst s2  }
0xb: {  	[smem:$0x3FB1] =	sst s3  }
0xc: {  	[smem:$0x3FB2] =	sst s4  }
0xd: {  	[smem:$0x3FB3] =	sst s5  }
0xe: {  	[smem:$0x3FB4] =	sst s6  }
0xf: {  	[smem:$0x3FB5] =	sst s7  }
0x10: {  	[smem:$0x3FB6] =	sst s8  }
0x11: {  	[smem:$0x3FB7] =	sst s9;
	s0 =	simm.s32 @!p0 $0x0  }
0x12: {  	s1 =	sld [smem:$0x3F9D];
	s0 =	simm.s32 @p0 $0x1  }
0x13: {  	[smem:$0x3FB8] =	sst s0;
	s0 =	simm.s32 @!p1 $0x0  }
0x14: {  	s2 =	sld [smem:$0x3F9C];
	s0 =	simm.s32 @p1 $0x1  }
0x15: {  	[smem:$0x3FB9] =	sst s0;
	s0 =	simm.s32 @!p2 $0x0  }
0x16: {  	s3 =	sld [smem:$0x3FDB];
	s0 =	simm.s32 @p2 $0x1  }
0x17: {  	s4 =	simm.s32 $0x1BF5;
	[smem:$0x3FBB] =	sst s0  }
0x18: {  	s0 =	sld [smem:$0x3F9E];
	_ =	swait.ge [sflag:s4], $0x0  }
0x19: {  	s7 =	sld [smem:$0x3F9F]  }
0x1a: {  	s8 =	sadd.s32 $0xFFFFE003, lr  }
0x1b: {  	s9 =	sadd.s32 $0xFFFFFEF7, lr;
	s5 =	simm.s32 $0xFFFFFFFF;
	p2 =	slt.u32 s8, $0xFFFFF086  }
0x1c: {  	p1 =	slt.u32 s9, $0xF7A;
	s5 =	simm.s32 @!p2 $0x0  }
0x1d: {  	s5 =	simm.s32 @p1 $0x1;
	p0 =	seq.s32 s7, s2  }
0x1e: {  	s7 =	smul.u32 @!p0 $0xF7A, s2;
	p2 =	seq.s32 @!p0 s5, $0x0  }
0x1f: {  	s9 =	smul.u32 $0xF7A, s1;
	s8 =	simm.s32 @!p0 $0x1BF5;
	p2 =	por !p2, p0  }
0x20: {  	[sflag:s8] =	ssyncset.s32 @!p0 $0xFFFFF086;
	s6 =	sadd.s32 @!p0 s3, s7;
	s7 =	simm.s32 @!p0 $0x108  }
0x21: {  	s3 =	sadd.s32 s3, s9;
	s6 =	sadd.s32 @!p0 $0x88, s6;
	s7 =	simm.s32 @p2 $0x1082  }
0x22: {  	[simem:s7], [sflag:s8] =	dma.local @!p0 [hbm:s6], $0xF7A  }
0x23: {  	s9 =	sor.u32 $0xD0000000, s2;
	s6 =	simm.s32 $0x108;
	_ =	swait.ge @!p0 [sflag:s8], $0x0  }
0x24: {  	s3 =	sadd.s32 $0x88, s3;
	s6 =	simm.s32 @!p1 $0x1082;
	[sflag:s4] =	ssyncset.s32 $0xFFFFF086  }
0x25: {  	[simem:s6], [sflag:s4] =	dma.local [hbm:s3], $0xF7A  }
0x26: {  	[smem:$0x3F9F] =	sst s1;
	(tag) =	ssettag s2;
	_ =	strace s9  }
0x27: {  	s1 =	sld [smem:$0x3FAF]  }
0x28: {  	s2 =	sld [smem:$0x3FB0]  }
0x29: {  	s4 =	sld [smem:$0x3FB2]  }
0x2a: {  	p0 =	seq.s32 s5, $0x0;
	s5 =	sld [smem:$0x3FB3]  }
0x2b: {  	s6 =	sld [smem:$0x3FB4]  }
0x2c: {  	s7 =	sld [smem:$0x3FB5]  }
0x2d: {  	s3 =	simm.s32 $0x108;
	s8 =	sld [smem:$0x3FB6]  }
0x2e: {  	s3 =	simm.s32 @!p0 $0x1082;
	s9 =	sld [smem:$0x3FB7]  }
0x2f: {  	lr =	sadd.s32 s0, s3;
	s0 =	sld [smem:$0x3FAE]  }
0x30: {  	s3 =	sld [smem:$0x3FB1]  }
0x31: {  	[smem:$0x3FBA] =	sst s10  }
0x32: {  	s10 =	sld [smem:$0x3FB8];
	_ =	sdelay $0x3  }
0x33: {  	p0 =	seq.s32 s10, $0x1;
	s10 =	sld [smem:$0x3FBA];
	_ =	sdelay $0x3  }
0x34: {  	[smem:$0x3FBA] =	sst s10  }
0x35: {  	s10 =	sld [smem:$0x3FB9];
	_ =	sdelay $0x3  }
0x36: {  	p1 =	seq.s32 s10, $0x1;
	s10 =	sld [smem:$0x3FBA];
	_ =	sdelay $0x3  }
0x37: {  	[smem:$0x3FBA] =	sst s10  }
0x38: {  	s10 =	sld [smem:$0x3FBB]  }
0x39: {  	_ = 	snop;
	(pc) =	sbr.ind lr, $3  }
0x3a: {  	_ = 	snop  }
0x3b: {  	_ = 	snop  }
0x3c: {  	p2 =	seq.s32 s10, $0x1;
	s10 =	sld [smem:$0x3FBA]  }
0x3d: {  	_ =	shalt  }
0x3e: {  	_ =	shalt  }
0x3f: {  	_ =	shalt  }
0x40: {  	_ =	shalt  }
0x41: {  	_ =	shalt  }
0x42: {  	_ =	shalt  }
0x43: {  	_ =	shalt  }
0x44: {  	_ =	shalt  }
0x45: {  	_ =	shalt  }
0x46: {  	_ =	shalt  }
0x47: {  	_ =	shalt  }
0x48: {  	_ =	shalt  }
0x49: {  	_ =	shalt  }
0x4a: {  	_ =	shalt  }
0x4b: {  	_ =	shalt  }
0x4c: {  	_ =	shalt  }
0x4d: {  	_ =	shalt  }
0x4e: {  	_ =	shalt  }
0x4f: {  	_ =	shalt  }
0x50: {  	_ =	shalt  }
0x51: {  	_ =	shalt  }
0x52: {  	_ =	shalt  }
0x53: {  	_ =	shalt  }
0x54: {  	_ =	shalt  }
0x55: {  	_ =	shalt  }
0x56: {  	_ =	shalt  }
0x57: {  	_ =	shalt  }
0x58: {  	_ =	shalt  }
0x59: {  	_ =	shalt  }
0x5a: {  	_ =	shalt  }
0x5b: {  	_ =	shalt  }
0x5c: {  	_ =	shalt  }
0x5d: {  	_ =	shalt  }
0x5e: {  	_ =	shalt  }
0x5f: {  	_ =	shalt  }
0x60: {  	_ =	shalt  }
0x61: {  	_ =	shalt  }
0x62: {  	_ =	shalt  }
0x63: {  	_ =	shalt  }
0x64: {  	_ =	shalt  }
0x65: {  	_ =	shalt  }
0x66: {  	_ =	shalt  }
0x67: {  	_ =	shalt  }
0x68: {  	_ =	shalt  }
0x69: {  	_ =	shalt  }
0x6a: {  	_ =	shalt  }
0x6b: {  	_ =	shalt  }
0x6c: {  	_ =	shalt  }
0x6d: {  	_ =	shalt  }
0x6e: {  	_ =	shalt  }
0x6f: {  	_ =	shalt  }
0x70: {  	_ =	shalt  }
0x71: {  	_ =	shalt  }
0x72: {  	_ =	shalt  }
0x73: {  	_ =	shalt  }
0x74: {  	_ =	shalt  }
0x75: {  	_ =	shalt  }
0x76: {  	_ =	shalt  }
0x77: {  	_ =	shalt  }
0x78: {  	_ =	shalt  }
0x79: {  	_ =	shalt  }
0x7a: {  	_ =	shalt  }
0x7b: {  	_ =	shalt  }
0x7c: {  	_ =	shalt  }
0x7d: {  	_ =	shalt  }
0x7e: {  	_ =	shalt  }
0x7f: {  	_ =	shalt  }
0x80: {  	_ =	shalt  }
0x81: {  	_ =	shalt  }
0x82: {  	_ =	shalt  }
0x83: {  	_ =	shalt  }
0x84: {  	_ =	shalt  }
0x85: {  	_ =	shalt  }
0x86: {  	_ =	shalt  }
0x87: {  	_ =	shalt  }
.Lfunc_end0:
.L_simem_size_0:
called_computation.3_lowered:
.L_overlay_start_0:
0x88: {  	s2 =	sld [smem:$0x3FD9]  }
0x89: {  	s3 =	sld [smem:$0x3FFE];
	_ =	sdelay $0x1  }
0x8a: {  	s1 =	srdreg.scid  }
0x8b: {  	s0 =	sand.u32 $0x1, s1  }
0x8c: {  	s17 =	sshll.u32 s0, $0xA;
	s2 =	sadd.s32 s3, s2  }
0x8d: {  	s2 =	sadd.s32 s2, s17  }
0x8e: {  	[smem:$0x3FC6] =	sst s2  }
0x8f: {  	_ = 	snop  }
0x90: {  	s18 =	sld [smem:$0x3FD0];
	(tm) =	ssettm $0x1  }
0x91: {  	s19 =	sld [smem:$0x3FFB];
	_ =	sdelay $0x3  }
0x92: {  	_ =	strace s19  }
0x93: {  	s2 =	sld [smem:$0x3FFC];
	_ =	sdelay $0x3  }
0x94: {  	_ =	strace s2  }
0x95: {  	s2 =	sld [smem:$0x3FFD];
	_ =	sdelay $0x3  }
0x96: {  	_ =	strace s2  }
0x97: {  	_ =	strace $0x8FFFFFFF  }
0x98: {  	s20 =	sld [smem:$0x3FDB];
	_ =	sdelay $0x1  }
0x99: {  	s4 =	simm.s32 $_scs_section_size  }
0x9a: {  	s5 =	simm.s32 $_size__tile_overlayer_lowered;
	s6 =	simm.s32 $_tile_overlayer_lowered  }
0x9b: {  	s7 =	simm.s32 $0x1BFF;
	s21 =	sshll.u32 s6, $0x1;
	s4 =	sadd.s32 s4, s20  }
0x9c: {  	s22 =	simm.s32 $0x0;
	s5 =	sshll.u32 s5, $0x1;
	s6 =	sadd.s32 s21, s4  }
0x9d: {  	[timem:s22], [sflag:s7] =	dma.local [hbm:s6], s5  }
0x9e: {  	_ =	swait.ge [sflag:s7], s5  }
0x9f: {  	s5 =	ssub.s32 $0x0, s5;
	[sflag:s7] =	ssyncset.done $0x0  }
0xa0: {  	[sflag:s7] =	ssyncadd.s32 s5;
	_ =	sdelay $0x1  }
0xa1: {  	s23 =	simm.s32 $0x1B8B  }
0xa2: {  	_ =	swait.ge [sflag:s23], $0x1  }
0xa3: {  	[sflag:s23] =	ssyncset.done $0x0  }
0xa4: {  	[sflag:s23] =	ssyncadd.s32 $0xFFFFFFFF  }
0xa5: {  	s5 =	sld [smem:$0x0]  }
0xa6: {  	s6 =	sand.u32 $0xFFFFFFFE, s1  }
0xa7: {  	p0 =	sne.s32 s1, s6  }
0xa8: {  	s6 =	sshll.u32 @p0 s6, $0xE  }
0xa9: {  	s6 =	sadd.s32 @p0 $0x11B8D, s6;
	s7 =	sshll.u32 @p0 s5, $0x11  }
0xaa: {  	s6 =	sor.u32 @p0 s7, s6  }
0xab: {  	[sflag:s6] =	ssyncadd.remote.s32 @p0 $0x1;
	_ =	sdelay $0x1  }
0xac: {  	s6 =	simm.s32 @p0 $0x1B8D  }
0xad: {  	_ =	swait.eq @p0 [sflag:s6], $0x1  }
0xae: {  	[sflag:s6] =	ssyncadd.s32 @p0 $0xFFFFFFFF  }
0xaf: {  	s7 =	sshll.u32 @!p0 s1, $0xE  }
0xb0: {  	s7 =	sor.u32 @!p0 $0x4000, s7;
	s6 =	simm.s32 @!p0 $0x1B8D  }
0xb1: {  	s5 =	sshll.u32 @!p0 s5, $0x11;
	s7 =	sadd.s32 @!p0 $0x11B8D, s7;
	_ =	swait.eq @!p0 [sflag:s6], $0x1  }
0xb2: {  	s5 =	sor.u32 @!p0 s5, s7;
	[sflag:s6] =	ssyncadd.s32 @!p0 $0xFFFFFFFF  }
0xb3: {  	s25 =	simm.s32 $0x1B8E;
	s24 =	sld [smem:$0x3FFE];
	[sflag:s5] =	ssyncadd.remote.s32 @!p0 $0x1  }
0xb4: {  	s26 =	simm.s32 $execute0_lowered;
	[smem:$0x3FD2] =	sst s25  }
0xb5: {  	s6 =	sshll.u32 s26, $0x1;
	_ =	strace $0x8000004F;
	[dreg:$0x1] =	wrdreg $0xFFFFFFFF  }
0xb6: {  	s28 =	simm.s32 $_size_execute0_lowered;
	s4 =	sadd.s32 s4, s6;
	[dreg:$0x0] =	wrdreg $0x0  }
0xb7: {  	s6 =	sshll.u32 s28, $0x1;
	[dreg:$0x2] =	wrdreg s4  }
0xb8: {  	[dreg:$0x3] =	wrdreg s6  }
0xb9: {  	[dreg:$0x4] =	wrdreg $0xC0  }
0xba: {  	_ =	task [dreg:s22], $0x5FFFF  }
0xbb: {  	[dreg:$0x1] =	wrdreg $0xFFFFFFFF  }
0xbc: {  	[dreg:$0x0] =	wrdreg $0x60  }
0xbd: {  	[dreg:$0x2] =	wrdreg s18  }
0xbe: {  	[dreg:$0x3] =	wrdreg s24  }
0xbf: {  	[dreg:$0x4] =	wrdreg $0xC  }
0xc0: {  	_ =	task.clear_ibuf [dreg:s22], $0x5FFFF;
	_ =	strace $0x9000004F  }
0xc1: {  	s29 =	simm.s32 $0xC;
	_ =	strace $0x80000051  }
0xc2: {  	_ =	swait.ge [sflag:s29], $0x1  }
0xc3: {  	[sflag:s29] =	ssyncadd.s32 $0xFFFFFFFF  }
0xc4: {  	_ =	strace $0x90000051  }
0xc5: {  	_ =	sfence  }
0xc6: {  	s30 =	sld [smem:$0x0];
	_ =	sdelay $0x2  }
0xc7: {  	s31 =	sshll.u32 s1, $0xD;
	s1 =	sshrl.u32 s1, $0x2  }
0xc8: {  	s4 =	sand.u32 $0x4000, s31;
	s1 =	sadd.s32 s1, s30  }
0xc9: {  	s0 =	sor.u32 s4, s0;
	s1 =	sshll.u32 s1, $0x11  }
0xca: {  	s0 =	sor.u32 s1, s0  }
0xcb: {  	s0 =	sadd.s32 $0x8F2B, s0  }
0xcc: {  	[sflag:s0] =	ssyncadd.remote.s32 $0x1  }
0xcd: {  	_ =	sfence.sel $0xFFFF  }
0xce: {  	[dreg:$0x0] =	wrdreg $0xFFFFFFFF;
	(pc) =	sbr.abs _section_cstart, $3  }
0xcf: {  	[dreg:$0x1] =	wrdreg $0xFFFFFFFF  }
0xd0: {  	_ =	task.clear_ibuf [dreg:s22], $0x2FFFF;
	_ =	strace $0x9FFFFFFF  }
0xd1: {  	(tm) =	ssettm $0x7FFFFFFF  }
tec
execute0_lowered:
.L_overlay_start_1:
0x0: {  	(tag) =	ssettag $0x1  }
0x1: {  	s1 =	srdreg.scid  }
0x2: {  	s0 =	stileid.u32;
	s10 =	sand.u32 $0x1, s1  }
0x3: {  	s2 =	rddreg [dreg:$0x0];
	s29 =	sshll.u32 s0, $0x9;
	s3 =	sshll.u32 s10, $0x8  }
0x4: {  	s11 =	rddreg [dreg:$0x1];
	s12 =	sor.u32 s3, s29  }
0x5: {  	s1 =	rddreg [dreg:$0x2];
	s3 =	simm.s32 $0x0;
	s4 =	sshrl.u32 s12, $0x3  }
0x6: {  	[smem:$0x7FF] =	sst s3;
	s4 =	sadd.s32 s4, s11  }
0x7: {  	_ =	strace $0x80000050;
	s5 =	sadd.s32 $0x4A400, s4;
	s4 =	simm.s32 $0x2  }
0x8: {  	[tilespmem:s3], [sflag:$0x2] =	stream.linear.gather [hbm4b:s5+s3], $0x100, $0x38;
	[tilespmem:$0x6100] =	vst v63  }
0x9: {  	_ =	swait.ge [sflag:s4], $0x100  }
0xa: {  	[sflag:s4] =	ssyncset.done $0x0  }
0xb: {  	s6 =	simm.s32 $0x80;
	s7 =	simm.s32 $0x100;
	[sflag:s4] =	ssyncadd.s32 $0xFFFFFF00  }
0xc: {  	[tilespmem:s7], [sflag:$0x1] =	stream.indirect.gather [hbm4b:s2+s6], $0x60, s3, s6, $0xb8;
	[tilespmem:$0x6100] =	vst v63  }
0xd: {  	s8 =	simm.s32 $0x3100;
	s9 =	simm.s32 $0x1;
	s10 =	ssub.s32 $0x2, s10  }
0xe: {  	[tilespmem:s8], [sflag:$0x1] =	stream.indirect.gather [hbm4b:s2+s6], $0x60, s6, s6, $0xb8;
	[tilespmem:$0x6100] =	vst v63  }
0xf: {  	s13 =	sshrl.u32 s10, $0x1;
	_ =	swait.ge [sflag:s9], $0x3000  }
0x10: {  	s30 =	ssub.s32 s10, s13;
	[sflag:s9] =	ssyncset.done $0x0  }
0x11: {  	s12 =	smul.u32 $0xC, s12;
	s31 =	smax.u32 s30, $0x1;
	[sflag:s9] =	ssyncadd.s32 $0xFFFFD000  }
0x12: {  	p0 =	sne.s32 s31, $0x1;
	_ =	swait.ge [sflag:s9], $0x3000  }
.Ltmp0:
0x13: {  	s11 =	sadd.s32 s12, s11;
	[sflag:s9] =	ssyncset.done $0x0;
	(pc) =	sbr.rel @!p0 .LBB2_2-.Ltmp0, $4  }
0x14: {  	s10 =	sadd.s32 $0x4A800, s11;
	[sflag:s9] =	ssyncadd.s32 $0xFFFFD000  }
0x15: {  	[hbm4b:s10+s3] =	stream.linear.scatter [tilespmem:s7], [sflag:$0x2], $0x6000, $0x38;
	[tilespmem:$0x6100] =	vst v63  }
0x16: {  	_ =	swait.ge [sflag:s4], $0x6000  }
0x17: {  	s11 =	sadd.s32 $0xFFFFFFFF, s31;
	[sflag:s4] =	ssyncset.done $0x0  }
.LBB2_1:
0x18: {  	p0 =	sne.s32 s11, $0x1;
	s11 =	sadd.s32 $0xFFFFFFFF, s11;
	[sflag:s4] =	ssyncadd.s32 $0xFFFFA000  }
0x19: {  	[tilespmem:s3], [sflag:$0x2] =	stream.linear.gather [hbm4b:s5+s3], $0x100, $0x38;
	[tilespmem:$0x6100] =	vst v63  }
0x1a: {  	_ =	swait.ge [sflag:s4], $0x100  }
0x1b: {  	[sflag:s4] =	ssyncset.done $0x0  }
0x1c: {  	[sflag:s4] =	ssyncadd.s32 $0xFFFFFF00  }
0x1d: {  	[tilespmem:s7], [sflag:$0x1] =	stream.indirect.gather [hbm4b:s2+s6], $0x60, s3, s6, $0xb8;
	[tilespmem:$0x6100] =	vst v63  }
0x1e: {  	_ = 	snop  }
0x1f: {  	[tilespmem:s8], [sflag:$0x1] =	stream.indirect.gather [hbm4b:s2+s6], $0x60, s6, s6, $0xb8;
	[tilespmem:$0x6100] =	vst v63  }
0x20: {  	_ =	swait.ge [sflag:s9], $0x3000  }
0x21: {  	[sflag:s9] =	ssyncset.done $0x0  }
0x22: {  	[sflag:s9] =	ssyncadd.s32 $0xFFFFD000  }
0x23: {  	_ =	swait.ge [sflag:s9], $0x3000  }
.Ltmp1:
0x24: {  	[sflag:s9] =	ssyncset.done $0x0;
	(pc) =	sbr.rel @p0 .LBB2_1-.Ltmp1, $4  }
0x25: {  	[sflag:s9] =	ssyncadd.s32 $0xFFFFD000  }
0x26: {  	[hbm4b:s10+s3] =	stream.linear.scatter [tilespmem:s7], [sflag:$0x2], $0x6000, $0x38;
	[tilespmem:$0x6100] =	vst v63  }
0x27: {  	_ =	swait.ge [sflag:s4], $0x6000  }
0x28: {  	[sflag:s4] =	ssyncset.done $0x0  }
.LBB2_2:
0x29: {  	[sflag:s4] =	ssyncadd.s32 $0xFFFFA000  }
0x2a: {  	_ =	sfence.sel $0x180000  }
0x2b: {  	[bflag:$0x0] =	sbarrier.arrive $0xFFFF  }
0x2c: {  	p0 =	sne.s32 s0, $0x0;
	_ =	strace $0x90000050  }
0x2d: {  	s0 =	sadd.s32 @!p0 $0x100000, s1;
	[bflag:$0x2] =	sbarrier.arrive $0xFFFF  }
0x2e: {  	[sflag:s0] =	ssyncadd.tile.s32 @!p0 $0x1;
	_ =	shalt  }
.Lfunc_end2:
_tile_overlayer_lowered:
.L_overlay_start_2:
0x2f: {  	(tag) =	ssettag $0x2  }
0x30: {  	s0 =	rddreg [dreg:$0x0];
	s2 =	stileid.u32  }
0x31: {  	s1 =	rddreg [dreg:$0x1];
	p0 =	sne.s32 s2, $0x0  }
0x32: {  	s3 =	rddreg [dreg:$0x2];
	[bflag:$0x3] =	sbarrier.arrive $0xFFFF;
	s2 =	simm.s32 @!p0 $0x1C02  }
0x33: {  	[timem:s3], [sflag:s2] =	dma.local @!p0 [hbm:s0], s1  }
0x34: {  	s0 =	simm.s32 @!p0 $0x2  }
0x35: {  	_ =	swait.ge @!p0 [sflag:s0], s1  }
0x36: {  	s1 =	ssub.s32 @!p0 $0x0, s1;
	[sflag:s0] =	ssyncset.done @!p0 $0x0  }
0x37: {  	[sflag:s0] =	ssyncadd.s32 @!p0 s1  }
0x38: {  	[bflag:$0x3] =	sbarrier.arrive $0xFFFF  }
0x39: {  	_ =	shalt  }

</sc_bundles>
